<compile_context>
chip_gen: v7x
topology: tpu7x:2x2x1
jax: 0.10.2.dev20260603
libtpu: 0.0.44.dev20260713+nightly
codegen_flags: <defaults>
</compile_context>

<pallas_src>
import functools

import jax
import jax.numpy as jnp
from jax import lax
from jax.experimental import pallas as pl
from jax.experimental.pallas import tpu as pltpu
from jax.experimental.pallas import tpu_sc as plsc

EPS = 1e-12

NC = 2
NS = 16
NW = NC * NS

IROW = 128
G2 = 2
NBUF = 2


def _sc_gather(table, idx2d, n_tokens, d):
    n_rows = idx2d.shape[0]
    rows_per_tile = n_rows // NW
    chunk = G2 * IROW
    chunks = rows_per_tile // G2
    pairs = chunks // NBUF

    mesh = plsc.VectorSubcoreMesh(core_axis_name="c", subcore_axis_name="s")

    @functools.partial(
        pl.kernel,
        out_type=jax.ShapeDtypeStruct((n_tokens, d), table.dtype),
        mesh=mesh,
        scratch_types=[
            pltpu.VMEM((rows_per_tile, IROW), jnp.int32),
            pltpu.VMEM((NBUF, chunk, d), table.dtype),
            pltpu.SemaphoreType.DMA,
            pltpu.SemaphoreType.DMA,
            pltpu.SemaphoreType.DMA,
            pltpu.SemaphoreType.DMA,
        ],
    )
    def k(table_hbm, idx_hbm, out_hbm, idx_v, rows_v, g0, g1, s0, s1):
        wid = lax.axis_index("s") * NC + lax.axis_index("c")
        row0 = wid * rows_per_tile
        tok0 = row0 * IROW
        gsem = (g0, g1)
        ssem = (s0, s1)

        pltpu.sync_copy(idx_hbm.at[pl.ds(row0, rows_per_tile)], idx_v)

        def fire(c, b):
            for j in range(G2):
                pltpu.async_copy(
                    table_hbm.at[idx_v.at[c * G2 + j]],
                    rows_v.at[b].at[pl.ds(j * IROW, IROW)],
                    gsem[b],
                )

        def drain_gather(b):
            pltpu.make_async_copy(
                out_hbm.at[pl.ds(0, chunk)], rows_v.at[b], gsem[b]
            ).wait()

        def scatter(c, b):
            pltpu.async_copy(
                rows_v.at[b],
                out_hbm.at[pl.ds(tok0 + c * chunk, chunk)],
                ssem[b],
            )

        def drain_scatter(b):
            pltpu.make_async_copy(
                rows_v.at[b], out_hbm.at[pl.ds(0, chunk)], ssem[b]
            ).wait()

        fire(0, 0)

        def body(i, _):
            c0 = i * NBUF
            drain_gather(0)
            scatter(c0, 0)

            @pl.when(i > 0)
            def _():
                drain_scatter(1)

            fire(c0 + 1, 1)

            drain_gather(1)
            scatter(c0 + 1, 1)
            drain_scatter(0)

            @pl.when(i < pairs - 1)
            def _():
                fire(c0 + 2, 0)

            return ()

        lax.fori_loop(0, pairs, body, (), unroll=False)
        drain_scatter(1)

    return k(table, idx2d)


def _tc_type_ln_slab(buf, y_k, tids3_k, tt_pad, gamma2d, beta2d,
                     tb, d, n_tokens, block0):
    slab_blocks = y_k.shape[0] // tb

    def body(*refs):
        if buf is None:
            ids_ref, y_ref, tt_ref, g_ref, b_ref, o_ref = refs
        else:
            _, ids_ref, y_ref, tt_ref, g_ref, b_ref, o_ref = refs
        ids = ids_ref[0, 0, :]
        oh = (ids[:, None] == lax.broadcasted_iota(jnp.int32, (tb, d), 1))
        temb = jax.lax.dot(
            oh.astype(jnp.float32), tt_ref[...],
            precision=jax.lax.Precision.DEFAULT,
        )
        x = y_ref[...] + temb
        jn = jnp.full((d, d), 1.0 / d, jnp.float32)
        mean = jax.lax.dot(x, jn, precision=jax.lax.Precision.DEFAULT)
        c = x - mean
        var = jax.lax.dot(c * c, jn, precision=jax.lax.Precision.DEFAULT)
        r = jax.lax.rsqrt(var + EPS)
        o_ref[...] = (c * r) * g_ref[...] + b_ref[...]

    in_specs = [
        pl.BlockSpec((1, 1, tb), lambda i: (i, 0, 0)),
        pl.BlockSpec((tb, d), lambda i: (i, 0)),
        pl.BlockSpec((d, d), lambda i: (0, 0)),
        pl.BlockSpec((1, d), lambda i: (0, 0)),
        pl.BlockSpec((1, d), lambda i: (0, 0)),
    ]
    args = [tids3_k, y_k, tt_pad, gamma2d, beta2d]
    aliases = {}
    if buf is not None:
        in_specs = [pl.BlockSpec(memory_space=pl.ANY)] + in_specs
        args = [buf] + args
        aliases = {0: 0}

    return pl.pallas_call(
        body,
        grid=(slab_blocks,),
        in_specs=in_specs,
        out_specs=pl.BlockSpec((tb, d), lambda i: (block0 + i, 0)),
        out_shape=jax.ShapeDtypeStruct((n_tokens, d), jnp.float32),
        input_output_aliases=aliases,
    )(*args)


K_SLABS = 5


def kernel(input_ids, type_ids, input_table, type_table, ln_gamma, ln_beta):
    b, s = input_ids.shape
    d = input_table.shape[1]
    n_tokens = b * s
    tb = 4096

    slab = n_tokens // K_SLABS
    idx2d = input_ids.reshape(n_tokens // IROW, IROW)
    tids3 = type_ids.reshape(n_tokens // tb, 1, tb)

    tv = type_table.shape[0]
    tt_pad = jnp.zeros((d, d), jnp.float32).at[:tv].set(type_table)
    g2 = ln_gamma.reshape(1, d)
    b2 = ln_beta.reshape(1, d)

    srows = slab // IROW
    sblocks = slab // tb
    ys = [
        _sc_gather(input_table,
                   lax.slice_in_dim(idx2d, k * srows, (k + 1) * srows),
                   slab, d)
        for k in range(K_SLABS)
    ]
    buf = None
    for k in range(K_SLABS):
        buf = _tc_type_ln_slab(
            buf, ys[k],
            lax.slice_in_dim(tids3, k * sblocks, (k + 1) * sblocks),
            tt_pad, g2, b2, tb, d, n_tokens, k * sblocks,
        )
    return buf.reshape(b, s, d)

# --- scband reference (transcript-rebuilt; emitter-appended) ---
"""Pipeline reference for scband-code-emb-65841848647812 (READ-ONLY COPY).

The authoritative reference and input builder live on the scoring server;
editing this copy changes nothing except your own understanding.
"""

import jax, jax.numpy as jnp
import numpy as np

INPUT_VOCAB = 20792
TYPE_VOCAB = 75
EMBED_DIM = 128
B, S = 4096, 200
EPS = 1e-12


def setup_inputs(seed: int = 0) -> dict:
    key = jax.random.key(seed)
    k1, k2, k3, k4 = jax.random.split(key, 4)
    input_ids = jax.random.randint(k1, (B, S), 0, INPUT_VOCAB, dtype=jnp.int64 if jax.config.jax_enable_x64 else jnp.int32).astype(jnp.int32)
    type_ids = jax.random.randint(k2, (B, S), 0, TYPE_VOCAB, dtype=jnp.int32)
    input_table = jax.random.normal(k3, (INPUT_VOCAB, EMBED_DIM), dtype=jnp.float32) * 0.02
    input_table = input_table.at[0].set(0.0)  # padding_idx=0
    type_table = jax.random.normal(k4, (TYPE_VOCAB, EMBED_DIM), dtype=jnp.float32) * 0.02
    type_table = type_table.at[0].set(0.0)  # padding_idx=0
    ln_gamma = jnp.ones((EMBED_DIM,), dtype=jnp.float32)
    ln_beta = jnp.zeros((EMBED_DIM,), dtype=jnp.float32)
    return {
        "input_ids": input_ids,
        "type_ids": type_ids,
        "input_table": input_table,
        "type_table": type_table,
        "ln_gamma": ln_gamma,
        "ln_beta": ln_beta,
    }


def _layer_norm(x, gamma, beta, eps=EPS):
    mean = jnp.mean(x, axis=-1, keepdims=True)
    var = jnp.mean(jnp.square(x - mean), axis=-1, keepdims=True)
    xhat = (x - mean) / jnp.sqrt(var + eps)
    return xhat * gamma + beta


def reference(input_ids, type_ids, input_table, type_table, ln_gamma, ln_beta):
    # x = input_ids_embedding(input_ids)
    x = jnp.take(input_table, input_ids, axis=0)
    # x += type_ids_embedding(type_ids)
    x = x + jnp.take(type_table, type_ids, axis=0)
    # no mapping, no pos_encoder, no reshape ('_' not in input2emb_model)
    # dropout p=0.0 (eval) -> identity
    x = _layer_norm(x, ln_gamma, ln_beta)
    return x

if __name__ == "__main__":
    import jax
    _d = setup_inputs()
    print(jax.jit(kernel)(*tuple(_d.values())))

</pallas_src>

<mosaic_0001>
#map = affine_map<(d0, d1) -> (0, 0)>
module attributes {stable_mosaic.version = 14 : i64} {
  func.func @k(%arg0: i32, %arg1: i32, %arg2: memref<20792x128xf32, #tpu.memory_space<hbm>>, %arg3: memref<1280x128xi32, #tpu.memory_space<hbm>>, %arg4: memref<163840x128xf32, #tpu.memory_space<hbm>>, %arg5: memref<40x128xi32, #tpu.memory_space<vmem>>, %arg6: memref<2x256x128xf32, #tpu.memory_space<vmem>>, %arg7: memref<!tpu.dma_semaphore, #tpu.memory_space<semaphore_mem>>, %arg8: memref<!tpu.dma_semaphore, #tpu.memory_space<semaphore_mem>>, %arg9: memref<!tpu.dma_semaphore, #tpu.memory_space<semaphore_mem>>, %arg10: memref<!tpu.dma_semaphore, #tpu.memory_space<semaphore_mem>>) attributes {dimension_semantics = [#tpu.dimension_semantics<core_parallel>, #tpu.dimension_semantics<subcore_parallel>], iteration_bounds = array<i64: 2, 16>, scalar_prefetch = 0 : i64, scratch_operands = 6 : i64, tpu.core_type = #tpu.core_type<sc_vector_subcore>, window_params = [{transform_indices = #map}, {transform_indices = #map}, {transform_indices = #map}]} {
    %mul3A = arith.constant 2 : i32
    %mul3A_0 = arith.muli %arg1, %mul3A : i32
    %add3A = arith.addi %mul3A_0, %arg0 : i32
    %mul3A_1 = arith.constant 40 : i32
    %mul3A_2 = arith.muli %add3A, %mul3A_1 : i32
    %mul3A_3 = arith.constant 128 : i32
    %mul3A_4 = arith.muli %mul3A_2, %mul3A_3 : i32
    "tpu.region"() ({
      %run_scoped3A = tpu.sem_alloc : memref<!tpu.dma_semaphore, #tpu.memory_space<semaphore_mem>>
      %dma_start3A_52 = arith.constant 0 : i32
      %dma_start3A_53 = tpu.memref_slice %arg3[%mul3A_2, %dma_start3A_52] : memref<1280x128xi32, #tpu.memory_space<hbm>> -> memref<40x128xi32, #tpu.memory_space<hbm>>
      %dma_start3A_54 = arith.constant 0 : i32
      %dma_start3A_55 = tpu.memref_slice %arg3[%mul3A_2, %dma_start3A_54] : memref<1280x128xi32, #tpu.memory_space<hbm>> -> memref<40x128xi32, #tpu.memory_space<hbm>>
      tpu.enqueue_dma source(%dma_start3A_55 : memref<40x128xi32, #tpu.memory_space<hbm>>) target(%arg5 : memref<40x128xi32, #tpu.memory_space<vmem>>) target_semaphore(%run_scoped3A : memref<!tpu.dma_semaphore, #tpu.memory_space<semaphore_mem>>)
      %dma_wait3A_56 = arith.constant 0 : i32
      %dma_wait3A_57 = tpu.memref_slice %arg3[%mul3A_2, %dma_wait3A_56] : memref<1280x128xi32, #tpu.memory_space<hbm>> -> memref<40x128xi32, #tpu.memory_space<hbm>>
      %dma_wait3A_58 = arith.constant 0 : i32
      %dma_wait3A_59 = tpu.memref_slice %arg3[%mul3A_2, %dma_wait3A_58] : memref<1280x128xi32, #tpu.memory_space<hbm>> -> memref<40x128xi32, #tpu.memory_space<hbm>>
      tpu.wait_dma2 semaphore(%run_scoped3A : memref<!tpu.dma_semaphore, #tpu.memory_space<semaphore_mem>>) src(%dma_wait3A_59 : memref<40x128xi32, #tpu.memory_space<hbm>>) dst(%arg5 : memref<40x128xi32, #tpu.memory_space<vmem>>)
      tpu.yield
    }) : () -> ()
    %dma_start3A = arith.constant 0 : i32
    %dma_start3A_5 = arith.constant 0 : i32
    %dma_start3A_6 = arith.constant 0 : i32
    %dma_start3A_7 = arith.constant 0 : i32
    %dma_start3A_8 = tpu.memref_slice %arg6[%dma_start3A_5, %dma_start3A_6, %dma_start3A_7] : memref<2x256x128xf32, #tpu.memory_space<vmem>> -> memref<1x256x128xf32, #tpu.memory_space<vmem>>
    %dma_start3A_9 = tpu.memref_squeeze %dma_start3A_8 : memref<1x256x128xf32, #tpu.memory_space<vmem>> -> memref<256x128xf32, #tpu.memory_space<vmem>>
    %dma_start3A_10 = arith.constant 0 : i32
    %dma_start3A_11 = arith.constant 0 : i32
    %dma_start3A_12 = tpu.memref_slice %dma_start3A_9[%dma_start3A_10, %dma_start3A_11] : memref<256x128xf32, #tpu.memory_space<vmem>> -> memref<128x128xf32, #tpu.memory_space<vmem>>
    %dma_start3A_13 = arith.constant 0 : i32
    %dma_start3A_14 = tpu.memref_slice %arg5[%dma_start3A, %dma_start3A_13] : memref<40x128xi32, #tpu.memory_space<vmem>> -> memref<1x128xi32, #tpu.memory_space<vmem>>
    %dma_start3A_15 = tpu.memref_squeeze %dma_start3A_14 : memref<1x128xi32, #tpu.memory_space<vmem>> -> memref<128xi32, #tpu.memory_space<vmem>>
    %dma_start3A_16 = arith.constant 0 : i32
    %dma_start3A_17 = arith.constant 0 : i32
    %dma_start3A_18 = tpu.memref_slice %arg2[%dma_start3A_16, %dma_start3A_17] : memref<20792x128xf32, #tpu.memory_space<hbm>> -> memref<20792x128xf32, #tpu.memory_space<hbm>>
    tpu.enqueue_indirect_dma source(%dma_start3A_18 : memref<20792x128xf32, #tpu.memory_space<hbm>>) target(%dma_start3A_12 : memref<128x128xf32, #tpu.memory_space<vmem>>) offsets(%dma_start3A_15 : memref<128xi32, #tpu.memory_space<vmem>>) semaphore(%arg7 : memref<!tpu.dma_semaphore, #tpu.memory_space<semaphore_mem>>)
    %dma_start3A_19 = arith.constant 1 : i32
    %dma_start3A_20 = arith.constant 0 : i32
    %dma_start3A_21 = arith.constant 0 : i32
    %dma_start3A_22 = arith.constant 0 : i32
    %dma_start3A_23 = tpu.memref_slice %arg6[%dma_start3A_20, %dma_start3A_21, %dma_start3A_22] : memref<2x256x128xf32, #tpu.memory_space<vmem>> -> memref<1x256x128xf32, #tpu.memory_space<vmem>>
    %dma_start3A_24 = tpu.memref_squeeze %dma_start3A_23 : memref<1x256x128xf32, #tpu.memory_space<vmem>> -> memref<256x128xf32, #tpu.memory_space<vmem>>
    %dma_start3A_25 = arith.constant 128 : i32
    %dma_start3A_26 = arith.constant 0 : i32
    %dma_start3A_27 = tpu.memref_slice %dma_start3A_24[%dma_start3A_25, %dma_start3A_26] : memref<256x128xf32, #tpu.memory_space<vmem>> -> memref<128x128xf32, #tpu.memory_space<vmem>>
    %dma_start3A_28 = arith.constant 0 : i32
    %dma_start3A_29 = tpu.memref_slice %arg5[%dma_start3A_19, %dma_start3A_28] : memref<40x128xi32, #tpu.memory_space<vmem>> -> memref<1x128xi32, #tpu.memory_space<vmem>>
    %dma_start3A_30 = tpu.memref_squeeze %dma_start3A_29 : memref<1x128xi32, #tpu.memory_space<vmem>> -> memref<128xi32, #tpu.memory_space<vmem>>
    %dma_start3A_31 = arith.constant 0 : i32
    %dma_start3A_32 = arith.constant 0 : i32
    %dma_start3A_33 = tpu.memref_slice %arg2[%dma_start3A_31, %dma_start3A_32] : memref<20792x128xf32, #tpu.memory_space<hbm>> -> memref<20792x128xf32, #tpu.memory_space<hbm>>
    tpu.enqueue_indirect_dma source(%dma_start3A_33 : memref<20792x128xf32, #tpu.memory_space<hbm>>) target(%dma_start3A_27 : memref<128x128xf32, #tpu.memory_space<vmem>>) offsets(%dma_start3A_30 : memref<128xi32, #tpu.memory_space<vmem>>) semaphore(%arg7 : memref<!tpu.dma_semaphore, #tpu.memory_space<semaphore_mem>>)
    %scan3A = arith.constant 0 : i32
    %scan3A_34 = arith.constant 10 : i32
    %scan3A_35 = arith.addi %scan3A, %scan3A_34 : i32
    %scan3A_36 = arith.constant 1 : i32
    scf.for %scan3A_52 = %scan3A to %scan3A_35 step %scan3A_36  : i32 {
      %mul3A_53 = arith.constant 2 : i32
      %mul3A_54 = arith.muli %scan3A_52, %mul3A_53 : i32
      %dma_wait3A_55 = arith.constant 0 : i32
      %dma_wait3A_56 = arith.constant 0 : i32
      %dma_wait3A_57 = arith.constant 0 : i32
      %dma_wait3A_58 = tpu.memref_slice %arg6[%dma_wait3A_55, %dma_wait3A_56, %dma_wait3A_57] : memref<2x256x128xf32, #tpu.memory_space<vmem>> -> memref<1x256x128xf32, #tpu.memory_space<vmem>>
      %dma_wait3A_59 = tpu.memref_squeeze %dma_wait3A_58 : memref<1x256x128xf32, #tpu.memory_space<vmem>> -> memref<256x128xf32, #tpu.memory_space<vmem>>
      %dma_wait3A_60 = arith.constant 0 : i32
      %dma_wait3A_61 = arith.constant 0 : i32
      %dma_wait3A_62 = tpu.memref_slice %arg4[%dma_wait3A_60, %dma_wait3A_61] : memref<163840x128xf32, #tpu.memory_space<hbm>> -> memref<256x128xf32, #tpu.memory_space<hbm>>
      %dma_wait3A_63 = arith.constant 0 : i32
      %dma_wait3A_64 = arith.constant 0 : i32
      %dma_wait3A_65 = tpu.memref_slice %arg6[%dma_wait3A_55, %dma_wait3A_63, %dma_wait3A_64] : memref<2x256x128xf32, #tpu.memory_space<vmem>> -> memref<1x256x128xf32, #tpu.memory_space<vmem>>
      %dma_wait3A_66 = tpu.memref_squeeze %dma_wait3A_65 : memref<1x256x128xf32, #tpu.memory_space<vmem>> -> memref<256x128xf32, #tpu.memory_space<vmem>>
      %dma_wait3A_67 = arith.constant 0 : i32
      %dma_wait3A_68 = arith.constant 0 : i32
      %dma_wait3A_69 = tpu.memref_slice %arg4[%dma_wait3A_67, %dma_wait3A_68] : memref<163840x128xf32, #tpu.memory_space<hbm>> -> memref<256x128xf32, #tpu.memory_space<hbm>>
      tpu.wait_dma2 semaphore(%arg7 : memref<!tpu.dma_semaphore, #tpu.memory_space<semaphore_mem>>) src(%dma_wait3A_69 : memref<256x128xf32, #tpu.memory_space<hbm>>) dst(%dma_wait3A_66 : memref<256x128xf32, #tpu.memory_space<vmem>>)
      %mul3A_70 = arith.constant 256 : i32
      %mul3A_71 = arith.muli %mul3A_54, %mul3A_70 : i32
      %add3A_72 = arith.addi %mul3A_4, %mul3A_71 : i32
      %dma_start3A_73 = arith.constant 0 : i32
      %dma_start3A_74 = arith.constant 0 : i32
      %dma_start3A_75 = arith.constant 0 : i32
      %dma_start3A_76 = tpu.memref_slice %arg6[%dma_start3A_73, %dma_start3A_74, %dma_start3A_75] : memref<2x256x128xf32, #tpu.memory_space<vmem>> -> memref<1x256x128xf32, #tpu.memory_space<vmem>>
      %dma_start3A_77 = tpu.memref_squeeze %dma_start3A_76 : memref<1x256x128xf32, #tpu.memory_space<vmem>> -> memref<256x128xf32, #tpu.memory_space<vmem>>
      %dma_start3A_78 = arith.constant 0 : i32
      %dma_start3A_79 = tpu.memref_slice %arg4[%add3A_72, %dma_start3A_78] : memref<163840x128xf32, #tpu.memory_space<hbm>> -> memref<256x128xf32, #tpu.memory_space<hbm>>
      %dma_start3A_80 = arith.constant 0 : i32
      %dma_start3A_81 = tpu.memref_slice %arg4[%add3A_72, %dma_start3A_80] : memref<163840x128xf32, #tpu.memory_space<hbm>> -> memref<256x128xf32, #tpu.memory_space<hbm>>
      %dma_start3A_82 = arith.constant 0 : i32
      %dma_start3A_83 = arith.constant 0 : i32
      %dma_start3A_84 = tpu.memref_slice %arg6[%dma_start3A_73, %dma_start3A_82, %dma_start3A_83] : memref<2x256x128xf32, #tpu.memory_space<vmem>> -> memref<1x256x128xf32, #tpu.memory_space<vmem>>
      %dma_start3A_85 = tpu.memref_squeeze %dma_start3A_84 : memref<1x256x128xf32, #tpu.memory_space<vmem>> -> memref<256x128xf32, #tpu.memory_space<vmem>>
      tpu.enqueue_dma source(%dma_start3A_85 : memref<256x128xf32, #tpu.memory_space<vmem>>) target(%dma_start3A_81 : memref<256x128xf32, #tpu.memory_space<hbm>>) target_semaphore(%arg9 : memref<!tpu.dma_semaphore, #tpu.memory_space<semaphore_mem>>)
      %gt3A = arith.constant 0 : i32
      %gt3A_86 = arith.cmpi sgt, %scan3A_52, %gt3A : i32
      %convert_element_type3A = arith.extui %gt3A_86 : i1 to i32
      %cond3A = arith.constant 0 : i32
      %cond3A_87 = arith.cmpi ne, %convert_element_type3A, %cond3A : i32
      scf.if %cond3A_87 {
        %dma_wait3A_178 = arith.constant 1 : i32
        %dma_wait3A_179 = arith.constant 0 : i32
        %dma_wait3A_180 = arith.constant 0 : i32
        %dma_wait3A_181 = tpu.memref_slice %arg6[%dma_wait3A_178, %dma_wait3A_179, %dma_wait3A_180] : memref<2x256x128xf32, #tpu.memory_space<vmem>> -> memref<1x256x128xf32, #tpu.memory_space<vmem>>
        %dma_wait3A_182 = tpu.memref_squeeze %dma_wait3A_181 : memref<1x256x128xf32, #tpu.memory_space<vmem>> -> memref<256x128xf32, #tpu.memory_space<vmem>>
        %dma_wait3A_183 = arith.constant 0 : i32
        %dma_wait3A_184 = arith.constant 0 : i32
        %dma_wait3A_185 = tpu.memref_slice %arg4[%dma_wait3A_183, %dma_wait3A_184] : memref<163840x128xf32, #tpu.memory_space<hbm>> -> memref<256x128xf32, #tpu.memory_space<hbm>>
        %dma_wait3A_186 = arith.constant 0 : i32
        %dma_wait3A_187 = arith.constant 0 : i32
        %dma_wait3A_188 = tpu.memref_slice %arg4[%dma_wait3A_186, %dma_wait3A_187] : memref<163840x128xf32, #tpu.memory_space<hbm>> -> memref<256x128xf32, #tpu.memory_space<hbm>>
        %dma_wait3A_189 = arith.constant 0 : i32
        %dma_wait3A_190 = arith.constant 0 : i32
        %dma_wait3A_191 = tpu.memref_slice %arg6[%dma_wait3A_178, %dma_wait3A_189, %dma_wait3A_190] : memref<2x256x128xf32, #tpu.memory_space<vmem>> -> memref<1x256x128xf32, #tpu.memory_space<vmem>>
        %dma_wait3A_192 = tpu.memref_squeeze %dma_wait3A_191 : memref<1x256x128xf32, #tpu.memory_space<vmem>> -> memref<256x128xf32, #tpu.memory_space<vmem>>
        tpu.wait_dma2 semaphore(%arg10 : memref<!tpu.dma_semaphore, #tpu.memory_space<semaphore_mem>>) src(%dma_wait3A_192 : memref<256x128xf32, #tpu.memory_space<vmem>>) dst(%dma_wait3A_188 : memref<256x128xf32, #tpu.memory_space<hbm>>)
      } else {
      }
      %add3A_88 = arith.constant 1 : i32
      %add3A_89 = arith.addi %mul3A_54, %add3A_88 : i32
      %mul3A_90 = arith.constant 2 : i32
      %mul3A_91 = arith.muli %add3A_89, %mul3A_90 : i32
      %add3A_92 = arith.constant 0 : i32
      %add3A_93 = arith.addi %mul3A_91, %add3A_92 : i32
      %dma_start3A_94 = arith.constant 1 : i32
      %dma_start3A_95 = arith.constant 0 : i32
      %dma_start3A_96 = arith.constant 0 : i32
      %dma_start3A_97 = tpu.memref_slice %arg6[%dma_start3A_94, %dma_start3A_95, %dma_start3A_96] : memref<2x256x128xf32, #tpu.memory_space<vmem>> -> memref<1x256x128xf32, #tpu.memory_space<vmem>>
      %dma_start3A_98 = tpu.memref_squeeze %dma_start3A_97 : memref<1x256x128xf32, #tpu.memory_space<vmem>> -> memref<256x128xf32, #tpu.memory_space<vmem>>
      %dma_start3A_99 = arith.constant 0 : i32
      %dma_start3A_100 = arith.constant 0 : i32
      %dma_start3A_101 = tpu.memref_slice %dma_start3A_98[%dma_start3A_99, %dma_start3A_100] : memref<256x128xf32, #tpu.memory_space<vmem>> -> memref<128x128xf32, #tpu.memory_space<vmem>>
      %dma_start3A_102 = arith.constant 0 : i32
      %dma_start3A_103 = tpu.memref_slice %arg5[%add3A_93, %dma_start3A_102] : memref<40x128xi32, #tpu.memory_space<vmem>> -> memref<1x128xi32, #tpu.memory_space<vmem>>
      %dma_start3A_104 = tpu.memref_squeeze %dma_start3A_103 : memref<1x128xi32, #tpu.memory_space<vmem>> -> memref<128xi32, #tpu.memory_space<vmem>>
      %dma_start3A_105 = arith.constant 0 : i32
      %dma_start3A_106 = arith.constant 0 : i32
      %dma_start3A_107 = tpu.memref_slice %arg2[%dma_start3A_105, %dma_start3A_106] : memref<20792x128xf32, #tpu.memory_space<hbm>> -> memref<20792x128xf32, #tpu.memory_space<hbm>>
      tpu.enqueue_indirect_dma source(%dma_start3A_107 : memref<20792x128xf32, #tpu.memory_space<hbm>>) target(%dma_start3A_101 : memref<128x128xf32, #tpu.memory_space<vmem>>) offsets(%dma_start3A_104 : memref<128xi32, #tpu.memory_space<vmem>>) semaphore(%arg8 : memref<!tpu.dma_semaphore, #tpu.memory_space<semaphore_mem>>)
      %mul3A_108 = arith.constant 2 : i32
      %mul3A_109 = arith.muli %add3A_89, %mul3A_108 : i32
      %add3A_110 = arith.constant 1 : i32
      %add3A_111 = arith.addi %mul3A_109, %add3A_110 : i32
      %dma_start3A_112 = arith.constant 1 : i32
      %dma_start3A_113 = arith.constant 0 : i32
      %dma_start3A_114 = arith.constant 0 : i32
      %dma_start3A_115 = tpu.memref_slice %arg6[%dma_start3A_112, %dma_start3A_113, %dma_start3A_114] : memref<2x256x128xf32, #tpu.memory_space<vmem>> -> memref<1x256x128xf32, #tpu.memory_space<vmem>>
      %dma_start3A_116 = tpu.memref_squeeze %dma_start3A_115 : memref<1x256x128xf32, #tpu.memory_space<vmem>> -> memref<256x128xf32, #tpu.memory_space<vmem>>
      %dma_start3A_117 = arith.constant 128 : i32
      %dma_start3A_118 = arith.constant 0 : i32
      %dma_start3A_119 = tpu.memref_slice %dma_start3A_116[%dma_start3A_117, %dma_start3A_118] : memref<256x128xf32, #tpu.memory_space<vmem>> -> memref<128x128xf32, #tpu.memory_space<vmem>>
      %dma_start3A_120 = arith.constant 0 : i32
      %dma_start3A_121 = tpu.memref_slice %arg5[%add3A_111, %dma_start3A_120] : memref<40x128xi32, #tpu.memory_space<vmem>> -> memref<1x128xi32, #tpu.memory_space<vmem>>
      %dma_start3A_122 = tpu.memref_squeeze %dma_start3A_121 : memref<1x128xi32, #tpu.memory_space<vmem>> -> memref<128xi32, #tpu.memory_space<vmem>>
      %dma_start3A_123 = arith.constant 0 : i32
      %dma_start3A_124 = arith.constant 0 : i32
      %dma_start3A_125 = tpu.memref_slice %arg2[%dma_start3A_123, %dma_start3A_124] : memref<20792x128xf32, #tpu.memory_space<hbm>> -> memref<20792x128xf32, #tpu.memory_space<hbm>>
      tpu.enqueue_indirect_dma source(%dma_start3A_125 : memref<20792x128xf32, #tpu.memory_space<hbm>>) target(%dma_start3A_119 : memref<128x128xf32, #tpu.memory_space<vmem>>) offsets(%dma_start3A_122 : memref<128xi32, #tpu.memory_space<vmem>>) semaphore(%arg8 : memref<!tpu.dma_semaphore, #tpu.memory_space<semaphore_mem>>)
      %dma_wait3A_126 = arith.constant 1 : i32
      %dma_wait3A_127 = arith.constant 0 : i32
      %dma_wait3A_128 = arith.constant 0 : i32
      %dma_wait3A_129 = tpu.memref_slice %arg6[%dma_wait3A_126, %dma_wait3A_127, %dma_wait3A_128] : memref<2x256x128xf32, #tpu.memory_space<vmem>> -> memref<1x256x128xf32, #tpu.memory_space<vmem>>
      %dma_wait3A_130 = tpu.memref_squeeze %dma_wait3A_129 : memref<1x256x128xf32, #tpu.memory_space<vmem>> -> memref<256x128xf32, #tpu.memory_space<vmem>>
      %dma_wait3A_131 = arith.constant 0 : i32
      %dma_wait3A_132 = arith.constant 0 : i32
      %dma_wait3A_133 = tpu.memref_slice %arg4[%dma_wait3A_131, %dma_wait3A_132] : memref<163840x128xf32, #tpu.memory_space<hbm>> -> memref<256x128xf32, #tpu.memory_space<hbm>>
      %dma_wait3A_134 = arith.constant 0 : i32
      %dma_wait3A_135 = arith.constant 0 : i32
      %dma_wait3A_136 = tpu.memref_slice %arg6[%dma_wait3A_126, %dma_wait3A_134, %dma_wait3A_135] : memref<2x256x128xf32, #tpu.memory_space<vmem>> -> memref<1x256x128xf32, #tpu.memory_space<vmem>>
      %dma_wait3A_137 = tpu.memref_squeeze %dma_wait3A_136 : memref<1x256x128xf32, #tpu.memory_space<vmem>> -> memref<256x128xf32, #tpu.memory_space<vmem>>
      %dma_wait3A_138 = arith.constant 0 : i32
      %dma_wait3A_139 = arith.constant 0 : i32
      %dma_wait3A_140 = tpu.memref_slice %arg4[%dma_wait3A_138, %dma_wait3A_139] : memref<163840x128xf32, #tpu.memory_space<hbm>> -> memref<256x128xf32, #tpu.memory_space<hbm>>
      tpu.wait_dma2 semaphore(%arg8 : memref<!tpu.dma_semaphore, #tpu.memory_space<semaphore_mem>>) src(%dma_wait3A_140 : memref<256x128xf32, #tpu.memory_space<hbm>>) dst(%dma_wait3A_137 : memref<256x128xf32, #tpu.memory_space<vmem>>)
      %add3A_141 = arith.constant 1 : i32
      %add3A_142 = arith.addi %mul3A_54, %add3A_141 : i32
      %mul3A_143 = arith.constant 256 : i32
      %mul3A_144 = arith.muli %add3A_142, %mul3A_143 : i32
      %add3A_145 = arith.addi %mul3A_4, %mul3A_144 : i32
      %dma_start3A_146 = arith.constant 1 : i32
      %dma_start3A_147 = arith.constant 0 : i32
      %dma_start3A_148 = arith.constant 0 : i32
      %dma_start3A_149 = tpu.memref_slice %arg6[%dma_start3A_146, %dma_start3A_147, %dma_start3A_148] : memref<2x256x128xf32, #tpu.memory_space<vmem>> -> memref<1x256x128xf32, #tpu.memory_space<vmem>>
      %dma_start3A_150 = tpu.memref_squeeze %dma_start3A_149 : memref<1x256x128xf32, #tpu.memory_space<vmem>> -> memref<256x128xf32, #tpu.memory_space<vmem>>
      %dma_start3A_151 = arith.constant 0 : i32
      %dma_start3A_152 = tpu.memref_slice %arg4[%add3A_145, %dma_start3A_151] : memref<163840x128xf32, #tpu.memory_space<hbm>> -> memref<256x128xf32, #tpu.memory_space<hbm>>
      %dma_start3A_153 = arith.constant 0 : i32
      %dma_start3A_154 = tpu.memref_slice %arg4[%add3A_145, %dma_start3A_153] : memref<163840x128xf32, #tpu.memory_space<hbm>> -> memref<256x128xf32, #tpu.memory_space<hbm>>
      %dma_start3A_155 = arith.constant 0 : i32
      %dma_start3A_156 = arith.constant 0 : i32
      %dma_start3A_157 = tpu.memref_slice %arg6[%dma_start3A_146, %dma_start3A_155, %dma_start3A_156] : memref<2x256x128xf32, #tpu.memory_space<vmem>> -> memref<1x256x128xf32, #tpu.memory_space<vmem>>
      %dma_start3A_158 = tpu.memref_squeeze %dma_start3A_157 : memref<1x256x128xf32, #tpu.memory_space<vmem>> -> memref<256x128xf32, #tpu.memory_space<vmem>>
      tpu.enqueue_dma source(%dma_start3A_158 : memref<256x128xf32, #tpu.memory_space<vmem>>) target(%dma_start3A_154 : memref<256x128xf32, #tpu.memory_space<hbm>>) target_semaphore(%arg10 : memref<!tpu.dma_semaphore, #tpu.memory_space<semaphore_mem>>)
      %dma_wait3A_159 = arith.constant 0 : i32
      %dma_wait3A_160 = arith.constant 0 : i32
      %dma_wait3A_161 = arith.constant 0 : i32
      %dma_wait3A_162 = tpu.memref_slice %arg6[%dma_wait3A_159, %dma_wait3A_160, %dma_wait3A_161] : memref<2x256x128xf32, #tpu.memory_space<vmem>> -> memref<1x256x128xf32, #tpu.memory_space<vmem>>
      %dma_wait3A_163 = tpu.memref_squeeze %dma_wait3A_162 : memref<1x256x128xf32, #tpu.memory_space<vmem>> -> memref<256x128xf32, #tpu.memory_space<vmem>>
      %dma_wait3A_164 = arith.constant 0 : i32
      %dma_wait3A_165 = arith.constant 0 : i32
      %dma_wait3A_166 = tpu.memref_slice %arg4[%dma_wait3A_164, %dma_wait3A_165] : memref<163840x128xf32, #tpu.memory_space<hbm>> -> memref<256x128xf32, #tpu.memory_space<hbm>>
      %dma_wait3A_167 = arith.constant 0 : i32
      %dma_wait3A_168 = arith.constant 0 : i32
      %dma_wait3A_169 = tpu.memref_slice %arg4[%dma_wait3A_167, %dma_wait3A_168] : memref<163840x128xf32, #tpu.memory_space<hbm>> -> memref<256x128xf32, #tpu.memory_space<hbm>>
      %dma_wait3A_170 = arith.constant 0 : i32
      %dma_wait3A_171 = arith.constant 0 : i32
      %dma_wait3A_172 = tpu.memref_slice %arg6[%dma_wait3A_159, %dma_wait3A_170, %dma_wait3A_171] : memref<2x256x128xf32, #tpu.memory_space<vmem>> -> memref<1x256x128xf32, #tpu.memory_space<vmem>>
      %dma_wait3A_173 = tpu.memref_squeeze %dma_wait3A_172 : memref<1x256x128xf32, #tpu.memory_space<vmem>> -> memref<256x128xf32, #tpu.memory_space<vmem>>
      tpu.wait_dma2 semaphore(%arg9 : memref<!tpu.dma_semaphore, #tpu.memory_space<semaphore_mem>>) src(%dma_wait3A_173 : memref<256x128xf32, #tpu.memory_space<vmem>>) dst(%dma_wait3A_169 : memref<256x128xf32, #tpu.memory_space<hbm>>)
      %lt3A = arith.constant 9 : i32
      %lt3A_174 = arith.cmpi slt, %scan3A_52, %lt3A : i32
      %convert_element_type3A_175 = arith.extui %lt3A_174 : i1 to i32
      %cond3A_176 = arith.constant 0 : i32
      %cond3A_177 = arith.cmpi ne, %convert_element_type3A_175, %cond3A_176 : i32
      scf.if %cond3A_177 {
        %add3A_178 = arith.constant 2 : i32
        %add3A_179 = arith.addi %mul3A_54, %add3A_178 : i32
        %mul3A_180 = arith.constant 2 : i32
        %mul3A_181 = arith.muli %add3A_179, %mul3A_180 : i32
        %add3A_182 = arith.constant 0 : i32
        %add3A_183 = arith.addi %mul3A_181, %add3A_182 : i32
        %dma_start3A_184 = arith.constant 0 : i32
        %dma_start3A_185 = arith.constant 0 : i32
        %dma_start3A_186 = arith.constant 0 : i32
        %dma_start3A_187 = tpu.memref_slice %arg6[%dma_start3A_184, %dma_start3A_185, %dma_start3A_186] : memref<2x256x128xf32, #tpu.memory_space<vmem>> -> memref<1x256x128xf32, #tpu.memory_space<vmem>>
        %dma_start3A_188 = tpu.memref_squeeze %dma_start3A_187 : memref<1x256x128xf32, #tpu.memory_space<vmem>> -> memref<256x128xf32, #tpu.memory_space<vmem>>
        %dma_start3A_189 = arith.constant 0 : i32
        %dma_start3A_190 = arith.constant 0 : i32
        %dma_start3A_191 = tpu.memref_slice %dma_start3A_188[%dma_start3A_189, %dma_start3A_190] : memref<256x128xf32, #tpu.memory_space<vmem>> -> memref<128x128xf32, #tpu.memory_space<vmem>>
        %dma_start3A_192 = arith.constant 0 : i32
        %dma_start3A_193 = tpu.memref_slice %arg5[%add3A_183, %dma_start3A_192] : memref<40x128xi32, #tpu.memory_space<vmem>> -> memref<1x128xi32, #tpu.memory_space<vmem>>
        %dma_start3A_194 = tpu.memref_squeeze %dma_start3A_193 : memref<1x128xi32, #tpu.memory_space<vmem>> -> memref<128xi32, #tpu.memory_space<vmem>>
        %dma_start3A_195 = arith.constant 0 : i32
        %dma_start3A_196 = arith.constant 0 : i32
        %dma_start3A_197 = tpu.memref_slice %arg2[%dma_start3A_195, %dma_start3A_196] : memref<20792x128xf32, #tpu.memory_space<hbm>> -> memref<20792x128xf32, #tpu.memory_space<hbm>>
        tpu.enqueue_indirect_dma source(%dma_start3A_197 : memref<20792x128xf32, #tpu.memory_space<hbm>>) target(%dma_start3A_191 : memref<128x128xf32, #tpu.memory_space<vmem>>) offsets(%dma_start3A_194 : memref<128xi32, #tpu.memory_space<vmem>>) semaphore(%arg7 : memref<!tpu.dma_semaphore, #tpu.memory_space<semaphore_mem>>)
        %mul3A_198 = arith.constant 2 : i32
        %mul3A_199 = arith.muli %add3A_179, %mul3A_198 : i32
        %add3A_200 = arith.constant 1 : i32
        %add3A_201 = arith.addi %mul3A_199, %add3A_200 : i32
        %dma_start3A_202 = arith.constant 0 : i32
        %dma_start3A_203 = arith.constant 0 : i32
        %dma_start3A_204 = arith.constant 0 : i32
        %dma_start3A_205 = tpu.memref_slice %arg6[%dma_start3A_202, %dma_start3A_203, %dma_start3A_204] : memref<2x256x128xf32, #tpu.memory_space<vmem>> -> memref<1x256x128xf32, #tpu.memory_space<vmem>>
        %dma_start3A_206 = tpu.memref_squeeze %dma_start3A_205 : memref<1x256x128xf32, #tpu.memory_space<vmem>> -> memref<256x128xf32, #tpu.memory_space<vmem>>
        %dma_start3A_207 = arith.constant 128 : i32
        %dma_start3A_208 = arith.constant 0 : i32
        %dma_start3A_209 = tpu.memref_slice %dma_start3A_206[%dma_start3A_207, %dma_start3A_208] : memref<256x128xf32, #tpu.memory_space<vmem>> -> memref<128x128xf32, #tpu.memory_space<vmem>>
        %dma_start3A_210 = arith.constant 0 : i32
        %dma_start3A_211 = tpu.memref_slice %arg5[%add3A_201, %dma_start3A_210] : memref<40x128xi32, #tpu.memory_space<vmem>> -> memref<1x128xi32, #tpu.memory_space<vmem>>
        %dma_start3A_212 = tpu.memref_squeeze %dma_start3A_211 : memref<1x128xi32, #tpu.memory_space<vmem>> -> memref<128xi32, #tpu.memory_space<vmem>>
        %dma_start3A_213 = arith.constant 0 : i32
        %dma_start3A_214 = arith.constant 0 : i32
        %dma_start3A_215 = tpu.memref_slice %arg2[%dma_start3A_213, %dma_start3A_214] : memref<20792x128xf32, #tpu.memory_space<hbm>> -> memref<20792x128xf32, #tpu.memory_space<hbm>>
        tpu.enqueue_indirect_dma source(%dma_start3A_215 : memref<20792x128xf32, #tpu.memory_space<hbm>>) target(%dma_start3A_209 : memref<128x128xf32, #tpu.memory_space<vmem>>) offsets(%dma_start3A_212 : memref<128xi32, #tpu.memory_space<vmem>>) semaphore(%arg7 : memref<!tpu.dma_semaphore, #tpu.memory_space<semaphore_mem>>)
      } else {
      }
    }
    %scan3A_37 = arith.constant 10 : i32
    %dma_wait3A = arith.constant 1 : i32
    %dma_wait3A_38 = arith.constant 0 : i32
    %dma_wait3A_39 = arith.constant 0 : i32
    %dma_wait3A_40 = tpu.memref_slice %arg6[%dma_wait3A, %dma_wait3A_38, %dma_wait3A_39] : memref<2x256x128xf32, #tpu.memory_space<vmem>> -> memref<1x256x128xf32, #tpu.memory_space<vmem>>
    %dma_wait3A_41 = tpu.memref_squeeze %dma_wait3A_40 : memref<1x256x128xf32, #tpu.memory_space<vmem>> -> memref<256x128xf32, #tpu.memory_space<vmem>>
    %dma_wait3A_42 = arith.constant 0 : i32
    %dma_wait3A_43 = arith.constant 0 : i32
    %dma_wait3A_44 = tpu.memref_slice %arg4[%dma_wait3A_42, %dma_wait3A_43] : memref<163840x128xf32, #tpu.memory_space<hbm>> -> memref<256x128xf32, #tpu.memory_space<hbm>>
    %dma_wait3A_45 = arith.constant 0 : i32
    %dma_wait3A_46 = arith.constant 0 : i32
    %dma_wait3A_47 = tpu.memref_slice %arg4[%dma_wait3A_45, %dma_wait3A_46] : memref<163840x128xf32, #tpu.memory_space<hbm>> -> memref<256x128xf32, #tpu.memory_space<hbm>>
    %dma_wait3A_48 = arith.constant 0 : i32
    %dma_wait3A_49 = arith.constant 0 : i32
    %dma_wait3A_50 = tpu.memref_slice %arg6[%dma_wait3A, %dma_wait3A_48, %dma_wait3A_49] : memref<2x256x128xf32, #tpu.memory_space<vmem>> -> memref<1x256x128xf32, #tpu.memory_space<vmem>>
    %dma_wait3A_51 = tpu.memref_squeeze %dma_wait3A_50 : memref<1x256x128xf32, #tpu.memory_space<vmem>> -> memref<256x128xf32, #tpu.memory_space<vmem>>
    tpu.wait_dma2 semaphore(%arg10 : memref<!tpu.dma_semaphore, #tpu.memory_space<semaphore_mem>>) src(%dma_wait3A_51 : memref<256x128xf32, #tpu.memory_space<vmem>>) dst(%dma_wait3A_47 : memref<256x128xf32, #tpu.memory_space<hbm>>)
    return
  }
}

#map = affine_map<(d0, d1) -> (0, 0)>
module attributes {stable_mosaic.version = 14 : i64} {
  func.func @k(%arg0: i32, %arg1: i32, %arg2: memref<20792x128xf32, #tpu.memory_space<hbm>>, %arg3: memref<1280x128xi32, #tpu.memory_space<hbm>>, %arg4: memref<163840x128xf32, #tpu.memory_space<hbm>>, %arg5: memref<40x128xi32, #tpu.memory_space<vmem>>, %arg6: memref<2x256x128xf32, #tpu.memory_space<vmem>>, %arg7: memref<!tpu.dma_semaphore, #tpu.memory_space<semaphore_mem>>, %arg8: memref<!tpu.dma_semaphore, #tpu.memory_space<semaphore_mem>>, %arg9: memref<!tpu.dma_semaphore, #tpu.memory_space<semaphore_mem>>, %arg10: memref<!tpu.dma_semaphore, #tpu.memory_space<semaphore_mem>>) attributes {dimension_semantics = [#tpu.dimension_semantics<core_parallel>, #tpu.dimension_semantics<subcore_parallel>], iteration_bounds = array<i64: 2, 16>, scalar_prefetch = 0 : i64, scratch_operands = 6 : i64, tpu.core_type = #tpu.core_type<sc_vector_subcore>, window_params = [{transform_indices = #map}, {transform_indices = #map}, {transform_indices = #map}]} {
    %mul3A = arith.constant 2 : i32
    %mul3A_0 = arith.muli %arg1, %mul3A : i32
    %add3A = arith.addi %mul3A_0, %arg0 : i32
    %mul3A_1 = arith.constant 40 : i32
    %mul3A_2 = arith.muli %add3A, %mul3A_1 : i32
    %mul3A_3 = arith.constant 128 : i32
    %mul3A_4 = arith.muli %mul3A_2, %mul3A_3 : i32
    "tpu.region"() ({
      %run_scoped3A = tpu.sem_alloc : memref<!tpu.dma_semaphore, #tpu.memory_space<semaphore_mem>>
      %dma_start3A_52 = arith.constant 0 : i32
      %dma_start3A_53 = tpu.memref_slice %arg3[%mul3A_2, %dma_start3A_52] : memref<1280x128xi32, #tpu.memory_space<hbm>> -> memref<40x128xi32, #tpu.memory_space<hbm>>
      %dma_start3A_54 = arith.constant 0 : i32
      %dma_start3A_55 = tpu.memref_slice %arg3[%mul3A_2, %dma_start3A_54] : memref<1280x128xi32, #tpu.memory_space<hbm>> -> memref<40x128xi32, #tpu.memory_space<hbm>>
      tpu.enqueue_dma source(%dma_start3A_55 : memref<40x128xi32, #tpu.memory_space<hbm>>) target(%arg5 : memref<40x128xi32, #tpu.memory_space<vmem>>) target_semaphore(%run_scoped3A : memref<!tpu.dma_semaphore, #tpu.memory_space<semaphore_mem>>)
      %dma_wait3A_56 = arith.constant 0 : i32
      %dma_wait3A_57 = tpu.memref_slice %arg3[%mul3A_2, %dma_wait3A_56] : memref<1280x128xi32, #tpu.memory_space<hbm>> -> memref<40x128xi32, #tpu.memory_space<hbm>>
      %dma_wait3A_58 = arith.constant 0 : i32
      %dma_wait3A_59 = tpu.memref_slice %arg3[%mul3A_2, %dma_wait3A_58] : memref<1280x128xi32, #tpu.memory_space<hbm>> -> memref<40x128xi32, #tpu.memory_space<hbm>>
      tpu.wait_dma2 semaphore(%run_scoped3A : memref<!tpu.dma_semaphore, #tpu.memory_space<semaphore_mem>>) src(%dma_wait3A_59 : memref<40x128xi32, #tpu.memory_space<hbm>>) dst(%arg5 : memref<40x128xi32, #tpu.memory_space<vmem>>)
      tpu.yield
    }) : () -> ()
    %dma_start3A = arith.constant 0 : i32
    %dma_start3A_5 = arith.constant 0 : i32
    %dma_start3A_6 = arith.constant 0 : i32
    %dma_start3A_7 = arith.constant 0 : i32
    %dma_start3A_8 = tpu.memref_slice %arg6[%dma_start3A_5, %dma_start3A_6, %dma_start3A_7] : memref<2x256x128xf32, #tpu.memory_space<vmem>> -> memref<1x256x128xf32, #tpu.memory_space<vmem>>
    %dma_start3A_9 = tpu.memref_squeeze %dma_start3A_8 : memref<1x256x128xf32, #tpu.memory_space<vmem>> -> memref<256x128xf32, #tpu.memory_space<vmem>>
    %dma_start3A_10 = arith.constant 0 : i32
    %dma_start3A_11 = arith.constant 0 : i32
    %dma_start3A_12 = tpu.memref_slice %dma_start3A_9[%dma_start3A_10, %dma_start3A_11] : memref<256x128xf32, #tpu.memory_space<vmem>> -> memref<128x128xf32, #tpu.memory_space<vmem>>
    %dma_start3A_13 = arith.constant 0 : i32
    %dma_start3A_14 = tpu.memref_slice %arg5[%dma_start3A, %dma_start3A_13] : memref<40x128xi32, #tpu.memory_space<vmem>> -> memref<1x128xi32, #tpu.memory_space<vmem>>
    %dma_start3A_15 = tpu.memref_squeeze %dma_start3A_14 : memref<1x128xi32, #tpu.memory_space<vmem>> -> memref<128xi32, #tpu.memory_space<vmem>>
    %dma_start3A_16 = arith.constant 0 : i32
    %dma_start3A_17 = arith.constant 0 : i32
    %dma_start3A_18 = tpu.memref_slice %arg2[%dma_start3A_16, %dma_start3A_17] : memref<20792x128xf32, #tpu.memory_space<hbm>> -> memref<20792x128xf32, #tpu.memory_space<hbm>>
    tpu.enqueue_indirect_dma source(%dma_start3A_18 : memref<20792x128xf32, #tpu.memory_space<hbm>>) target(%dma_start3A_12 : memref<128x128xf32, #tpu.memory_space<vmem>>) offsets(%dma_start3A_15 : memref<128xi32, #tpu.memory_space<vmem>>) semaphore(%arg7 : memref<!tpu.dma_semaphore, #tpu.memory_space<semaphore_mem>>)
    %dma_start3A_19 = arith.constant 1 : i32
    %dma_start3A_20 = arith.constant 0 : i32
    %dma_start3A_21 = arith.constant 0 : i32
    %dma_start3A_22 = arith.constant 0 : i32
    %dma_start3A_23 = tpu.memref_slice %arg6[%dma_start3A_20, %dma_start3A_21, %dma_start3A_22] : memref<2x256x128xf32, #tpu.memory_space<vmem>> -> memref<1x256x128xf32, #tpu.memory_space<vmem>>
    %dma_start3A_24 = tpu.memref_squeeze %dma_start3A_23 : memref<1x256x128xf32, #tpu.memory_space<vmem>> -> memref<256x128xf32, #tpu.memory_space<vmem>>
    %dma_start3A_25 = arith.constant 128 : i32
    %dma_start3A_26 = arith.constant 0 : i32
    %dma_start3A_27 = tpu.memref_slice %dma_start3A_24[%dma_start3A_25, %dma_start3A_26] : memref<256x128xf32, #tpu.memory_space<vmem>> -> memref<128x128xf32, #tpu.memory_space<vmem>>
    %dma_start3A_28 = arith.constant 0 : i32
    %dma_start3A_29 = tpu.memref_slice %arg5[%dma_start3A_19, %dma_start3A_28] : memref<40x128xi32, #tpu.memory_space<vmem>> -> memref<1x128xi32, #tpu.memory_space<vmem>>
    %dma_start3A_30 = tpu.memref_squeeze %dma_start3A_29 : memref<1x128xi32, #tpu.memory_space<vmem>> -> memref<128xi32, #tpu.memory_space<vmem>>
    %dma_start3A_31 = arith.constant 0 : i32
    %dma_start3A_32 = arith.constant 0 : i32
    %dma_start3A_33 = tpu.memref_slice %arg2[%dma_start3A_31, %dma_start3A_32] : memref<20792x128xf32, #tpu.memory_space<hbm>> -> memref<20792x128xf32, #tpu.memory_space<hbm>>
    tpu.enqueue_indirect_dma source(%dma_start3A_33 : memref<20792x128xf32, #tpu.memory_space<hbm>>) target(%dma_start3A_27 : memref<128x128xf32, #tpu.memory_space<vmem>>) offsets(%dma_start3A_30 : memref<128xi32, #tpu.memory_space<vmem>>) semaphore(%arg7 : memref<!tpu.dma_semaphore, #tpu.memory_space<semaphore_mem>>)
    %scan3A = arith.constant 0 : i32
    %scan3A_34 = arith.constant 10 : i32
    %scan3A_35 = arith.addi %scan3A, %scan3A_34 : i32
    %scan3A_36 = arith.constant 1 : i32
    scf.for %scan3A_52 = %scan3A to %scan3A_35 step %scan3A_36  : i32 {
      %mul3A_53 = arith.constant 2 : i32
      %mul3A_54 = arith.muli %scan3A_52, %mul3A_53 : i32
      %dma_wait3A_55 = arith.constant 0 : i32
      %dma_wait3A_56 = arith.constant 0 : i32
      %dma_wait3A_57 = arith.constant 0 : i32
      %dma_wait3A_58 = tpu.memref_slice %arg6[%dma_wait3A_55, %dma_wait3A_56, %dma_wait3A_57] : memref<2x256x128xf32, #tpu.memory_space<vmem>> -> memref<1x256x128xf32, #tpu.memory_space<vmem>>
      %dma_wait3A_59 = tpu.memref_squeeze %dma_wait3A_58 : memref<1x256x128xf32, #tpu.memory_space<vmem>> -> memref<256x128xf32, #tpu.memory_space<vmem>>
      %dma_wait3A_60 = arith.constant 0 : i32
      %dma_wait3A_61 = arith.constant 0 : i32
      %dma_wait3A_62 = tpu.memref_slice %arg4[%dma_wait3A_60, %dma_wait3A_61] : memref<163840x128xf32, #tpu.memory_space<hbm>> -> memref<256x128xf32, #tpu.memory_space<hbm>>
      %dma_wait3A_63 = arith.constant 0 : i32
      %dma_wait3A_64 = arith.constant 0 : i32
      %dma_wait3A_65 = tpu.memref_slice %arg6[%dma_wait3A_55, %dma_wait3A_63, %dma_wait3A_64] : memref<2x256x128xf32, #tpu.memory_space<vmem>> -> memref<1x256x128xf32, #tpu.memory_space<vmem>>
      %dma_wait3A_66 = tpu.memref_squeeze %dma_wait3A_65 : memref<1x256x128xf32, #tpu.memory_space<vmem>> -> memref<256x128xf32, #tpu.memory_space<vmem>>
      %dma_wait3A_67 = arith.constant 0 : i32
      %dma_wait3A_68 = arith.constant 0 : i32
      %dma_wait3A_69 = tpu.memref_slice %arg4[%dma_wait3A_67, %dma_wait3A_68] : memref<163840x128xf32, #tpu.memory_space<hbm>> -> memref<256x128xf32, #tpu.memory_space<hbm>>
      tpu.wait_dma2 semaphore(%arg7 : memref<!tpu.dma_semaphore, #tpu.memory_space<semaphore_mem>>) src(%dma_wait3A_69 : memref<256x128xf32, #tpu.memory_space<hbm>>) dst(%dma_wait3A_66 : memref<256x128xf32, #tpu.memory_space<vmem>>)
      %mul3A_70 = arith.constant 256 : i32
      %mul3A_71 = arith.muli %mul3A_54, %mul3A_70 : i32
      %add3A_72 = arith.addi %mul3A_4, %mul3A_71 : i32
      %dma_start3A_73 = arith.constant 0 : i32
      %dma_start3A_74 = arith.constant 0 : i32
      %dma_start3A_75 = arith.constant 0 : i32
      %dma_start3A_76 = tpu.memref_slice %arg6[%dma_start3A_73, %dma_start3A_74, %dma_start3A_75] : memref<2x256x128xf32, #tpu.memory_space<vmem>> -> memref<1x256x128xf32, #tpu.memory_space<vmem>>
      %dma_start3A_77 = tpu.memref_squeeze %dma_start3A_76 : memref<1x256x128xf32, #tpu.memory_space<vmem>> -> memref<256x128xf32, #tpu.memory_space<vmem>>
      %dma_start3A_78 = arith.constant 0 : i32
      %dma_start3A_79 = tpu.memref_slice %arg4[%add3A_72, %dma_start3A_78] : memref<163840x128xf32, #tpu.memory_space<hbm>> -> memref<256x128xf32, #tpu.memory_space<hbm>>
      %dma_start3A_80 = arith.constant 0 : i32
      %dma_start3A_81 = tpu.memref_slice %arg4[%add3A_72, %dma_start3A_80] : memref<163840x128xf32, #tpu.memory_space<hbm>> -> memref<256x128xf32, #tpu.memory_space<hbm>>
      %dma_start3A_82 = arith.constant 0 : i32
      %dma_start3A_83 = arith.constant 0 : i32
      %dma_start3A_84 = tpu.memref_slice %arg6[%dma_start3A_73, %dma_start3A_82, %dma_start3A_83] : memref<2x256x128xf32, #tpu.memory_space<vmem>> -> memref<1x256x128xf32, #tpu.memory_space<vmem>>
      %dma_start3A_85 = tpu.memref_squeeze %dma_start3A_84 : memref<1x256x128xf32, #tpu.memory_space<vmem>> -> memref<256x128xf32, #tpu.memory_space<vmem>>
      tpu.enqueue_dma source(%dma_start3A_85 : memref<256x128xf32, #tpu.memory_space<vmem>>) target(%dma_start3A_81 : memref<256x128xf32, #tpu.memory_space<hbm>>) target_semaphore(%arg9 : memref<!tpu.dma_semaphore, #tpu.memory_space<semaphore_mem>>)
      %gt3A = arith.constant 0 : i32
      %gt3A_86 = arith.cmpi sgt, %scan3A_52, %gt3A : i32
      %convert_element_type3A = arith.extui %gt3A_86 : i1 to i32
      %cond3A = arith.constant 0 : i32
      %cond3A_87 = arith.cmpi ne, %convert_element_type3A, %cond3A : i32
      scf.if %cond3A_87 {
        %dma_wait3A_178 = arith.constant 1 : i32
        %dma_wait3A_179 = arith.constant 0 : i32
        %dma_wait3A_180 = arith.constant 0 : i32
        %dma_wait3A_181 = tpu.memref_slice %arg6[%dma_wait3A_178, %dma_wait3A_179, %dma_wait3A_180] : memref<2x256x128xf32, #tpu.memory_space<vmem>> -> memref<1x256x128xf32, #tpu.memory_space<vmem>>
        %dma_wait3A_182 = tpu.memref_squeeze %dma_wait3A_181 : memref<1x256x128xf32, #tpu.memory_space<vmem>> -> memref<256x128xf32, #tpu.memory_space<vmem>>
        %dma_wait3A_183 = arith.constant 0 : i32
        %dma_wait3A_184 = arith.constant 0 : i32
        %dma_wait3A_185 = tpu.memref_slice %arg4[%dma_wait3A_183, %dma_wait3A_184] : memref<163840x128xf32, #tpu.memory_space<hbm>> -> memref<256x128xf32, #tpu.memory_space<hbm>>
        %dma_wait3A_186 = arith.constant 0 : i32
        %dma_wait3A_187 = arith.constant 0 : i32
        %dma_wait3A_188 = tpu.memref_slice %arg4[%dma_wait3A_186, %dma_wait3A_187] : memref<163840x128xf32, #tpu.memory_space<hbm>> -> memref<256x128xf32, #tpu.memory_space<hbm>>
        %dma_wait3A_189 = arith.constant 0 : i32
        %dma_wait3A_190 = arith.constant 0 : i32
        %dma_wait3A_191 = tpu.memref_slice %arg6[%dma_wait3A_178, %dma_wait3A_189, %dma_wait3A_190] : memref<2x256x128xf32, #tpu.memory_space<vmem>> -> memref<1x256x128xf32, #tpu.memory_space<vmem>>
        %dma_wait3A_192 = tpu.memref_squeeze %dma_wait3A_191 : memref<1x256x128xf32, #tpu.memory_space<vmem>> -> memref<256x128xf32, #tpu.memory_space<vmem>>
        tpu.wait_dma2 semaphore(%arg10 : memref<!tpu.dma_semaphore, #tpu.memory_space<semaphore_mem>>) src(%dma_wait3A_192 : memref<256x128xf32, #tpu.memory_space<vmem>>) dst(%dma_wait3A_188 : memref<256x128xf32, #tpu.memory_space<hbm>>)
      } else {
      }
      %add3A_88 = arith.constant 1 : i32
      %add3A_89 = arith.addi %mul3A_54, %add3A_88 : i32
      %mul3A_90 = arith.constant 2 : i32
      %mul3A_91 = arith.muli %add3A_89, %mul3A_90 : i32
      %add3A_92 = arith.constant 0 : i32
      %add3A_93 = arith.addi %mul3A_91, %add3A_92 : i32
      %dma_start3A_94 = arith.constant 1 : i32
      %dma_start3A_95 = arith.constant 0 : i32
      %dma_start3A_96 = arith.constant 0 : i32
      %dma_start3A_97 = tpu.memref_slice %arg6[%dma_start3A_94, %dma_start3A_95, %dma_start3A_96] : memref<2x256x128xf32, #tpu.memory_space<vmem>> -> memref<1x256x128xf32, #tpu.memory_space<vmem>>
      %dma_start3A_98 = tpu.memref_squeeze %dma_start3A_97 : memref<1x256x128xf32, #tpu.memory_space<vmem>> -> memref<256x128xf32, #tpu.memory_space<vmem>>
      %dma_start3A_99 = arith.constant 0 : i32
      %dma_start3A_100 = arith.constant 0 : i32
      %dma_start3A_101 = tpu.memref_slice %dma_start3A_98[%dma_start3A_99, %dma_start3A_100] : memref<256x128xf32, #tpu.memory_space<vmem>> -> memref<128x128xf32, #tpu.memory_space<vmem>>
      %dma_start3A_102 = arith.constant 0 : i32
      %dma_start3A_103 = tpu.memref_slice %arg5[%add3A_93, %dma_start3A_102] : memref<40x128xi32, #tpu.memory_space<vmem>> -> memref<1x128xi32, #tpu.memory_space<vmem>>
      %dma_start3A_104 = tpu.memref_squeeze %dma_start3A_103 : memref<1x128xi32, #tpu.memory_space<vmem>> -> memref<128xi32, #tpu.memory_space<vmem>>
      %dma_start3A_105 = arith.constant 0 : i32
      %dma_start3A_106 = arith.constant 0 : i32
      %dma_start3A_107 = tpu.memref_slice %arg2[%dma_start3A_105, %dma_start3A_106] : memref<20792x128xf32, #tpu.memory_space<hbm>> -> memref<20792x128xf32, #tpu.memory_space<hbm>>
      tpu.enqueue_indirect_dma source(%dma_start3A_107 : memref<20792x128xf32, #tpu.memory_space<hbm>>) target(%dma_start3A_101 : memref<128x128xf32, #tpu.memory_space<vmem>>) offsets(%dma_start3A_104 : memref<128xi32, #tpu.memory_space<vmem>>) semaphore(%arg8 : memref<!tpu.dma_semaphore, #tpu.memory_space<semaphore_mem>>)
      %mul3A_108 = arith.constant 2 : i32
      %mul3A_109 = arith.muli %add3A_89, %mul3A_108 : i32
      %add3A_110 = arith.constant 1 : i32
      %add3A_111 = arith.addi %mul3A_109, %add3A_110 : i32
      %dma_start3A_112 = arith.constant 1 : i32
      %dma_start3A_113 = arith.constant 0 : i32
      %dma_start3A_114 = arith.constant 0 : i32
      %dma_start3A_115 = tpu.memref_slice %arg6[%dma_start3A_112, %dma_start3A_113, %dma_start3A_114] : memref<2x256x128xf32, #tpu.memory_space<vmem>> -> memref<1x256x128xf32, #tpu.memory_space<vmem>>
      %dma_start3A_116 = tpu.memref_squeeze %dma_start3A_115 : memref<1x256x128xf32, #tpu.memory_space<vmem>> -> memref<256x128xf32, #tpu.memory_space<vmem>>
      %dma_start3A_117 = arith.constant 128 : i32
      %dma_start3A_118 = arith.constant 0 : i32
      %dma_start3A_119 = tpu.memref_slice %dma_start3A_116[%dma_start3A_117, %dma_start3A_118] : memref<256x128xf32, #tpu.memory_space<vmem>> -> memref<128x128xf32, #tpu.memory_space<vmem>>
      %dma_start3A_120 = arith.constant 0 : i32
      %dma_start3A_121 = tpu.memref_slice %arg5[%add3A_111, %dma_start3A_120] : memref<40x128xi32, #tpu.memory_space<vmem>> -> memref<1x128xi32, #tpu.memory_space<vmem>>
      %dma_start3A_122 = tpu.memref_squeeze %dma_start3A_121 : memref<1x128xi32, #tpu.memory_space<vmem>> -> memref<128xi32, #tpu.memory_space<vmem>>
      %dma_start3A_123 = arith.constant 0 : i32
      %dma_start3A_124 = arith.constant 0 : i32
      %dma_start3A_125 = tpu.memref_slice %arg2[%dma_start3A_123, %dma_start3A_124] : memref<20792x128xf32, #tpu.memory_space<hbm>> -> memref<20792x128xf32, #tpu.memory_space<hbm>>
      tpu.enqueue_indirect_dma source(%dma_start3A_125 : memref<20792x128xf32, #tpu.memory_space<hbm>>) target(%dma_start3A_119 : memref<128x128xf32, #tpu.memory_space<vmem>>) offsets(%dma_start3A_122 : memref<128xi32, #tpu.memory_space<vmem>>) semaphore(%arg8 : memref<!tpu.dma_semaphore, #tpu.memory_space<semaphore_mem>>)
      %dma_wait3A_126 = arith.constant 1 : i32
      %dma_wait3A_127 = arith.constant 0 : i32
      %dma_wait3A_128 = arith.constant 0 : i32
      %dma_wait3A_129 = tpu.memref_slice %arg6[%dma_wait3A_126, %dma_wait3A_127, %dma_wait3A_128] : memref<2x256x128xf32, #tpu.memory_space<vmem>> -> memref<1x256x128xf32, #tpu.memory_space<vmem>>
      %dma_wait3A_130 = tpu.memref_squeeze %dma_wait3A_129 : memref<1x256x128xf32, #tpu.memory_space<vmem>> -> memref<256x128xf32, #tpu.memory_space<vmem>>
      %dma_wait3A_131 = arith.constant 0 : i32
      %dma_wait3A_132 = arith.constant 0 : i32
      %dma_wait3A_133 = tpu.memref_slice %arg4[%dma_wait3A_131, %dma_wait3A_132] : memref<163840x128xf32, #tpu.memory_space<hbm>> -> memref<256x128xf32, #tpu.memory_space<hbm>>
      %dma_wait3A_134 = arith.constant 0 : i32
      %dma_wait3A_135 = arith.constant 0 : i32
      %dma_wait3A_136 = tpu.memref_slice %arg6[%dma_wait3A_126, %dma_wait3A_134, %dma_wait3A_135] : memref<2x256x128xf32, #tpu.memory_space<vmem>> -> memref<1x256x128xf32, #tpu.memory_space<vmem>>
      %dma_wait3A_137 = tpu.memref_squeeze %dma_wait3A_136 : memref<1x256x128xf32, #tpu.memory_space<vmem>> -> memref<256x128xf32, #tpu.memory_space<vmem>>
      %dma_wait3A_138 = arith.constant 0 : i32
      %dma_wait3A_139 = arith.constant 0 : i32
      %dma_wait3A_140 = tpu.memref_slice %arg4[%dma_wait3A_138, %dma_wait3A_139] : memref<163840x128xf32, #tpu.memory_space<hbm>> -> memref<256x128xf32, #tpu.memory_space<hbm>>
      tpu.wait_dma2 semaphore(%arg8 : memref<!tpu.dma_semaphore, #tpu.memory_space<semaphore_mem>>) src(%dma_wait3A_140 : memref<256x128xf32, #tpu.memory_space<hbm>>) dst(%dma_wait3A_137 : memref<256x128xf32, #tpu.memory_space<vmem>>)
      %add3A_141 = arith.constant 1 : i32
      %add3A_142 = arith.addi %mul3A_54, %add3A_141 : i32
      %mul3A_143 = arith.constant 256 : i32
      %mul3A_144 = arith.muli %add3A_142, %mul3A_143 : i32
      %add3A_145 = arith.addi %mul3A_4, %mul3A_144 : i32
      %dma_start3A_146 = arith.constant 1 : i32
      %dma_start3A_147 = arith.constant 0 : i32
      %dma_start3A_148 = arith.constant 0 : i32
      %dma_start3A_149 = tpu.memref_slice %arg6[%dma_start3A_146, %dma_start3A_147, %dma_start3A_148] : memref<2x256x128xf32, #tpu.memory_space<vmem>> -> memref<1x256x128xf32, #tpu.memory_space<vmem>>
      %dma_start3A_150 = tpu.memref_squeeze %dma_start3A_149 : memref<1x256x128xf32, #tpu.memory_space<vmem>> -> memref<256x128xf32, #tpu.memory_space<vmem>>
      %dma_start3A_151 = arith.constant 0 : i32
      %dma_start3A_152 = tpu.memref_slice %arg4[%add3A_145, %dma_start3A_151] : memref<163840x128xf32, #tpu.memory_space<hbm>> -> memref<256x128xf32, #tpu.memory_space<hbm>>
      %dma_start3A_153 = arith.constant 0 : i32
      %dma_start3A_154 = tpu.memref_slice %arg4[%add3A_145, %dma_start3A_153] : memref<163840x128xf32, #tpu.memory_space<hbm>> -> memref<256x128xf32, #tpu.memory_space<hbm>>
      %dma_start3A_155 = arith.constant 0 : i32
      %dma_start3A_156 = arith.constant 0 : i32
      %dma_start3A_157 = tpu.memref_slice %arg6[%dma_start3A_146, %dma_start3A_155, %dma_start3A_156] : memref<2x256x128xf32, #tpu.memory_space<vmem>> -> memref<1x256x128xf32, #tpu.memory_space<vmem>>
      %dma_start3A_158 = tpu.memref_squeeze %dma_start3A_157 : memref<1x256x128xf32, #tpu.memory_space<vmem>> -> memref<256x128xf32, #tpu.memory_space<vmem>>
      tpu.enqueue_dma source(%dma_start3A_158 : memref<256x128xf32, #tpu.memory_space<vmem>>) target(%dma_start3A_154 : memref<256x128xf32, #tpu.memory_space<hbm>>) target_semaphore(%arg10 : memref<!tpu.dma_semaphore, #tpu.memory_space<semaphore_mem>>)
      %dma_wait3A_159 = arith.constant 0 : i32
      %dma_wait3A_160 = arith.constant 0 : i32
      %dma_wait3A_161 = arith.constant 0 : i32
      %dma_wait3A_162 = tpu.memref_slice %arg6[%dma_wait3A_159, %dma_wait3A_160, %dma_wait3A_161] : memref<2x256x128xf32, #tpu.memory_space<vmem>> -> memref<1x256x128xf32, #tpu.memory_space<vmem>>
      %dma_wait3A_163 = tpu.memref_squeeze %dma_wait3A_162 : memref<1x256x128xf32, #tpu.memory_space<vmem>> -> memref<256x128xf32, #tpu.memory_space<vmem>>
      %dma_wait3A_164 = arith.constant 0 : i32
      %dma_wait3A_165 = arith.constant 0 : i32
      %dma_wait3A_166 = tpu.memref_slice %arg4[%dma_wait3A_164, %dma_wait3A_165] : memref<163840x128xf32, #tpu.memory_space<hbm>> -> memref<256x128xf32, #tpu.memory_space<hbm>>
      %dma_wait3A_167 = arith.constant 0 : i32
      %dma_wait3A_168 = arith.constant 0 : i32
      %dma_wait3A_169 = tpu.memref_slice %arg4[%dma_wait3A_167, %dma_wait3A_168] : memref<163840x128xf32, #tpu.memory_space<hbm>> -> memref<256x128xf32, #tpu.memory_space<hbm>>
      %dma_wait3A_170 = arith.constant 0 : i32
      %dma_wait3A_171 = arith.constant 0 : i32
      %dma_wait3A_172 = tpu.memref_slice %arg6[%dma_wait3A_159, %dma_wait3A_170, %dma_wait3A_171] : memref<2x256x128xf32, #tpu.memory_space<vmem>> -> memref<1x256x128xf32, #tpu.memory_space<vmem>>
      %dma_wait3A_173 = tpu.memref_squeeze %dma_wait3A_172 : memref<1x256x128xf32, #tpu.memory_space<vmem>> -> memref<256x128xf32, #tpu.memory_space<vmem>>
      tpu.wait_dma2 semaphore(%arg9 : memref<!tpu.dma_semaphore, #tpu.memory_space<semaphore_mem>>) src(%dma_wait3A_173 : memref<256x128xf32, #tpu.memory_space<vmem>>) dst(%dma_wait3A_169 : memref<256x128xf32, #tpu.memory_space<hbm>>)
      %lt3A = arith.constant 9 : i32
      %lt3A_174 = arith.cmpi slt, %scan3A_52, %lt3A : i32
      %convert_element_type3A_175 = arith.extui %lt3A_174 : i1 to i32
      %cond3A_176 = arith.constant 0 : i32
      %cond3A_177 = arith.cmpi ne, %convert_element_type3A_175, %cond3A_176 : i32
      scf.if %cond3A_177 {
        %add3A_178 = arith.constant 2 : i32
        %add3A_179 = arith.addi %mul3A_54, %add3A_178 : i32
        %mul3A_180 = arith.constant 2 : i32
        %mul3A_181 = arith.muli %add3A_179, %mul3A_180 : i32
        %add3A_182 = arith.constant 0 : i32
        %add3A_183 = arith.addi %mul3A_181, %add3A_182 : i32
        %dma_start3A_184 = arith.constant 0 : i32
        %dma_start3A_185 = arith.constant 0 : i32
        %dma_start3A_186 = arith.constant 0 : i32
        %dma_start3A_187 = tpu.memref_slice %arg6[%dma_start3A_184, %dma_start3A_185, %dma_start3A_186] : memref<2x256x128xf32, #tpu.memory_space<vmem>> -> memref<1x256x128xf32, #tpu.memory_space<vmem>>
        %dma_start3A_188 = tpu.memref_squeeze %dma_start3A_187 : memref<1x256x128xf32, #tpu.memory_space<vmem>> -> memref<256x128xf32, #tpu.memory_space<vmem>>
        %dma_start3A_189 = arith.constant 0 : i32
        %dma_start3A_190 = arith.constant 0 : i32
        %dma_start3A_191 = tpu.memref_slice %dma_start3A_188[%dma_start3A_189, %dma_start3A_190] : memref<256x128xf32, #tpu.memory_space<vmem>> -> memref<128x128xf32, #tpu.memory_space<vmem>>
        %dma_start3A_192 = arith.constant 0 : i32
        %dma_start3A_193 = tpu.memref_slice %arg5[%add3A_183, %dma_start3A_192] : memref<40x128xi32, #tpu.memory_space<vmem>> -> memref<1x128xi32, #tpu.memory_space<vmem>>
        %dma_start3A_194 = tpu.memref_squeeze %dma_start3A_193 : memref<1x128xi32, #tpu.memory_space<vmem>> -> memref<128xi32, #tpu.memory_space<vmem>>
        %dma_start3A_195 = arith.constant 0 : i32
        %dma_start3A_196 = arith.constant 0 : i32
        %dma_start3A_197 = tpu.memref_slice %arg2[%dma_start3A_195, %dma_start3A_196] : memref<20792x128xf32, #tpu.memory_space<hbm>> -> memref<20792x128xf32, #tpu.memory_space<hbm>>
        tpu.enqueue_indirect_dma source(%dma_start3A_197 : memref<20792x128xf32, #tpu.memory_space<hbm>>) target(%dma_start3A_191 : memref<128x128xf32, #tpu.memory_space<vmem>>) offsets(%dma_start3A_194 : memref<128xi32, #tpu.memory_space<vmem>>) semaphore(%arg7 : memref<!tpu.dma_semaphore, #tpu.memory_space<semaphore_mem>>)
        %mul3A_198 = arith.constant 2 : i32
        %mul3A_199 = arith.muli %add3A_179, %mul3A_198 : i32
        %add3A_200 = arith.constant 1 : i32
        %add3A_201 = arith.addi %mul3A_199, %add3A_200 : i32
        %dma_start3A_202 = arith.constant 0 : i32
        %dma_start3A_203 = arith.constant 0 : i32
        %dma_start3A_204 = arith.constant 0 : i32
        %dma_start3A_205 = tpu.memref_slice %arg6[%dma_start3A_202, %dma_start3A_203, %dma_start3A_204] : memref<2x256x128xf32, #tpu.memory_space<vmem>> -> memref<1x256x128xf32, #tpu.memory_space<vmem>>
        %dma_start3A_206 = tpu.memref_squeeze %dma_start3A_205 : memref<1x256x128xf32, #tpu.memory_space<vmem>> -> memref<256x128xf32, #tpu.memory_space<vmem>>
        %dma_start3A_207 = arith.constant 128 : i32
        %dma_start3A_208 = arith.constant 0 : i32
        %dma_start3A_209 = tpu.memref_slice %dma_start3A_206[%dma_start3A_207, %dma_start3A_208] : memref<256x128xf32, #tpu.memory_space<vmem>> -> memref<128x128xf32, #tpu.memory_space<vmem>>
        %dma_start3A_210 = arith.constant 0 : i32
        %dma_start3A_211 = tpu.memref_slice %arg5[%add3A_201, %dma_start3A_210] : memref<40x128xi32, #tpu.memory_space<vmem>> -> memref<1x128xi32, #tpu.memory_space<vmem>>
        %dma_start3A_212 = tpu.memref_squeeze %dma_start3A_211 : memref<1x128xi32, #tpu.memory_space<vmem>> -> memref<128xi32, #tpu.memory_space<vmem>>
        %dma_start3A_213 = arith.constant 0 : i32
        %dma_start3A_214 = arith.constant 0 : i32
        %dma_start3A_215 = tpu.memref_slice %arg2[%dma_start3A_213, %dma_start3A_214] : memref<20792x128xf32, #tpu.memory_space<hbm>> -> memref<20792x128xf32, #tpu.memory_space<hbm>>
        tpu.enqueue_indirect_dma source(%dma_start3A_215 : memref<20792x128xf32, #tpu.memory_space<hbm>>) target(%dma_start3A_209 : memref<128x128xf32, #tpu.memory_space<vmem>>) offsets(%dma_start3A_212 : memref<128xi32, #tpu.memory_space<vmem>>) semaphore(%arg7 : memref<!tpu.dma_semaphore, #tpu.memory_space<semaphore_mem>>)
      } else {
      }
    }
    %scan3A_37 = arith.constant 10 : i32
    %dma_wait3A = arith.constant 1 : i32
    %dma_wait3A_38 = arith.constant 0 : i32
    %dma_wait3A_39 = arith.constant 0 : i32
    %dma_wait3A_40 = tpu.memref_slice %arg6[%dma_wait3A, %dma_wait3A_38, %dma_wait3A_39] : memref<2x256x128xf32, #tpu.memory_space<vmem>> -> memref<1x256x128xf32, #tpu.memory_space<vmem>>
    %dma_wait3A_41 = tpu.memref_squeeze %dma_wait3A_40 : memref<1x256x128xf32, #tpu.memory_space<vmem>> -> memref<256x128xf32, #tpu.memory_space<vmem>>
    %dma_wait3A_42 = arith.constant 0 : i32
    %dma_wait3A_43 = arith.constant 0 : i32
    %dma_wait3A_44 = tpu.memref_slice %arg4[%dma_wait3A_42, %dma_wait3A_43] : memref<163840x128xf32, #tpu.memory_space<hbm>> -> memref<256x128xf32, #tpu.memory_space<hbm>>
    %dma_wait3A_45 = arith.constant 0 : i32
    %dma_wait3A_46 = arith.constant 0 : i32
    %dma_wait3A_47 = tpu.memref_slice %arg4[%dma_wait3A_45, %dma_wait3A_46] : memref<163840x128xf32, #tpu.memory_space<hbm>> -> memref<256x128xf32, #tpu.memory_space<hbm>>
    %dma_wait3A_48 = arith.constant 0 : i32
    %dma_wait3A_49 = arith.constant 0 : i32
    %dma_wait3A_50 = tpu.memref_slice %arg6[%dma_wait3A, %dma_wait3A_48, %dma_wait3A_49] : memref<2x256x128xf32, #tpu.memory_space<vmem>> -> memref<1x256x128xf32, #tpu.memory_space<vmem>>
    %dma_wait3A_51 = tpu.memref_squeeze %dma_wait3A_50 : memref<1x256x128xf32, #tpu.memory_space<vmem>> -> memref<256x128xf32, #tpu.memory_space<vmem>>
    tpu.wait_dma2 semaphore(%arg10 : memref<!tpu.dma_semaphore, #tpu.memory_space<semaphore_mem>>) src(%dma_wait3A_51 : memref<256x128xf32, #tpu.memory_space<vmem>>) dst(%dma_wait3A_47 : memref<256x128xf32, #tpu.memory_space<hbm>>)
    return
  }
}

#map = affine_map<(d0, d1) -> (0, 0)>
module attributes {stable_mosaic.version = 14 : i64} {
  func.func @k(%arg0: i32, %arg1: i32, %arg2: memref<20792x128xf32, #tpu.memory_space<hbm>>, %arg3: memref<1280x128xi32, #tpu.memory_space<hbm>>, %arg4: memref<163840x128xf32, #tpu.memory_space<hbm>>, %arg5: memref<40x128xi32, #tpu.memory_space<vmem>>, %arg6: memref<2x256x128xf32, #tpu.memory_space<vmem>>, %arg7: memref<!tpu.dma_semaphore, #tpu.memory_space<semaphore_mem>>, %arg8: memref<!tpu.dma_semaphore, #tpu.memory_space<semaphore_mem>>, %arg9: memref<!tpu.dma_semaphore, #tpu.memory_space<semaphore_mem>>, %arg10: memref<!tpu.dma_semaphore, #tpu.memory_space<semaphore_mem>>) attributes {dimension_semantics = [#tpu.dimension_semantics<core_parallel>, #tpu.dimension_semantics<subcore_parallel>], iteration_bounds = array<i64: 2, 16>, scalar_prefetch = 0 : i64, scratch_operands = 6 : i64, tpu.core_type = #tpu.core_type<sc_vector_subcore>, window_params = [{transform_indices = #map}, {transform_indices = #map}, {transform_indices = #map}]} {
    %mul3A = arith.constant 2 : i32
    %mul3A_0 = arith.muli %arg1, %mul3A : i32
    %add3A = arith.addi %mul3A_0, %arg0 : i32
    %mul3A_1 = arith.constant 40 : i32
    %mul3A_2 = arith.muli %add3A, %mul3A_1 : i32
    %mul3A_3 = arith.constant 128 : i32
    %mul3A_4 = arith.muli %mul3A_2, %mul3A_3 : i32
    "tpu.region"() ({
      %run_scoped3A = tpu.sem_alloc : memref<!tpu.dma_semaphore, #tpu.memory_space<semaphore_mem>>
      %dma_start3A_52 = arith.constant 0 : i32
      %dma_start3A_53 = tpu.memref_slice %arg3[%mul3A_2, %dma_start3A_52] : memref<1280x128xi32, #tpu.memory_space<hbm>> -> memref<40x128xi32, #tpu.memory_space<hbm>>
      %dma_start3A_54 = arith.constant 0 : i32
      %dma_start3A_55 = tpu.memref_slice %arg3[%mul3A_2, %dma_start3A_54] : memref<1280x128xi32, #tpu.memory_space<hbm>> -> memref<40x128xi32, #tpu.memory_space<hbm>>
      tpu.enqueue_dma source(%dma_start3A_55 : memref<40x128xi32, #tpu.memory_space<hbm>>) target(%arg5 : memref<40x128xi32, #tpu.memory_space<vmem>>) target_semaphore(%run_scoped3A : memref<!tpu.dma_semaphore, #tpu.memory_space<semaphore_mem>>)
      %dma_wait3A_56 = arith.constant 0 : i32
      %dma_wait3A_57 = tpu.memref_slice %arg3[%mul3A_2, %dma_wait3A_56] : memref<1280x128xi32, #tpu.memory_space<hbm>> -> memref<40x128xi32, #tpu.memory_space<hbm>>
      %dma_wait3A_58 = arith.constant 0 : i32
      %dma_wait3A_59 = tpu.memref_slice %arg3[%mul3A_2, %dma_wait3A_58] : memref<1280x128xi32, #tpu.memory_space<hbm>> -> memref<40x128xi32, #tpu.memory_space<hbm>>
      tpu.wait_dma2 semaphore(%run_scoped3A : memref<!tpu.dma_semaphore, #tpu.memory_space<semaphore_mem>>) src(%dma_wait3A_59 : memref<40x128xi32, #tpu.memory_space<hbm>>) dst(%arg5 : memref<40x128xi32, #tpu.memory_space<vmem>>)
      tpu.yield
    }) : () -> ()
    %dma_start3A = arith.constant 0 : i32
    %dma_start3A_5 = arith.constant 0 : i32
    %dma_start3A_6 = arith.constant 0 : i32
    %dma_start3A_7 = arith.constant 0 : i32
    %dma_start3A_8 = tpu.memref_slice %arg6[%dma_start3A_5, %dma_start3A_6, %dma_start3A_7] : memref<2x256x128xf32, #tpu.memory_space<vmem>> -> memref<1x256x128xf32, #tpu.memory_space<vmem>>
    %dma_start3A_9 = tpu.memref_squeeze %dma_start3A_8 : memref<1x256x128xf32, #tpu.memory_space<vmem>> -> memref<256x128xf32, #tpu.memory_space<vmem>>
    %dma_start3A_10 = arith.constant 0 : i32
    %dma_start3A_11 = arith.constant 0 : i32
    %dma_start3A_12 = tpu.memref_slice %dma_start3A_9[%dma_start3A_10, %dma_start3A_11] : memref<256x128xf32, #tpu.memory_space<vmem>> -> memref<128x128xf32, #tpu.memory_space<vmem>>
    %dma_start3A_13 = arith.constant 0 : i32
    %dma_start3A_14 = tpu.memref_slice %arg5[%dma_start3A, %dma_start3A_13] : memref<40x128xi32, #tpu.memory_space<vmem>> -> memref<1x128xi32, #tpu.memory_space<vmem>>
    %dma_start3A_15 = tpu.memref_squeeze %dma_start3A_14 : memref<1x128xi32, #tpu.memory_space<vmem>> -> memref<128xi32, #tpu.memory_space<vmem>>
    %dma_start3A_16 = arith.constant 0 : i32
    %dma_start3A_17 = arith.constant 0 : i32
    %dma_start3A_18 = tpu.memref_slice %arg2[%dma_start3A_16, %dma_start3A_17] : memref<20792x128xf32, #tpu.memory_space<hbm>> -> memref<20792x128xf32, #tpu.memory_space<hbm>>
    tpu.enqueue_indirect_dma source(%dma_start3A_18 : memref<20792x128xf32, #tpu.memory_space<hbm>>) target(%dma_start3A_12 : memref<128x128xf32, #tpu.memory_space<vmem>>) offsets(%dma_start3A_15 : memref<128xi32, #tpu.memory_space<vmem>>) semaphore(%arg7 : memref<!tpu.dma_semaphore, #tpu.memory_space<semaphore_mem>>)
    %dma_start3A_19 = arith.constant 1 : i32
    %dma_start3A_20 = arith.constant 0 : i32
    %dma_start3A_21 = arith.constant 0 : i32
    %dma_start3A_22 = arith.constant 0 : i32
    %dma_start3A_23 = tpu.memref_slice %arg6[%dma_start3A_20, %dma_start3A_21, %dma_start3A_22] : memref<2x256x128xf32, #tpu.memory_space<vmem>> -> memref<1x256x128xf32, #tpu.memory_space<vmem>>
    %dma_start3A_24 = tpu.memref_squeeze %dma_start3A_23 : memref<1x256x128xf32, #tpu.memory_space<vmem>> -> memref<256x128xf32, #tpu.memory_space<vmem>>
    %dma_start3A_25 = arith.constant 128 : i32
    %dma_start3A_26 = arith.constant 0 : i32
    %dma_start3A_27 = tpu.memref_slice %dma_start3A_24[%dma_start3A_25, %dma_start3A_26] : memref<256x128xf32, #tpu.memory_space<vmem>> -> memref<128x128xf32, #tpu.memory_space<vmem>>
    %dma_start3A_28 = arith.constant 0 : i32
    %dma_start3A_29 = tpu.memref_slice %arg5[%dma_start3A_19, %dma_start3A_28] : memref<40x128xi32, #tpu.memory_space<vmem>> -> memref<1x128xi32, #tpu.memory_space<vmem>>
    %dma_start3A_30 = tpu.memref_squeeze %dma_start3A_29 : memref<1x128xi32, #tpu.memory_space<vmem>> -> memref<128xi32, #tpu.memory_space<vmem>>
    %dma_start3A_31 = arith.constant 0 : i32
    %dma_start3A_32 = arith.constant 0 : i32
    %dma_start3A_33 = tpu.memref_slice %arg2[%dma_start3A_31, %dma_start3A_32] : memref<20792x128xf32, #tpu.memory_space<hbm>> -> memref<20792x128xf32, #tpu.memory_space<hbm>>
    tpu.enqueue_indirect_dma source(%dma_start3A_33 : memref<20792x128xf32, #tpu.memory_space<hbm>>) target(%dma_start3A_27 : memref<128x128xf32, #tpu.memory_space<vmem>>) offsets(%dma_start3A_30 : memref<128xi32, #tpu.memory_space<vmem>>) semaphore(%arg7 : memref<!tpu.dma_semaphore, #tpu.memory_space<semaphore_mem>>)
    %scan3A = arith.constant 0 : i32
    %scan3A_34 = arith.constant 10 : i32
    %scan3A_35 = arith.addi %scan3A, %scan3A_34 : i32
    %scan3A_36 = arith.constant 1 : i32
    scf.for %scan3A_52 = %scan3A to %scan3A_35 step %scan3A_36  : i32 {
      %mul3A_53 = arith.constant 2 : i32
      %mul3A_54 = arith.muli %scan3A_52, %mul3A_53 : i32
      %dma_wait3A_55 = arith.constant 0 : i32
      %dma_wait3A_56 = arith.constant 0 : i32
      %dma_wait3A_57 = arith.constant 0 : i32
      %dma_wait3A_58 = tpu.memref_slice %arg6[%dma_wait3A_55, %dma_wait3A_56, %dma_wait3A_57] : memref<2x256x128xf32, #tpu.memory_space<vmem>> -> memref<1x256x128xf32, #tpu.memory_space<vmem>>
      %dma_wait3A_59 = tpu.memref_squeeze %dma_wait3A_58 : memref<1x256x128xf32, #tpu.memory_space<vmem>> -> memref<256x128xf32, #tpu.memory_space<vmem>>
      %dma_wait3A_60 = arith.constant 0 : i32
      %dma_wait3A_61 = arith.constant 0 : i32
      %dma_wait3A_62 = tpu.memref_slice %arg4[%dma_wait3A_60, %dma_wait3A_61] : memref<163840x128xf32, #tpu.memory_space<hbm>> -> memref<256x128xf32, #tpu.memory_space<hbm>>
      %dma_wait3A_63 = arith.constant 0 : i32
      %dma_wait3A_64 = arith.constant 0 : i32
      %dma_wait3A_65 = tpu.memref_slice %arg6[%dma_wait3A_55, %dma_wait3A_63, %dma_wait3A_64] : memref<2x256x128xf32, #tpu.memory_space<vmem>> -> memref<1x256x128xf32, #tpu.memory_space<vmem>>
      %dma_wait3A_66 = tpu.memref_squeeze %dma_wait3A_65 : memref<1x256x128xf32, #tpu.memory_space<vmem>> -> memref<256x128xf32, #tpu.memory_space<vmem>>
      %dma_wait3A_67 = arith.constant 0 : i32
      %dma_wait3A_68 = arith.constant 0 : i32
      %dma_wait3A_69 = tpu.memref_slice %arg4[%dma_wait3A_67, %dma_wait3A_68] : memref<163840x128xf32, #tpu.memory_space<hbm>> -> memref<256x128xf32, #tpu.memory_space<hbm>>
      tpu.wait_dma2 semaphore(%arg7 : memref<!tpu.dma_semaphore, #tpu.memory_space<semaphore_mem>>) src(%dma_wait3A_69 : memref<256x128xf32, #tpu.memory_space<hbm>>) dst(%dma_wait3A_66 : memref<256x128xf32, #tpu.memory_space<vmem>>)
      %mul3A_70 = arith.constant 256 : i32
      %mul3A_71 = arith.muli %mul3A_54, %mul3A_70 : i32
      %add3A_72 = arith.addi %mul3A_4, %mul3A_71 : i32
      %dma_start3A_73 = arith.constant 0 : i32
      %dma_start3A_74 = arith.constant 0 : i32
      %dma_start3A_75 = arith.constant 0 : i32
      %dma_start3A_76 = tpu.memref_slice %arg6[%dma_start3A_73, %dma_start3A_74, %dma_start3A_75] : memref<2x256x128xf32, #tpu.memory_space<vmem>> -> memref<1x256x128xf32, #tpu.memory_space<vmem>>
      %dma_start3A_77 = tpu.memref_squeeze %dma_start3A_76 : memref<1x256x128xf32, #tpu.memory_space<vmem>> -> memref<256x128xf32, #tpu.memory_space<vmem>>
      %dma_start3A_78 = arith.constant 0 : i32
      %dma_start3A_79 = tpu.memref_slice %arg4[%add3A_72, %dma_start3A_78] : memref<163840x128xf32, #tpu.memory_space<hbm>> -> memref<256x128xf32, #tpu.memory_space<hbm>>
      %dma_start3A_80 = arith.constant 0 : i32
      %dma_start3A_81 = tpu.memref_slice %arg4[%add3A_72, %dma_start3A_80] : memref<163840x128xf32, #tpu.memory_space<hbm>> -> memref<256x128xf32, #tpu.memory_space<hbm>>
      %dma_start3A_82 = arith.constant 0 : i32
      %dma_start3A_83 = arith.constant 0 : i32
      %dma_start3A_84 = tpu.memref_slice %arg6[%dma_start3A_73, %dma_start3A_82, %dma_start3A_83] : memref<2x256x128xf32, #tpu.memory_space<vmem>> -> memref<1x256x128xf32, #tpu.memory_space<vmem>>
      %dma_start3A_85 = tpu.memref_squeeze %dma_start3A_84 : memref<1x256x128xf32, #tpu.memory_space<vmem>> -> memref<256x128xf32, #tpu.memory_space<vmem>>
      tpu.enqueue_dma source(%dma_start3A_85 : memref<256x128xf32, #tpu.memory_space<vmem>>) target(%dma_start3A_81 : memref<256x128xf32, #tpu.memory_space<hbm>>) target_semaphore(%arg9 : memref<!tpu.dma_semaphore, #tpu.memory_space<semaphore_mem>>)
      %gt3A = arith.constant 0 : i32
      %gt3A_86 = arith.cmpi sgt, %scan3A_52, %gt3A : i32
      %convert_element_type3A = arith.extui %gt3A_86 : i1 to i32
      %cond3A = arith.constant 0 : i32
      %cond3A_87 = arith.cmpi ne, %convert_element_type3A, %cond3A : i32
      scf.if %cond3A_87 {
        %dma_wait3A_178 = arith.constant 1 : i32
        %dma_wait3A_179 = arith.constant 0 : i32
        %dma_wait3A_180 = arith.constant 0 : i32
        %dma_wait3A_181 = tpu.memref_slice %arg6[%dma_wait3A_178, %dma_wait3A_179, %dma_wait3A_180] : memref<2x256x128xf32, #tpu.memory_space<vmem>> -> memref<1x256x128xf32, #tpu.memory_space<vmem>>
        %dma_wait3A_182 = tpu.memref_squeeze %dma_wait3A_181 : memref<1x256x128xf32, #tpu.memory_space<vmem>> -> memref<256x128xf32, #tpu.memory_space<vmem>>
        %dma_wait3A_183 = arith.constant 0 : i32
        %dma_wait3A_184 = arith.constant 0 : i32
        %dma_wait3A_185 = tpu.memref_slice %arg4[%dma_wait3A_183, %dma_wait3A_184] : memref<163840x128xf32, #tpu.memory_space<hbm>> -> memref<256x128xf32, #tpu.memory_space<hbm>>
        %dma_wait3A_186 = arith.constant 0 : i32
        %dma_wait3A_187 = arith.constant 0 : i32
        %dma_wait3A_188 = tpu.memref_slice %arg4[%dma_wait3A_186, %dma_wait3A_187] : memref<163840x128xf32, #tpu.memory_space<hbm>> -> memref<256x128xf32, #tpu.memory_space<hbm>>
        %dma_wait3A_189 = arith.constant 0 : i32
        %dma_wait3A_190 = arith.constant 0 : i32
        %dma_wait3A_191 = tpu.memref_slice %arg6[%dma_wait3A_178, %dma_wait3A_189, %dma_wait3A_190] : memref<2x256x128xf32, #tpu.memory_space<vmem>> -> memref<1x256x128xf32, #tpu.memory_space<vmem>>
        %dma_wait3A_192 = tpu.memref_squeeze %dma_wait3A_191 : memref<1x256x128xf32, #tpu.memory_space<vmem>> -> memref<256x128xf32, #tpu.memory_space<vmem>>
        tpu.wait_dma2 semaphore(%arg10 : memref<!tpu.dma_semaphore, #tpu.memory_space<semaphore_mem>>) src(%dma_wait3A_192 : memref<256x128xf32, #tpu.memory_space<vmem>>) dst(%dma_wait3A_188 : memref<256x128xf32, #tpu.memory_space<hbm>>)
      } else {
      }
      %add3A_88 = arith.constant 1 : i32
      %add3A_89 = arith.addi %mul3A_54, %add3A_88 : i32
      %mul3A_90 = arith.constant 2 : i32
      %mul3A_91 = arith.muli %add3A_89, %mul3A_90 : i32
      %add3A_92 = arith.constant 0 : i32
      %add3A_93 = arith.addi %mul3A_91, %add3A_92 : i32
      %dma_start3A_94 = arith.constant 1 : i32
      %dma_start3A_95 = arith.constant 0 : i32
      %dma_start3A_96 = arith.constant 0 : i32
      %dma_start3A_97 = tpu.memref_slice %arg6[%dma_start3A_94, %dma_start3A_95, %dma_start3A_96] : memref<2x256x128xf32, #tpu.memory_space<vmem>> -> memref<1x256x128xf32, #tpu.memory_space<vmem>>
      %dma_start3A_98 = tpu.memref_squeeze %dma_start3A_97 : memref<1x256x128xf32, #tpu.memory_space<vmem>> -> memref<256x128xf32, #tpu.memory_space<vmem>>
      %dma_start3A_99 = arith.constant 0 : i32
      %dma_start3A_100 = arith.constant 0 : i32
      %dma_start3A_101 = tpu.memref_slice %dma_start3A_98[%dma_start3A_99, %dma_start3A_100] : memref<256x128xf32, #tpu.memory_space<vmem>> -> memref<128x128xf32, #tpu.memory_space<vmem>>
      %dma_start3A_102 = arith.constant 0 : i32
      %dma_start3A_103 = tpu.memref_slice %arg5[%add3A_93, %dma_start3A_102] : memref<40x128xi32, #tpu.memory_space<vmem>> -> memref<1x128xi32, #tpu.memory_space<vmem>>
      %dma_start3A_104 = tpu.memref_squeeze %dma_start3A_103 : memref<1x128xi32, #tpu.memory_space<vmem>> -> memref<128xi32, #tpu.memory_space<vmem>>
      %dma_start3A_105 = arith.constant 0 : i32
      %dma_start3A_106 = arith.constant 0 : i32
      %dma_start3A_107 = tpu.memref_slice %arg2[%dma_start3A_105, %dma_start3A_106] : memref<20792x128xf32, #tpu.memory_space<hbm>> -> memref<20792x128xf32, #tpu.memory_space<hbm>>
      tpu.enqueue_indirect_dma source(%dma_start3A_107 : memref<20792x128xf32, #tpu.memory_space<hbm>>) target(%dma_start3A_101 : memref<128x128xf32, #tpu.memory_space<vmem>>) offsets(%dma_start3A_104 : memref<128xi32, #tpu.memory_space<vmem>>) semaphore(%arg8 : memref<!tpu.dma_semaphore, #tpu.memory_space<semaphore_mem>>)
      %mul3A_108 = arith.constant 2 : i32
      %mul3A_109 = arith.muli %add3A_89, %mul3A_108 : i32
      %add3A_110 = arith.constant 1 : i32
      %add3A_111 = arith.addi %mul3A_109, %add3A_110 : i32
      %dma_start3A_112 = arith.constant 1 : i32
      %dma_start3A_113 = arith.constant 0 : i32
      %dma_start3A_114 = arith.constant 0 : i32
      %dma_start3A_115 = tpu.memref_slice %arg6[%dma_start3A_112, %dma_start3A_113, %dma_start3A_114] : memref<2x256x128xf32, #tpu.memory_space<vmem>> -> memref<1x256x128xf32, #tpu.memory_space<vmem>>
      %dma_start3A_116 = tpu.memref_squeeze %dma_start3A_115 : memref<1x256x128xf32, #tpu.memory_space<vmem>> -> memref<256x128xf32, #tpu.memory_space<vmem>>
      %dma_start3A_117 = arith.constant 128 : i32
      %dma_start3A_118 = arith.constant 0 : i32
      %dma_start3A_119 = tpu.memref_slice %dma_start3A_116[%dma_start3A_117, %dma_start3A_118] : memref<256x128xf32, #tpu.memory_space<vmem>> -> memref<128x128xf32, #tpu.memory_space<vmem>>
      %dma_start3A_120 = arith.constant 0 : i32
      %dma_start3A_121 = tpu.memref_slice %arg5[%add3A_111, %dma_start3A_120] : memref<40x128xi32, #tpu.memory_space<vmem>> -> memref<1x128xi32, #tpu.memory_space<vmem>>
      %dma_start3A_122 = tpu.memref_squeeze %dma_start3A_121 : memref<1x128xi32, #tpu.memory_space<vmem>> -> memref<128xi32, #tpu.memory_space<vmem>>
      %dma_start3A_123 = arith.constant 0 : i32
      %dma_start3A_124 = arith.constant 0 : i32
      %dma_start3A_125 = tpu.memref_slice %arg2[%dma_start3A_123, %dma_start3A_124] : memref<20792x128xf32, #tpu.memory_space<hbm>> -> memref<20792x128xf32, #tpu.memory_space<hbm>>
      tpu.enqueue_indirect_dma source(%dma_start3A_125 : memref<20792x128xf32, #tpu.memory_space<hbm>>) target(%dma_start3A_119 : memref<128x128xf32, #tpu.memory_space<vmem>>) offsets(%dma_start3A_122 : memref<128xi32, #tpu.memory_space<vmem>>) semaphore(%arg8 : memref<!tpu.dma_semaphore, #tpu.memory_space<semaphore_mem>>)
      %dma_wait3A_126 = arith.constant 1 : i32
      %dma_wait3A_127 = arith.constant 0 : i32
      %dma_wait3A_128 = arith.constant 0 : i32
      %dma_wait3A_129 = tpu.memref_slice %arg6[%dma_wait3A_126, %dma_wait3A_127, %dma_wait3A_128] : memref<2x256x128xf32, #tpu.memory_space<vmem>> -> memref<1x256x128xf32, #tpu.memory_space<vmem>>
      %dma_wait3A_130 = tpu.memref_squeeze %dma_wait3A_129 : memref<1x256x128xf32, #tpu.memory_space<vmem>> -> memref<256x128xf32, #tpu.memory_space<vmem>>
      %dma_wait3A_131 = arith.constant 0 : i32
      %dma_wait3A_132 = arith.constant 0 : i32
      %dma_wait3A_133 = tpu.memref_slice %arg4[%dma_wait3A_131, %dma_wait3A_132] : memref<163840x128xf32, #tpu.memory_space<hbm>> -> memref<256x128xf32, #tpu.memory_space<hbm>>
      %dma_wait3A_134 = arith.constant 0 : i32
      %dma_wait3A_135 = arith.constant 0 : i32
      %dma_wait3A_136 = tpu.memref_slice %arg6[%dma_wait3A_126, %dma_wait3A_134, %dma_wait3A_135] : memref<2x256x128xf32, #tpu.memory_space<vmem>> -> memref<1x256x128xf32, #tpu.memory_space<vmem>>
      %dma_wait3A_137 = tpu.memref_squeeze %dma_wait3A_136 : memref<1x256x128xf32, #tpu.memory_space<vmem>> -> memref<256x128xf32, #tpu.memory_space<vmem>>
      %dma_wait3A_138 = arith.constant 0 : i32
      %dma_wait3A_139 = arith.constant 0 : i32
      %dma_wait3A_140 = tpu.memref_slice %arg4[%dma_wait3A_138, %dma_wait3A_139] : memref<163840x128xf32, #tpu.memory_space<hbm>> -> memref<256x128xf32, #tpu.memory_space<hbm>>
      tpu.wait_dma2 semaphore(%arg8 : memref<!tpu.dma_semaphore, #tpu.memory_space<semaphore_mem>>) src(%dma_wait3A_140 : memref<256x128xf32, #tpu.memory_space<hbm>>) dst(%dma_wait3A_137 : memref<256x128xf32, #tpu.memory_space<vmem>>)
      %add3A_141 = arith.constant 1 : i32
      %add3A_142 = arith.addi %mul3A_54, %add3A_141 : i32
      %mul3A_143 = arith.constant 256 : i32
      %mul3A_144 = arith.muli %add3A_142, %mul3A_143 : i32
      %add3A_145 = arith.addi %mul3A_4, %mul3A_144 : i32
      %dma_start3A_146 = arith.constant 1 : i32
      %dma_start3A_147 = arith.constant 0 : i32
      %dma_start3A_148 = arith.constant 0 : i32
      %dma_start3A_149 = tpu.memref_slice %arg6[%dma_start3A_146, %dma_start3A_147, %dma_start3A_148] : memref<2x256x128xf32, #tpu.memory_space<vmem>> -> memref<1x256x128xf32, #tpu.memory_space<vmem>>
      %dma_start3A_150 = tpu.memref_squeeze %dma_start3A_149 : memref<1x256x128xf32, #tpu.memory_space<vmem>> -> memref<256x128xf32, #tpu.memory_space<vmem>>
      %dma_start3A_151 = arith.constant 0 : i32
      %dma_start3A_152 = tpu.memref_slice %arg4[%add3A_145, %dma_start3A_151] : memref<163840x128xf32, #tpu.memory_space<hbm>> -> memref<256x128xf32, #tpu.memory_space<hbm>>
      %dma_start3A_153 = arith.constant 0 : i32
      %dma_start3A_154 = tpu.memref_slice %arg4[%add3A_145, %dma_start3A_153] : memref<163840x128xf32, #tpu.memory_space<hbm>> -> memref<256x128xf32, #tpu.memory_space<hbm>>
      %dma_start3A_155 = arith.constant 0 : i32
      %dma_start3A_156 = arith.constant 0 : i32
      %dma_start3A_157 = tpu.memref_slice %arg6[%dma_start3A_146, %dma_start3A_155, %dma_start3A_156] : memref<2x256x128xf32, #tpu.memory_space<vmem>> -> memref<1x256x128xf32, #tpu.memory_space<vmem>>
      %dma_start3A_158 = tpu.memref_squeeze %dma_start3A_157 : memref<1x256x128xf32, #tpu.memory_space<vmem>> -> memref<256x128xf32, #tpu.memory_space<vmem>>
      tpu.enqueue_dma source(%dma_start3A_158 : memref<256x128xf32, #tpu.memory_space<vmem>>) target(%dma_start3A_154 : memref<256x128xf32, #tpu.memory_space<hbm>>) target_semaphore(%arg10 : memref<!tpu.dma_semaphore, #tpu.memory_space<semaphore_mem>>)
      %dma_wait3A_159 = arith.constant 0 : i32
      %dma_wait3A_160 = arith.constant 0 : i32
      %dma_wait3A_161 = arith.constant 0 : i32
      %dma_wait3A_162 = tpu.memref_slice %arg6[%dma_wait3A_159, %dma_wait3A_160, %dma_wait3A_161] : memref<2x256x128xf32, #tpu.memory_space<vmem>> -> memref<1x256x128xf32, #tpu.memory_space<vmem>>
      %dma_wait3A_163 = tpu.memref_squeeze %dma_wait3A_162 : memref<1x256x128xf32, #tpu.memory_space<vmem>> -> memref<256x128xf32, #tpu.memory_space<vmem>>
      %dma_wait3A_164 = arith.constant 0 : i32
      %dma_wait3A_165 = arith.constant 0 : i32
      %dma_wait3A_166 = tpu.memref_slice %arg4[%dma_wait3A_164, %dma_wait3A_165] : memref<163840x128xf32, #tpu.memory_space<hbm>> -> memref<256x128xf32, #tpu.memory_space<hbm>>
      %dma_wait3A_167 = arith.constant 0 : i32
      %dma_wait3A_168 = arith.constant 0 : i32
      %dma_wait3A_169 = tpu.memref_slice %arg4[%dma_wait3A_167, %dma_wait3A_168] : memref<163840x128xf32, #tpu.memory_space<hbm>> -> memref<256x128xf32, #tpu.memory_space<hbm>>
      %dma_wait3A_170 = arith.constant 0 : i32
      %dma_wait3A_171 = arith.constant 0 : i32
      %dma_wait3A_172 = tpu.memref_slice %arg6[%dma_wait3A_159, %dma_wait3A_170, %dma_wait3A_171] : memref<2x256x128xf32, #tpu.memory_space<vmem>> -> memref<1x256x128xf32, #tpu.memory_space<vmem>>
      %dma_wait3A_173 = tpu.memref_squeeze %dma_wait3A_172 : memref<1x256x128xf32, #tpu.memory_space<vmem>> -> memref<256x128xf32, #tpu.memory_space<vmem>>
      tpu.wait_dma2 semaphore(%arg9 : memref<!tpu.dma_semaphore, #tpu.memory_space<semaphore_mem>>) src(%dma_wait3A_173 : memref<256x128xf32, #tpu.memory_space<vmem>>) dst(%dma_wait3A_169 : memref<256x128xf32, #tpu.memory_space<hbm>>)
      %lt3A = arith.constant 9 : i32
      %lt3A_174 = arith.cmpi slt, %scan3A_52, %lt3A : i32
      %convert_element_type3A_175 = arith.extui %lt3A_174 : i1 to i32
      %cond3A_176 = arith.constant 0 : i32
      %cond3A_177 = arith.cmpi ne, %convert_element_type3A_175, %cond3A_176 : i32
      scf.if %cond3A_177 {
        %add3A_178 = arith.constant 2 : i32
        %add3A_179 = arith.addi %mul3A_54, %add3A_178 : i32
        %mul3A_180 = arith.constant 2 : i32
        %mul3A_181 = arith.muli %add3A_179, %mul3A_180 : i32
        %add3A_182 = arith.constant 0 : i32
        %add3A_183 = arith.addi %mul3A_181, %add3A_182 : i32
        %dma_start3A_184 = arith.constant 0 : i32
        %dma_start3A_185 = arith.constant 0 : i32
        %dma_start3A_186 = arith.constant 0 : i32
        %dma_start3A_187 = tpu.memref_slice %arg6[%dma_start3A_184, %dma_start3A_185, %dma_start3A_186] : memref<2x256x128xf32, #tpu.memory_space<vmem>> -> memref<1x256x128xf32, #tpu.memory_space<vmem>>
        %dma_start3A_188 = tpu.memref_squeeze %dma_start3A_187 : memref<1x256x128xf32, #tpu.memory_space<vmem>> -> memref<256x128xf32, #tpu.memory_space<vmem>>
        %dma_start3A_189 = arith.constant 0 : i32
        %dma_start3A_190 = arith.constant 0 : i32
        %dma_start3A_191 = tpu.memref_slice %dma_start3A_188[%dma_start3A_189, %dma_start3A_190] : memref<256x128xf32, #tpu.memory_space<vmem>> -> memref<128x128xf32, #tpu.memory_space<vmem>>
        %dma_start3A_192 = arith.constant 0 : i32
        %dma_start3A_193 = tpu.memref_slice %arg5[%add3A_183, %dma_start3A_192] : memref<40x128xi32, #tpu.memory_space<vmem>> -> memref<1x128xi32, #tpu.memory_space<vmem>>
        %dma_start3A_194 = tpu.memref_squeeze %dma_start3A_193 : memref<1x128xi32, #tpu.memory_space<vmem>> -> memref<128xi32, #tpu.memory_space<vmem>>
        %dma_start3A_195 = arith.constant 0 : i32
        %dma_start3A_196 = arith.constant 0 : i32
        %dma_start3A_197 = tpu.memref_slice %arg2[%dma_start3A_195, %dma_start3A_196] : memref<20792x128xf32, #tpu.memory_space<hbm>> -> memref<20792x128xf32, #tpu.memory_space<hbm>>
        tpu.enqueue_indirect_dma source(%dma_start3A_197 : memref<20792x128xf32, #tpu.memory_space<hbm>>) target(%dma_start3A_191 : memref<128x128xf32, #tpu.memory_space<vmem>>) offsets(%dma_start3A_194 : memref<128xi32, #tpu.memory_space<vmem>>) semaphore(%arg7 : memref<!tpu.dma_semaphore, #tpu.memory_space<semaphore_mem>>)
        %mul3A_198 = arith.constant 2 : i32
        %mul3A_199 = arith.muli %add3A_179, %mul3A_198 : i32
        %add3A_200 = arith.constant 1 : i32
        %add3A_201 = arith.addi %mul3A_199, %add3A_200 : i32
        %dma_start3A_202 = arith.constant 0 : i32
        %dma_start3A_203 = arith.constant 0 : i32
        %dma_start3A_204 = arith.constant 0 : i32
        %dma_start3A_205 = tpu.memref_slice %arg6[%dma_start3A_202, %dma_start3A_203, %dma_start3A_204] : memref<2x256x128xf32, #tpu.memory_space<vmem>> -> memref<1x256x128xf32, #tpu.memory_space<vmem>>
        %dma_start3A_206 = tpu.memref_squeeze %dma_start3A_205 : memref<1x256x128xf32, #tpu.memory_space<vmem>> -> memref<256x128xf32, #tpu.memory_space<vmem>>
        %dma_start3A_207 = arith.constant 128 : i32
        %dma_start3A_208 = arith.constant 0 : i32
        %dma_start3A_209 = tpu.memref_slice %dma_start3A_206[%dma_start3A_207, %dma_start3A_208] : memref<256x128xf32, #tpu.memory_space<vmem>> -> memref<128x128xf32, #tpu.memory_space<vmem>>
        %dma_start3A_210 = arith.constant 0 : i32
        %dma_start3A_211 = tpu.memref_slice %arg5[%add3A_201, %dma_start3A_210] : memref<40x128xi32, #tpu.memory_space<vmem>> -> memref<1x128xi32, #tpu.memory_space<vmem>>
        %dma_start3A_212 = tpu.memref_squeeze %dma_start3A_211 : memref<1x128xi32, #tpu.memory_space<vmem>> -> memref<128xi32, #tpu.memory_space<vmem>>
        %dma_start3A_213 = arith.constant 0 : i32
        %dma_start3A_214 = arith.constant 0 : i32
        %dma_start3A_215 = tpu.memref_slice %arg2[%dma_start3A_213, %dma_start3A_214] : memref<20792x128xf32, #tpu.memory_space<hbm>> -> memref<20792x128xf32, #tpu.memory_space<hbm>>
        tpu.enqueue_indirect_dma source(%dma_start3A_215 : memref<20792x128xf32, #tpu.memory_space<hbm>>) target(%dma_start3A_209 : memref<128x128xf32, #tpu.memory_space<vmem>>) offsets(%dma_start3A_212 : memref<128xi32, #tpu.memory_space<vmem>>) semaphore(%arg7 : memref<!tpu.dma_semaphore, #tpu.memory_space<semaphore_mem>>)
      } else {
      }
    }
    %scan3A_37 = arith.constant 10 : i32
    %dma_wait3A = arith.constant 1 : i32
    %dma_wait3A_38 = arith.constant 0 : i32
    %dma_wait3A_39 = arith.constant 0 : i32
    %dma_wait3A_40 = tpu.memref_slice %arg6[%dma_wait3A, %dma_wait3A_38, %dma_wait3A_39] : memref<2x256x128xf32, #tpu.memory_space<vmem>> -> memref<1x256x128xf32, #tpu.memory_space<vmem>>
    %dma_wait3A_41 = tpu.memref_squeeze %dma_wait3A_40 : memref<1x256x128xf32, #tpu.memory_space<vmem>> -> memref<256x128xf32, #tpu.memory_space<vmem>>
    %dma_wait3A_42 = arith.constant 0 : i32
    %dma_wait3A_43 = arith.constant 0 : i32
    %dma_wait3A_44 = tpu.memref_slice %arg4[%dma_wait3A_42, %dma_wait3A_43] : memref<163840x128xf32, #tpu.memory_space<hbm>> -> memref<256x128xf32, #tpu.memory_space<hbm>>
    %dma_wait3A_45 = arith.constant 0 : i32
    %dma_wait3A_46 = arith.constant 0 : i32
    %dma_wait3A_47 = tpu.memref_slice %arg4[%dma_wait3A_45, %dma_wait3A_46] : memref<163840x128xf32, #tpu.memory_space<hbm>> -> memref<256x128xf32, #tpu.memory_space<hbm>>
    %dma_wait3A_48 = arith.constant 0 : i32
    %dma_wait3A_49 = arith.constant 0 : i32
    %dma_wait3A_50 = tpu.memref_slice %arg6[%dma_wait3A, %dma_wait3A_48, %dma_wait3A_49] : memref<2x256x128xf32, #tpu.memory_space<vmem>> -> memref<1x256x128xf32, #tpu.memory_space<vmem>>
    %dma_wait3A_51 = tpu.memref_squeeze %dma_wait3A_50 : memref<1x256x128xf32, #tpu.memory_space<vmem>> -> memref<256x128xf32, #tpu.memory_space<vmem>>
    tpu.wait_dma2 semaphore(%arg10 : memref<!tpu.dma_semaphore, #tpu.memory_space<semaphore_mem>>) src(%dma_wait3A_51 : memref<256x128xf32, #tpu.memory_space<vmem>>) dst(%dma_wait3A_47 : memref<256x128xf32, #tpu.memory_space<hbm>>)
    return
  }
}

#map = affine_map<(d0, d1) -> (0, 0)>
module attributes {stable_mosaic.version = 14 : i64} {
  func.func @k(%arg0: i32, %arg1: i32, %arg2: memref<20792x128xf32, #tpu.memory_space<hbm>>, %arg3: memref<1280x128xi32, #tpu.memory_space<hbm>>, %arg4: memref<163840x128xf32, #tpu.memory_space<hbm>>, %arg5: memref<40x128xi32, #tpu.memory_space<vmem>>, %arg6: memref<2x256x128xf32, #tpu.memory_space<vmem>>, %arg7: memref<!tpu.dma_semaphore, #tpu.memory_space<semaphore_mem>>, %arg8: memref<!tpu.dma_semaphore, #tpu.memory_space<semaphore_mem>>, %arg9: memref<!tpu.dma_semaphore, #tpu.memory_space<semaphore_mem>>, %arg10: memref<!tpu.dma_semaphore, #tpu.memory_space<semaphore_mem>>) attributes {dimension_semantics = [#tpu.dimension_semantics<core_parallel>, #tpu.dimension_semantics<subcore_parallel>], iteration_bounds = array<i64: 2, 16>, scalar_prefetch = 0 : i64, scratch_operands = 6 : i64, tpu.core_type = #tpu.core_type<sc_vector_subcore>, window_params = [{transform_indices = #map}, {transform_indices = #map}, {transform_indices = #map}]} {
    %mul3A = arith.constant 2 : i32
    %mul3A_0 = arith.muli %arg1, %mul3A : i32
    %add3A = arith.addi %mul3A_0, %arg0 : i32
    %mul3A_1 = arith.constant 40 : i32
    %mul3A_2 = arith.muli %add3A, %mul3A_1 : i32
    %mul3A_3 = arith.constant 128 : i32
    %mul3A_4 = arith.muli %mul3A_2, %mul3A_3 : i32
    "tpu.region"() ({
      %run_scoped3A = tpu.sem_alloc : memref<!tpu.dma_semaphore, #tpu.memory_space<semaphore_mem>>
      %dma_start3A_52 = arith.constant 0 : i32
      %dma_start3A_53 = tpu.memref_slice %arg3[%mul3A_2, %dma_start3A_52] : memref<1280x128xi32, #tpu.memory_space<hbm>> -> memref<40x128xi32, #tpu.memory_space<hbm>>
      %dma_start3A_54 = arith.constant 0 : i32
      %dma_start3A_55 = tpu.memref_slice %arg3[%mul3A_2, %dma_start3A_54] : memref<1280x128xi32, #tpu.memory_space<hbm>> -> memref<40x128xi32, #tpu.memory_space<hbm>>
      tpu.enqueue_dma source(%dma_start3A_55 : memref<40x128xi32, #tpu.memory_space<hbm>>) target(%arg5 : memref<40x128xi32, #tpu.memory_space<vmem>>) target_semaphore(%run_scoped3A : memref<!tpu.dma_semaphore, #tpu.memory_space<semaphore_mem>>)
      %dma_wait3A_56 = arith.constant 0 : i32
      %dma_wait3A_57 = tpu.memref_slice %arg3[%mul3A_2, %dma_wait3A_56] : memref<1280x128xi32, #tpu.memory_space<hbm>> -> memref<40x128xi32, #tpu.memory_space<hbm>>
      %dma_wait3A_58 = arith.constant 0 : i32
      %dma_wait3A_59 = tpu.memref_slice %arg3[%mul3A_2, %dma_wait3A_58] : memref<1280x128xi32, #tpu.memory_space<hbm>> -> memref<40x128xi32, #tpu.memory_space<hbm>>
      tpu.wait_dma2 semaphore(%run_scoped3A : memref<!tpu.dma_semaphore, #tpu.memory_space<semaphore_mem>>) src(%dma_wait3A_59 : memref<40x128xi32, #tpu.memory_space<hbm>>) dst(%arg5 : memref<40x128xi32, #tpu.memory_space<vmem>>)
      tpu.yield
    }) : () -> ()
    %dma_start3A = arith.constant 0 : i32
    %dma_start3A_5 = arith.constant 0 : i32
    %dma_start3A_6 = arith.constant 0 : i32
    %dma_start3A_7 = arith.constant 0 : i32
    %dma_start3A_8 = tpu.memref_slice %arg6[%dma_start3A_5, %dma_start3A_6, %dma_start3A_7] : memref<2x256x128xf32, #tpu.memory_space<vmem>> -> memref<1x256x128xf32, #tpu.memory_space<vmem>>
    %dma_start3A_9 = tpu.memref_squeeze %dma_start3A_8 : memref<1x256x128xf32, #tpu.memory_space<vmem>> -> memref<256x128xf32, #tpu.memory_space<vmem>>
    %dma_start3A_10 = arith.constant 0 : i32
    %dma_start3A_11 = arith.constant 0 : i32
    %dma_start3A_12 = tpu.memref_slice %dma_start3A_9[%dma_start3A_10, %dma_start3A_11] : memref<256x128xf32, #tpu.memory_space<vmem>> -> memref<128x128xf32, #tpu.memory_space<vmem>>
    %dma_start3A_13 = arith.constant 0 : i32
    %dma_start3A_14 = tpu.memref_slice %arg5[%dma_start3A, %dma_start3A_13] : memref<40x128xi32, #tpu.memory_space<vmem>> -> memref<1x128xi32, #tpu.memory_space<vmem>>
    %dma_start3A_15 = tpu.memref_squeeze %dma_start3A_14 : memref<1x128xi32, #tpu.memory_space<vmem>> -> memref<128xi32, #tpu.memory_space<vmem>>
    %dma_start3A_16 = arith.constant 0 : i32
    %dma_start3A_17 = arith.constant 0 : i32
    %dma_start3A_18 = tpu.memref_slice %arg2[%dma_start3A_16, %dma_start3A_17] : memref<20792x128xf32, #tpu.memory_space<hbm>> -> memref<20792x128xf32, #tpu.memory_space<hbm>>
    tpu.enqueue_indirect_dma source(%dma_start3A_18 : memref<20792x128xf32, #tpu.memory_space<hbm>>) target(%dma_start3A_12 : memref<128x128xf32, #tpu.memory_space<vmem>>) offsets(%dma_start3A_15 : memref<128xi32, #tpu.memory_space<vmem>>) semaphore(%arg7 : memref<!tpu.dma_semaphore, #tpu.memory_space<semaphore_mem>>)
    %dma_start3A_19 = arith.constant 1 : i32
    %dma_start3A_20 = arith.constant 0 : i32
    %dma_start3A_21 = arith.constant 0 : i32
    %dma_start3A_22 = arith.constant 0 : i32
    %dma_start3A_23 = tpu.memref_slice %arg6[%dma_start3A_20, %dma_start3A_21, %dma_start3A_22] : memref<2x256x128xf32, #tpu.memory_space<vmem>> -> memref<1x256x128xf32, #tpu.memory_space<vmem>>
    %dma_start3A_24 = tpu.memref_squeeze %dma_start3A_23 : memref<1x256x128xf32, #tpu.memory_space<vmem>> -> memref<256x128xf32, #tpu.memory_space<vmem>>
    %dma_start3A_25 = arith.constant 128 : i32
    %dma_start3A_26 = arith.constant 0 : i32
    %dma_start3A_27 = tpu.memref_slice %dma_start3A_24[%dma_start3A_25, %dma_start3A_26] : memref<256x128xf32, #tpu.memory_space<vmem>> -> memref<128x128xf32, #tpu.memory_space<vmem>>
    %dma_start3A_28 = arith.constant 0 : i32
    %dma_start3A_29 = tpu.memref_slice %arg5[%dma_start3A_19, %dma_start3A_28] : memref<40x128xi32, #tpu.memory_space<vmem>> -> memref<1x128xi32, #tpu.memory_space<vmem>>
    %dma_start3A_30 = tpu.memref_squeeze %dma_start3A_29 : memref<1x128xi32, #tpu.memory_space<vmem>> -> memref<128xi32, #tpu.memory_space<vmem>>
    %dma_start3A_31 = arith.constant 0 : i32
    %dma_start3A_32 = arith.constant 0 : i32
    %dma_start3A_33 = tpu.memref_slice %arg2[%dma_start3A_31, %dma_start3A_32] : memref<20792x128xf32, #tpu.memory_space<hbm>> -> memref<20792x128xf32, #tpu.memory_space<hbm>>
    tpu.enqueue_indirect_dma source(%dma_start3A_33 : memref<20792x128xf32, #tpu.memory_space<hbm>>) target(%dma_start3A_27 : memref<128x128xf32, #tpu.memory_space<vmem>>) offsets(%dma_start3A_30 : memref<128xi32, #tpu.memory_space<vmem>>) semaphore(%arg7 : memref<!tpu.dma_semaphore, #tpu.memory_space<semaphore_mem>>)
    %scan3A = arith.constant 0 : i32
    %scan3A_34 = arith.constant 10 : i32
    %scan3A_35 = arith.addi %scan3A, %scan3A_34 : i32
    %scan3A_36 = arith.constant 1 : i32
    scf.for %scan3A_52 = %scan3A to %scan3A_35 step %scan3A_36  : i32 {
      %mul3A_53 = arith.constant 2 : i32
      %mul3A_54 = arith.muli %scan3A_52, %mul3A_53 : i32
      %dma_wait3A_55 = arith.constant 0 : i32
      %dma_wait3A_56 = arith.constant 0 : i32
      %dma_wait3A_57 = arith.constant 0 : i32
      %dma_wait3A_58 = tpu.memref_slice %arg6[%dma_wait3A_55, %dma_wait3A_56, %dma_wait3A_57] : memref<2x256x128xf32, #tpu.memory_space<vmem>> -> memref<1x256x128xf32, #tpu.memory_space<vmem>>
      %dma_wait3A_59 = tpu.memref_squeeze %dma_wait3A_58 : memref<1x256x128xf32, #tpu.memory_space<vmem>> -> memref<256x128xf32, #tpu.memory_space<vmem>>
      %dma_wait3A_60 = arith.constant 0 : i32
      %dma_wait3A_61 = arith.constant 0 : i32
      %dma_wait3A_62 = tpu.memref_slice %arg4[%dma_wait3A_60, %dma_wait3A_61] : memref<163840x128xf32, #tpu.memory_space<hbm>> -> memref<256x128xf32, #tpu.memory_space<hbm>>
      %dma_wait3A_63 = arith.constant 0 : i32
      %dma_wait3A_64 = arith.constant 0 : i32
      %dma_wait3A_65 = tpu.memref_slice %arg6[%dma_wait3A_55, %dma_wait3A_63, %dma_wait3A_64] : memref<2x256x128xf32, #tpu.memory_space<vmem>> -> memref<1x256x128xf32, #tpu.memory_space<vmem>>
      %dma_wait3A_66 = tpu.memref_squeeze %dma_wait3A_65 : memref<1x256x128xf32, #tpu.memory_space<vmem>> -> memref<256x128xf32, #tpu.memory_space<vmem>>
      %dma_wait3A_67 = arith.constant 0 : i32
      %dma_wait3A_68 = arith.constant 0 : i32
      %dma_wait3A_69 = tpu.memref_slice %arg4[%dma_wait3A_67, %dma_wait3A_68] : memref<163840x128xf32, #tpu.memory_space<hbm>> -> memref<256x128xf32, #tpu.memory_space<hbm>>
      tpu.wait_dma2 semaphore(%arg7 : memref<!tpu.dma_semaphore, #tpu.memory_space<semaphore_mem>>) src(%dma_wait3A_69 : memref<256x128xf32, #tpu.memory_space<hbm>>) dst(%dma_wait3A_66 : memref<256x128xf32, #tpu.memory_space<vmem>>)
      %mul3A_70 = arith.constant 256 : i32
      %mul3A_71 = arith.muli %mul3A_54, %mul3A_70 : i32
      %add3A_72 = arith.addi %mul3A_4, %mul3A_71 : i32
      %dma_start3A_73 = arith.constant 0 : i32
      %dma_start3A_74 = arith.constant 0 : i32
      %dma_start3A_75 = arith.constant 0 : i32
      %dma_start3A_76 = tpu.memref_slice %arg6[%dma_start3A_73, %dma_start3A_74, %dma_start3A_75] : memref<2x256x128xf32, #tpu.memory_space<vmem>> -> memref<1x256x128xf32, #tpu.memory_space<vmem>>
      %dma_start3A_77 = tpu.memref_squeeze %dma_start3A_76 : memref<1x256x128xf32, #tpu.memory_space<vmem>> -> memref<256x128xf32, #tpu.memory_space<vmem>>
      %dma_start3A_78 = arith.constant 0 : i32
      %dma_start3A_79 = tpu.memref_slice %arg4[%add3A_72, %dma_start3A_78] : memref<163840x128xf32, #tpu.memory_space<hbm>> -> memref<256x128xf32, #tpu.memory_space<hbm>>
      %dma_start3A_80 = arith.constant 0 : i32
      %dma_start3A_81 = tpu.memref_slice %arg4[%add3A_72, %dma_start3A_80] : memref<163840x128xf32, #tpu.memory_space<hbm>> -> memref<256x128xf32, #tpu.memory_space<hbm>>
      %dma_start3A_82 = arith.constant 0 : i32
      %dma_start3A_83 = arith.constant 0 : i32
      %dma_start3A_84 = tpu.memref_slice %arg6[%dma_start3A_73, %dma_start3A_82, %dma_start3A_83] : memref<2x256x128xf32, #tpu.memory_space<vmem>> -> memref<1x256x128xf32, #tpu.memory_space<vmem>>
      %dma_start3A_85 = tpu.memref_squeeze %dma_start3A_84 : memref<1x256x128xf32, #tpu.memory_space<vmem>> -> memref<256x128xf32, #tpu.memory_space<vmem>>
      tpu.enqueue_dma source(%dma_start3A_85 : memref<256x128xf32, #tpu.memory_space<vmem>>) target(%dma_start3A_81 : memref<256x128xf32, #tpu.memory_space<hbm>>) target_semaphore(%arg9 : memref<!tpu.dma_semaphore, #tpu.memory_space<semaphore_mem>>)
      %gt3A = arith.constant 0 : i32
      %gt3A_86 = arith.cmpi sgt, %scan3A_52, %gt3A : i32
      %convert_element_type3A = arith.extui %gt3A_86 : i1 to i32
      %cond3A = arith.constant 0 : i32
      %cond3A_87 = arith.cmpi ne, %convert_element_type3A, %cond3A : i32
      scf.if %cond3A_87 {
        %dma_wait3A_178 = arith.constant 1 : i32
        %dma_wait3A_179 = arith.constant 0 : i32
        %dma_wait3A_180 = arith.constant 0 : i32
        %dma_wait3A_181 = tpu.memref_slice %arg6[%dma_wait3A_178, %dma_wait3A_179, %dma_wait3A_180] : memref<2x256x128xf32, #tpu.memory_space<vmem>> -> memref<1x256x128xf32, #tpu.memory_space<vmem>>
        %dma_wait3A_182 = tpu.memref_squeeze %dma_wait3A_181 : memref<1x256x128xf32, #tpu.memory_space<vmem>> -> memref<256x128xf32, #tpu.memory_space<vmem>>
        %dma_wait3A_183 = arith.constant 0 : i32
        %dma_wait3A_184 = arith.constant 0 : i32
        %dma_wait3A_185 = tpu.memref_slice %arg4[%dma_wait3A_183, %dma_wait3A_184] : memref<163840x128xf32, #tpu.memory_space<hbm>> -> memref<256x128xf32, #tpu.memory_space<hbm>>
        %dma_wait3A_186 = arith.constant 0 : i32
        %dma_wait3A_187 = arith.constant 0 : i32
        %dma_wait3A_188 = tpu.memref_slice %arg4[%dma_wait3A_186, %dma_wait3A_187] : memref<163840x128xf32, #tpu.memory_space<hbm>> -> memref<256x128xf32, #tpu.memory_space<hbm>>
        %dma_wait3A_189 = arith.constant 0 : i32
        %dma_wait3A_190 = arith.constant 0 : i32
        %dma_wait3A_191 = tpu.memref_slice %arg6[%dma_wait3A_178, %dma_wait3A_189, %dma_wait3A_190] : memref<2x256x128xf32, #tpu.memory_space<vmem>> -> memref<1x256x128xf32, #tpu.memory_space<vmem>>
        %dma_wait3A_192 = tpu.memref_squeeze %dma_wait3A_191 : memref<1x256x128xf32, #tpu.memory_space<vmem>> -> memref<256x128xf32, #tpu.memory_space<vmem>>
        tpu.wait_dma2 semaphore(%arg10 : memref<!tpu.dma_semaphore, #tpu.memory_space<semaphore_mem>>) src(%dma_wait3A_192 : memref<256x128xf32, #tpu.memory_space<vmem>>) dst(%dma_wait3A_188 : memref<256x128xf32, #tpu.memory_space<hbm>>)
      } else {
      }
      %add3A_88 = arith.constant 1 : i32
      %add3A_89 = arith.addi %mul3A_54, %add3A_88 : i32
      %mul3A_90 = arith.constant 2 : i32
      %mul3A_91 = arith.muli %add3A_89, %mul3A_90 : i32
      %add3A_92 = arith.constant 0 : i32
      %add3A_93 = arith.addi %mul3A_91, %add3A_92 : i32
      %dma_start3A_94 = arith.constant 1 : i32
      %dma_start3A_95 = arith.constant 0 : i32
      %dma_start3A_96 = arith.constant 0 : i32
      %dma_start3A_97 = tpu.memref_slice %arg6[%dma_start3A_94, %dma_start3A_95, %dma_start3A_96] : memref<2x256x128xf32, #tpu.memory_space<vmem>> -> memref<1x256x128xf32, #tpu.memory_space<vmem>>
      %dma_start3A_98 = tpu.memref_squeeze %dma_start3A_97 : memref<1x256x128xf32, #tpu.memory_space<vmem>> -> memref<256x128xf32, #tpu.memory_space<vmem>>
      %dma_start3A_99 = arith.constant 0 : i32
      %dma_start3A_100 = arith.constant 0 : i32
      %dma_start3A_101 = tpu.memref_slice %dma_start3A_98[%dma_start3A_99, %dma_start3A_100] : memref<256x128xf32, #tpu.memory_space<vmem>> -> memref<128x128xf32, #tpu.memory_space<vmem>>
      %dma_start3A_102 = arith.constant 0 : i32
      %dma_start3A_103 = tpu.memref_slice %arg5[%add3A_93, %dma_start3A_102] : memref<40x128xi32, #tpu.memory_space<vmem>> -> memref<1x128xi32, #tpu.memory_space<vmem>>
      %dma_start3A_104 = tpu.memref_squeeze %dma_start3A_103 : memref<1x128xi32, #tpu.memory_space<vmem>> -> memref<128xi32, #tpu.memory_space<vmem>>
      %dma_start3A_105 = arith.constant 0 : i32
      %dma_start3A_106 = arith.constant 0 : i32
      %dma_start3A_107 = tpu.memref_slice %arg2[%dma_start3A_105, %dma_start3A_106] : memref<20792x128xf32, #tpu.memory_space<hbm>> -> memref<20792x128xf32, #tpu.memory_space<hbm>>
      tpu.enqueue_indirect_dma source(%dma_start3A_107 : memref<20792x128xf32, #tpu.memory_space<hbm>>) target(%dma_start3A_101 : memref<128x128xf32, #tpu.memory_space<vmem>>) offsets(%dma_start3A_104 : memref<128xi32, #tpu.memory_space<vmem>>) semaphore(%arg8 : memref<!tpu.dma_semaphore, #tpu.memory_space<semaphore_mem>>)
      %mul3A_108 = arith.constant 2 : i32
      %mul3A_109 = arith.muli %add3A_89, %mul3A_108 : i32
      %add3A_110 = arith.constant 1 : i32
      %add3A_111 = arith.addi %mul3A_109, %add3A_110 : i32
      %dma_start3A_112 = arith.constant 1 : i32
      %dma_start3A_113 = arith.constant 0 : i32
      %dma_start3A_114 = arith.constant 0 : i32
      %dma_start3A_115 = tpu.memref_slice %arg6[%dma_start3A_112, %dma_start3A_113, %dma_start3A_114] : memref<2x256x128xf32, #tpu.memory_space<vmem>> -> memref<1x256x128xf32, #tpu.memory_space<vmem>>
      %dma_start3A_116 = tpu.memref_squeeze %dma_start3A_115 : memref<1x256x128xf32, #tpu.memory_space<vmem>> -> memref<256x128xf32, #tpu.memory_space<vmem>>
      %dma_start3A_117 = arith.constant 128 : i32
      %dma_start3A_118 = arith.constant 0 : i32
      %dma_start3A_119 = tpu.memref_slice %dma_start3A_116[%dma_start3A_117, %dma_start3A_118] : memref<256x128xf32, #tpu.memory_space<vmem>> -> memref<128x128xf32, #tpu.memory_space<vmem>>
      %dma_start3A_120 = arith.constant 0 : i32
      %dma_start3A_121 = tpu.memref_slice %arg5[%add3A_111, %dma_start3A_120] : memref<40x128xi32, #tpu.memory_space<vmem>> -> memref<1x128xi32, #tpu.memory_space<vmem>>
      %dma_start3A_122 = tpu.memref_squeeze %dma_start3A_121 : memref<1x128xi32, #tpu.memory_space<vmem>> -> memref<128xi32, #tpu.memory_space<vmem>>
      %dma_start3A_123 = arith.constant 0 : i32
      %dma_start3A_124 = arith.constant 0 : i32
      %dma_start3A_125 = tpu.memref_slice %arg2[%dma_start3A_123, %dma_start3A_124] : memref<20792x128xf32, #tpu.memory_space<hbm>> -> memref<20792x128xf32, #tpu.memory_space<hbm>>
      tpu.enqueue_indirect_dma source(%dma_start3A_125 : memref<20792x128xf32, #tpu.memory_space<hbm>>) target(%dma_start3A_119 : memref<128x128xf32, #tpu.memory_space<vmem>>) offsets(%dma_start3A_122 : memref<128xi32, #tpu.memory_space<vmem>>) semaphore(%arg8 : memref<!tpu.dma_semaphore, #tpu.memory_space<semaphore_mem>>)
      %dma_wait3A_126 = arith.constant 1 : i32
      %dma_wait3A_127 = arith.constant 0 : i32
      %dma_wait3A_128 = arith.constant 0 : i32
      %dma_wait3A_129 = tpu.memref_slice %arg6[%dma_wait3A_126, %dma_wait3A_127, %dma_wait3A_128] : memref<2x256x128xf32, #tpu.memory_space<vmem>> -> memref<1x256x128xf32, #tpu.memory_space<vmem>>
      %dma_wait3A_130 = tpu.memref_squeeze %dma_wait3A_129 : memref<1x256x128xf32, #tpu.memory_space<vmem>> -> memref<256x128xf32, #tpu.memory_space<vmem>>
      %dma_wait3A_131 = arith.constant 0 : i32
      %dma_wait3A_132 = arith.constant 0 : i32
      %dma_wait3A_133 = tpu.memref_slice %arg4[%dma_wait3A_131, %dma_wait3A_132] : memref<163840x128xf32, #tpu.memory_space<hbm>> -> memref<256x128xf32, #tpu.memory_space<hbm>>
      %dma_wait3A_134 = arith.constant 0 : i32
      %dma_wait3A_135 = arith.constant 0 : i32
      %dma_wait3A_136 = tpu.memref_slice %arg6[%dma_wait3A_126, %dma_wait3A_134, %dma_wait3A_135] : memref<2x256x128xf32, #tpu.memory_space<vmem>> -> memref<1x256x128xf32, #tpu.memory_space<vmem>>
      %dma_wait3A_137 = tpu.memref_squeeze %dma_wait3A_136 : memref<1x256x128xf32, #tpu.memory_space<vmem>> -> memref<256x128xf32, #tpu.memory_space<vmem>>
      %dma_wait3A_138 = arith.constant 0 : i32
      %dma_wait3A_139 = arith.constant 0 : i32
      %dma_wait3A_140 = tpu.memref_slice %arg4[%dma_wait3A_138, %dma_wait3A_139] : memref<163840x128xf32, #tpu.memory_space<hbm>> -> memref<256x128xf32, #tpu.memory_space<hbm>>
      tpu.wait_dma2 semaphore(%arg8 : memref<!tpu.dma_semaphore, #tpu.memory_space<semaphore_mem>>) src(%dma_wait3A_140 : memref<256x128xf32, #tpu.memory_space<hbm>>) dst(%dma_wait3A_137 : memref<256x128xf32, #tpu.memory_space<vmem>>)
      %add3A_141 = arith.constant 1 : i32
      %add3A_142 = arith.addi %mul3A_54, %add3A_141 : i32
      %mul3A_143 = arith.constant 256 : i32
      %mul3A_144 = arith.muli %add3A_142, %mul3A_143 : i32
      %add3A_145 = arith.addi %mul3A_4, %mul3A_144 : i32
      %dma_start3A_146 = arith.constant 1 : i32
      %dma_start3A_147 = arith.constant 0 : i32
      %dma_start3A_148 = arith.constant 0 : i32
      %dma_start3A_149 = tpu.memref_slice %arg6[%dma_start3A_146, %dma_start3A_147, %dma_start3A_148] : memref<2x256x128xf32, #tpu.memory_space<vmem>> -> memref<1x256x128xf32, #tpu.memory_space<vmem>>
      %dma_start3A_150 = tpu.memref_squeeze %dma_start3A_149 : memref<1x256x128xf32, #tpu.memory_space<vmem>> -> memref<256x128xf32, #tpu.memory_space<vmem>>
      %dma_start3A_151 = arith.constant 0 : i32
      %dma_start3A_152 = tpu.memref_slice %arg4[%add3A_145, %dma_start3A_151] : memref<163840x128xf32, #tpu.memory_space<hbm>> -> memref<256x128xf32, #tpu.memory_space<hbm>>
      %dma_start3A_153 = arith.constant 0 : i32
      %dma_start3A_154 = tpu.memref_slice %arg4[%add3A_145, %dma_start3A_153] : memref<163840x128xf32, #tpu.memory_space<hbm>> -> memref<256x128xf32, #tpu.memory_space<hbm>>
      %dma_start3A_155 = arith.constant 0 : i32
      %dma_start3A_156 = arith.constant 0 : i32
      %dma_start3A_157 = tpu.memref_slice %arg6[%dma_start3A_146, %dma_start3A_155, %dma_start3A_156] : memref<2x256x128xf32, #tpu.memory_space<vmem>> -> memref<1x256x128xf32, #tpu.memory_space<vmem>>
      %dma_start3A_158 = tpu.memref_squeeze %dma_start3A_157 : memref<1x256x128xf32, #tpu.memory_space<vmem>> -> memref<256x128xf32, #tpu.memory_space<vmem>>
      tpu.enqueue_dma source(%dma_start3A_158 : memref<256x128xf32, #tpu.memory_space<vmem>>) target(%dma_start3A_154 : memref<256x128xf32, #tpu.memory_space<hbm>>) target_semaphore(%arg10 : memref<!tpu.dma_semaphore, #tpu.memory_space<semaphore_mem>>)
      %dma_wait3A_159 = arith.constant 0 : i32
      %dma_wait3A_160 = arith.constant 0 : i32
      %dma_wait3A_161 = arith.constant 0 : i32
      %dma_wait3A_162 = tpu.memref_slice %arg6[%dma_wait3A_159, %dma_wait3A_160, %dma_wait3A_161] : memref<2x256x128xf32, #tpu.memory_space<vmem>> -> memref<1x256x128xf32, #tpu.memory_space<vmem>>
      %dma_wait3A_163 = tpu.memref_squeeze %dma_wait3A_162 : memref<1x256x128xf32, #tpu.memory_space<vmem>> -> memref<256x128xf32, #tpu.memory_space<vmem>>
      %dma_wait3A_164 = arith.constant 0 : i32
      %dma_wait3A_165 = arith.constant 0 : i32
      %dma_wait3A_166 = tpu.memref_slice %arg4[%dma_wait3A_164, %dma_wait3A_165] : memref<163840x128xf32, #tpu.memory_space<hbm>> -> memref<256x128xf32, #tpu.memory_space<hbm>>
      %dma_wait3A_167 = arith.constant 0 : i32
      %dma_wait3A_168 = arith.constant 0 : i32
      %dma_wait3A_169 = tpu.memref_slice %arg4[%dma_wait3A_167, %dma_wait3A_168] : memref<163840x128xf32, #tpu.memory_space<hbm>> -> memref<256x128xf32, #tpu.memory_space<hbm>>
      %dma_wait3A_170 = arith.constant 0 : i32
      %dma_wait3A_171 = arith.constant 0 : i32
      %dma_wait3A_172 = tpu.memref_slice %arg6[%dma_wait3A_159, %dma_wait3A_170, %dma_wait3A_171] : memref<2x256x128xf32, #tpu.memory_space<vmem>> -> memref<1x256x128xf32, #tpu.memory_space<vmem>>
      %dma_wait3A_173 = tpu.memref_squeeze %dma_wait3A_172 : memref<1x256x128xf32, #tpu.memory_space<vmem>> -> memref<256x128xf32, #tpu.memory_space<vmem>>
      tpu.wait_dma2 semaphore(%arg9 : memref<!tpu.dma_semaphore, #tpu.memory_space<semaphore_mem>>) src(%dma_wait3A_173 : memref<256x128xf32, #tpu.memory_space<vmem>>) dst(%dma_wait3A_169 : memref<256x128xf32, #tpu.memory_space<hbm>>)
      %lt3A = arith.constant 9 : i32
      %lt3A_174 = arith.cmpi slt, %scan3A_52, %lt3A : i32
      %convert_element_type3A_175 = arith.extui %lt3A_174 : i1 to i32
      %cond3A_176 = arith.constant 0 : i32
      %cond3A_177 = arith.cmpi ne, %convert_element_type3A_175, %cond3A_176 : i32
      scf.if %cond3A_177 {
        %add3A_178 = arith.constant 2 : i32
        %add3A_179 = arith.addi %mul3A_54, %add3A_178 : i32
        %mul3A_180 = arith.constant 2 : i32
        %mul3A_181 = arith.muli %add3A_179, %mul3A_180 : i32
        %add3A_182 = arith.constant 0 : i32
        %add3A_183 = arith.addi %mul3A_181, %add3A_182 : i32
        %dma_start3A_184 = arith.constant 0 : i32
        %dma_start3A_185 = arith.constant 0 : i32
        %dma_start3A_186 = arith.constant 0 : i32
        %dma_start3A_187 = tpu.memref_slice %arg6[%dma_start3A_184, %dma_start3A_185, %dma_start3A_186] : memref<2x256x128xf32, #tpu.memory_space<vmem>> -> memref<1x256x128xf32, #tpu.memory_space<vmem>>
        %dma_start3A_188 = tpu.memref_squeeze %dma_start3A_187 : memref<1x256x128xf32, #tpu.memory_space<vmem>> -> memref<256x128xf32, #tpu.memory_space<vmem>>
        %dma_start3A_189 = arith.constant 0 : i32
        %dma_start3A_190 = arith.constant 0 : i32
        %dma_start3A_191 = tpu.memref_slice %dma_start3A_188[%dma_start3A_189, %dma_start3A_190] : memref<256x128xf32, #tpu.memory_space<vmem>> -> memref<128x128xf32, #tpu.memory_space<vmem>>
        %dma_start3A_192 = arith.constant 0 : i32
        %dma_start3A_193 = tpu.memref_slice %arg5[%add3A_183, %dma_start3A_192] : memref<40x128xi32, #tpu.memory_space<vmem>> -> memref<1x128xi32, #tpu.memory_space<vmem>>
        %dma_start3A_194 = tpu.memref_squeeze %dma_start3A_193 : memref<1x128xi32, #tpu.memory_space<vmem>> -> memref<128xi32, #tpu.memory_space<vmem>>
        %dma_start3A_195 = arith.constant 0 : i32
        %dma_start3A_196 = arith.constant 0 : i32
        %dma_start3A_197 = tpu.memref_slice %arg2[%dma_start3A_195, %dma_start3A_196] : memref<20792x128xf32, #tpu.memory_space<hbm>> -> memref<20792x128xf32, #tpu.memory_space<hbm>>
        tpu.enqueue_indirect_dma source(%dma_start3A_197 : memref<20792x128xf32, #tpu.memory_space<hbm>>) target(%dma_start3A_191 : memref<128x128xf32, #tpu.memory_space<vmem>>) offsets(%dma_start3A_194 : memref<128xi32, #tpu.memory_space<vmem>>) semaphore(%arg7 : memref<!tpu.dma_semaphore, #tpu.memory_space<semaphore_mem>>)
        %mul3A_198 = arith.constant 2 : i32
        %mul3A_199 = arith.muli %add3A_179, %mul3A_198 : i32
        %add3A_200 = arith.constant 1 : i32
        %add3A_201 = arith.addi %mul3A_199, %add3A_200 : i32
        %dma_start3A_202 = arith.constant 0 : i32
        %dma_start3A_203 = arith.constant 0 : i32
        %dma_start3A_204 = arith.constant 0 : i32
        %dma_start3A_205 = tpu.memref_slice %arg6[%dma_start3A_202, %dma_start3A_203, %dma_start3A_204] : memref<2x256x128xf32, #tpu.memory_space<vmem>> -> memref<1x256x128xf32, #tpu.memory_space<vmem>>
        %dma_start3A_206 = tpu.memref_squeeze %dma_start3A_205 : memref<1x256x128xf32, #tpu.memory_space<vmem>> -> memref<256x128xf32, #tpu.memory_space<vmem>>
        %dma_start3A_207 = arith.constant 128 : i32
        %dma_start3A_208 = arith.constant 0 : i32
        %dma_start3A_209 = tpu.memref_slice %dma_start3A_206[%dma_start3A_207, %dma_start3A_208] : memref<256x128xf32, #tpu.memory_space<vmem>> -> memref<128x128xf32, #tpu.memory_space<vmem>>
        %dma_start3A_210 = arith.constant 0 : i32
        %dma_start3A_211 = tpu.memref_slice %arg5[%add3A_201, %dma_start3A_210] : memref<40x128xi32, #tpu.memory_space<vmem>> -> memref<1x128xi32, #tpu.memory_space<vmem>>
        %dma_start3A_212 = tpu.memref_squeeze %dma_start3A_211 : memref<1x128xi32, #tpu.memory_space<vmem>> -> memref<128xi32, #tpu.memory_space<vmem>>
        %dma_start3A_213 = arith.constant 0 : i32
        %dma_start3A_214 = arith.constant 0 : i32
        %dma_start3A_215 = tpu.memref_slice %arg2[%dma_start3A_213, %dma_start3A_214] : memref<20792x128xf32, #tpu.memory_space<hbm>> -> memref<20792x128xf32, #tpu.memory_space<hbm>>
        tpu.enqueue_indirect_dma source(%dma_start3A_215 : memref<20792x128xf32, #tpu.memory_space<hbm>>) target(%dma_start3A_209 : memref<128x128xf32, #tpu.memory_space<vmem>>) offsets(%dma_start3A_212 : memref<128xi32, #tpu.memory_space<vmem>>) semaphore(%arg7 : memref<!tpu.dma_semaphore, #tpu.memory_space<semaphore_mem>>)
      } else {
      }
    }
    %scan3A_37 = arith.constant 10 : i32
    %dma_wait3A = arith.constant 1 : i32
    %dma_wait3A_38 = arith.constant 0 : i32
    %dma_wait3A_39 = arith.constant 0 : i32
    %dma_wait3A_40 = tpu.memref_slice %arg6[%dma_wait3A, %dma_wait3A_38, %dma_wait3A_39] : memref<2x256x128xf32, #tpu.memory_space<vmem>> -> memref<1x256x128xf32, #tpu.memory_space<vmem>>
    %dma_wait3A_41 = tpu.memref_squeeze %dma_wait3A_40 : memref<1x256x128xf32, #tpu.memory_space<vmem>> -> memref<256x128xf32, #tpu.memory_space<vmem>>
    %dma_wait3A_42 = arith.constant 0 : i32
    %dma_wait3A_43 = arith.constant 0 : i32
    %dma_wait3A_44 = tpu.memref_slice %arg4[%dma_wait3A_42, %dma_wait3A_43] : memref<163840x128xf32, #tpu.memory_space<hbm>> -> memref<256x128xf32, #tpu.memory_space<hbm>>
    %dma_wait3A_45 = arith.constant 0 : i32
    %dma_wait3A_46 = arith.constant 0 : i32
    %dma_wait3A_47 = tpu.memref_slice %arg4[%dma_wait3A_45, %dma_wait3A_46] : memref<163840x128xf32, #tpu.memory_space<hbm>> -> memref<256x128xf32, #tpu.memory_space<hbm>>
    %dma_wait3A_48 = arith.constant 0 : i32
    %dma_wait3A_49 = arith.constant 0 : i32
    %dma_wait3A_50 = tpu.memref_slice %arg6[%dma_wait3A, %dma_wait3A_48, %dma_wait3A_49] : memref<2x256x128xf32, #tpu.memory_space<vmem>> -> memref<1x256x128xf32, #tpu.memory_space<vmem>>
    %dma_wait3A_51 = tpu.memref_squeeze %dma_wait3A_50 : memref<1x256x128xf32, #tpu.memory_space<vmem>> -> memref<256x128xf32, #tpu.memory_space<vmem>>
    tpu.wait_dma2 semaphore(%arg10 : memref<!tpu.dma_semaphore, #tpu.memory_space<semaphore_mem>>) src(%dma_wait3A_51 : memref<256x128xf32, #tpu.memory_space<vmem>>) dst(%dma_wait3A_47 : memref<256x128xf32, #tpu.memory_space<hbm>>)
    return
  }
}

#map = affine_map<(d0, d1) -> (0, 0)>
module attributes {stable_mosaic.version = 14 : i64} {
  func.func @k(%arg0: i32, %arg1: i32, %arg2: memref<20792x128xf32, #tpu.memory_space<hbm>>, %arg3: memref<1280x128xi32, #tpu.memory_space<hbm>>, %arg4: memref<163840x128xf32, #tpu.memory_space<hbm>>, %arg5: memref<40x128xi32, #tpu.memory_space<vmem>>, %arg6: memref<2x256x128xf32, #tpu.memory_space<vmem>>, %arg7: memref<!tpu.dma_semaphore, #tpu.memory_space<semaphore_mem>>, %arg8: memref<!tpu.dma_semaphore, #tpu.memory_space<semaphore_mem>>, %arg9: memref<!tpu.dma_semaphore, #tpu.memory_space<semaphore_mem>>, %arg10: memref<!tpu.dma_semaphore, #tpu.memory_space<semaphore_mem>>) attributes {dimension_semantics = [#tpu.dimension_semantics<core_parallel>, #tpu.dimension_semantics<subcore_parallel>], iteration_bounds = array<i64: 2, 16>, scalar_prefetch = 0 : i64, scratch_operands = 6 : i64, tpu.core_type = #tpu.core_type<sc_vector_subcore>, window_params = [{transform_indices = #map}, {transform_indices = #map}, {transform_indices = #map}]} {
    %mul3A = arith.constant 2 : i32
    %mul3A_0 = arith.muli %arg1, %mul3A : i32
    %add3A = arith.addi %mul3A_0, %arg0 : i32
    %mul3A_1 = arith.constant 40 : i32
    %mul3A_2 = arith.muli %add3A, %mul3A_1 : i32
    %mul3A_3 = arith.constant 128 : i32
    %mul3A_4 = arith.muli %mul3A_2, %mul3A_3 : i32
    "tpu.region"() ({
      %run_scoped3A = tpu.sem_alloc : memref<!tpu.dma_semaphore, #tpu.memory_space<semaphore_mem>>
      %dma_start3A_52 = arith.constant 0 : i32
      %dma_start3A_53 = tpu.memref_slice %arg3[%mul3A_2, %dma_start3A_52] : memref<1280x128xi32, #tpu.memory_space<hbm>> -> memref<40x128xi32, #tpu.memory_space<hbm>>
      %dma_start3A_54 = arith.constant 0 : i32
      %dma_start3A_55 = tpu.memref_slice %arg3[%mul3A_2, %dma_start3A_54] : memref<1280x128xi32, #tpu.memory_space<hbm>> -> memref<40x128xi32, #tpu.memory_space<hbm>>
      tpu.enqueue_dma source(%dma_start3A_55 : memref<40x128xi32, #tpu.memory_space<hbm>>) target(%arg5 : memref<40x128xi32, #tpu.memory_space<vmem>>) target_semaphore(%run_scoped3A : memref<!tpu.dma_semaphore, #tpu.memory_space<semaphore_mem>>)
      %dma_wait3A_56 = arith.constant 0 : i32
      %dma_wait3A_57 = tpu.memref_slice %arg3[%mul3A_2, %dma_wait3A_56] : memref<1280x128xi32, #tpu.memory_space<hbm>> -> memref<40x128xi32, #tpu.memory_space<hbm>>
      %dma_wait3A_58 = arith.constant 0 : i32
      %dma_wait3A_59 = tpu.memref_slice %arg3[%mul3A_2, %dma_wait3A_58] : memref<1280x128xi32, #tpu.memory_space<hbm>> -> memref<40x128xi32, #tpu.memory_space<hbm>>
      tpu.wait_dma2 semaphore(%run_scoped3A : memref<!tpu.dma_semaphore, #tpu.memory_space<semaphore_mem>>) src(%dma_wait3A_59 : memref<40x128xi32, #tpu.memory_space<hbm>>) dst(%arg5 : memref<40x128xi32, #tpu.memory_space<vmem>>)
      tpu.yield
    }) : () -> ()
    %dma_start3A = arith.constant 0 : i32
    %dma_start3A_5 = arith.constant 0 : i32
    %dma_start3A_6 = arith.constant 0 : i32
    %dma_start3A_7 = arith.constant 0 : i32
    %dma_start3A_8 = tpu.memref_slice %arg6[%dma_start3A_5, %dma_start3A_6, %dma_start3A_7] : memref<2x256x128xf32, #tpu.memory_space<vmem>> -> memref<1x256x128xf32, #tpu.memory_space<vmem>>
    %dma_start3A_9 = tpu.memref_squeeze %dma_start3A_8 : memref<1x256x128xf32, #tpu.memory_space<vmem>> -> memref<256x128xf32, #tpu.memory_space<vmem>>
    %dma_start3A_10 = arith.constant 0 : i32
    %dma_start3A_11 = arith.constant 0 : i32
    %dma_start3A_12 = tpu.memref_slice %dma_start3A_9[%dma_start3A_10, %dma_start3A_11] : memref<256x128xf32, #tpu.memory_space<vmem>> -> memref<128x128xf32, #tpu.memory_space<vmem>>
    %dma_start3A_13 = arith.constant 0 : i32
    %dma_start3A_14 = tpu.memref_slice %arg5[%dma_start3A, %dma_start3A_13] : memref<40x128xi32, #tpu.memory_space<vmem>> -> memref<1x128xi32, #tpu.memory_space<vmem>>
    %dma_start3A_15 = tpu.memref_squeeze %dma_start3A_14 : memref<1x128xi32, #tpu.memory_space<vmem>> -> memref<128xi32, #tpu.memory_space<vmem>>
    %dma_start3A_16 = arith.constant 0 : i32
    %dma_start3A_17 = arith.constant 0 : i32
    %dma_start3A_18 = tpu.memref_slice %arg2[%dma_start3A_16, %dma_start3A_17] : memref<20792x128xf32, #tpu.memory_space<hbm>> -> memref<20792x128xf32, #tpu.memory_space<hbm>>
    tpu.enqueue_indirect_dma source(%dma_start3A_18 : memref<20792x128xf32, #tpu.memory_space<hbm>>) target(%dma_start3A_12 : memref<128x128xf32, #tpu.memory_space<vmem>>) offsets(%dma_start3A_15 : memref<128xi32, #tpu.memory_space<vmem>>) semaphore(%arg7 : memref<!tpu.dma_semaphore, #tpu.memory_space<semaphore_mem>>)
    %dma_start3A_19 = arith.constant 1 : i32
    %dma_start3A_20 = arith.constant 0 : i32
    %dma_start3A_21 = arith.constant 0 : i32
    %dma_start3A_22 = arith.constant 0 : i32
    %dma_start3A_23 = tpu.memref_slice %arg6[%dma_start3A_20, %dma_start3A_21, %dma_start3A_22] : memref<2x256x128xf32, #tpu.memory_space<vmem>> -> memref<1x256x128xf32, #tpu.memory_space<vmem>>
    %dma_start3A_24 = tpu.memref_squeeze %dma_start3A_23 : memref<1x256x128xf32, #tpu.memory_space<vmem>> -> memref<256x128xf32, #tpu.memory_space<vmem>>
    %dma_start3A_25 = arith.constant 128 : i32
    %dma_start3A_26 = arith.constant 0 : i32
    %dma_start3A_27 = tpu.memref_slice %dma_start3A_24[%dma_start3A_25, %dma_start3A_26] : memref<256x128xf32, #tpu.memory_space<vmem>> -> memref<128x128xf32, #tpu.memory_space<vmem>>
    %dma_start3A_28 = arith.constant 0 : i32
    %dma_start3A_29 = tpu.memref_slice %arg5[%dma_start3A_19, %dma_start3A_28] : memref<40x128xi32, #tpu.memory_space<vmem>> -> memref<1x128xi32, #tpu.memory_space<vmem>>
    %dma_start3A_30 = tpu.memref_squeeze %dma_start3A_29 : memref<1x128xi32, #tpu.memory_space<vmem>> -> memref<128xi32, #tpu.memory_space<vmem>>
    %dma_start3A_31 = arith.constant 0 : i32
    %dma_start3A_32 = arith.constant 0 : i32
    %dma_start3A_33 = tpu.memref_slice %arg2[%dma_start3A_31, %dma_start3A_32] : memref<20792x128xf32, #tpu.memory_space<hbm>> -> memref<20792x128xf32, #tpu.memory_space<hbm>>
    tpu.enqueue_indirect_dma source(%dma_start3A_33 : memref<20792x128xf32, #tpu.memory_space<hbm>>) target(%dma_start3A_27 : memref<128x128xf32, #tpu.memory_space<vmem>>) offsets(%dma_start3A_30 : memref<128xi32, #tpu.memory_space<vmem>>) semaphore(%arg7 : memref<!tpu.dma_semaphore, #tpu.memory_space<semaphore_mem>>)
    %scan3A = arith.constant 0 : i32
    %scan3A_34 = arith.constant 10 : i32
    %scan3A_35 = arith.addi %scan3A, %scan3A_34 : i32
    %scan3A_36 = arith.constant 1 : i32
    scf.for %scan3A_52 = %scan3A to %scan3A_35 step %scan3A_36  : i32 {
      %mul3A_53 = arith.constant 2 : i32
      %mul3A_54 = arith.muli %scan3A_52, %mul3A_53 : i32
      %dma_wait3A_55 = arith.constant 0 : i32
      %dma_wait3A_56 = arith.constant 0 : i32
      %dma_wait3A_57 = arith.constant 0 : i32
      %dma_wait3A_58 = tpu.memref_slice %arg6[%dma_wait3A_55, %dma_wait3A_56, %dma_wait3A_57] : memref<2x256x128xf32, #tpu.memory_space<vmem>> -> memref<1x256x128xf32, #tpu.memory_space<vmem>>
      %dma_wait3A_59 = tpu.memref_squeeze %dma_wait3A_58 : memref<1x256x128xf32, #tpu.memory_space<vmem>> -> memref<256x128xf32, #tpu.memory_space<vmem>>
      %dma_wait3A_60 = arith.constant 0 : i32
      %dma_wait3A_61 = arith.constant 0 : i32
      %dma_wait3A_62 = tpu.memref_slice %arg4[%dma_wait3A_60, %dma_wait3A_61] : memref<163840x128xf32, #tpu.memory_space<hbm>> -> memref<256x128xf32, #tpu.memory_space<hbm>>
      %dma_wait3A_63 = arith.constant 0 : i32
      %dma_wait3A_64 = arith.constant 0 : i32
      %dma_wait3A_65 = tpu.memref_slice %arg6[%dma_wait3A_55, %dma_wait3A_63, %dma_wait3A_64] : memref<2x256x128xf32, #tpu.memory_space<vmem>> -> memref<1x256x128xf32, #tpu.memory_space<vmem>>
      %dma_wait3A_66 = tpu.memref_squeeze %dma_wait3A_65 : memref<1x256x128xf32, #tpu.memory_space<vmem>> -> memref<256x128xf32, #tpu.memory_space<vmem>>
      %dma_wait3A_67 = arith.constant 0 : i32
      %dma_wait3A_68 = arith.constant 0 : i32
      %dma_wait3A_69 = tpu.memref_slice %arg4[%dma_wait3A_67, %dma_wait3A_68] : memref<163840x128xf32, #tpu.memory_space<hbm>> -> memref<256x128xf32, #tpu.memory_space<hbm>>
      tpu.wait_dma2 semaphore(%arg7 : memref<!tpu.dma_semaphore, #tpu.memory_space<semaphore_mem>>) src(%dma_wait3A_69 : memref<256x128xf32, #tpu.memory_space<hbm>>) dst(%dma_wait3A_66 : memref<256x128xf32, #tpu.memory_space<vmem>>)
      %mul3A_70 = arith.constant 256 : i32
      %mul3A_71 = arith.muli %mul3A_54, %mul3A_70 : i32
      %add3A_72 = arith.addi %mul3A_4, %mul3A_71 : i32
      %dma_start3A_73 = arith.constant 0 : i32
      %dma_start3A_74 = arith.constant 0 : i32
      %dma_start3A_75 = arith.constant 0 : i32
      %dma_start3A_76 = tpu.memref_slice %arg6[%dma_start3A_73, %dma_start3A_74, %dma_start3A_75] : memref<2x256x128xf32, #tpu.memory_space<vmem>> -> memref<1x256x128xf32, #tpu.memory_space<vmem>>
      %dma_start3A_77 = tpu.memref_squeeze %dma_start3A_76 : memref<1x256x128xf32, #tpu.memory_space<vmem>> -> memref<256x128xf32, #tpu.memory_space<vmem>>
      %dma_start3A_78 = arith.constant 0 : i32
      %dma_start3A_79 = tpu.memref_slice %arg4[%add3A_72, %dma_start3A_78] : memref<163840x128xf32, #tpu.memory_space<hbm>> -> memref<256x128xf32, #tpu.memory_space<hbm>>
      %dma_start3A_80 = arith.constant 0 : i32
      %dma_start3A_81 = tpu.memref_slice %arg4[%add3A_72, %dma_start3A_80] : memref<163840x128xf32, #tpu.memory_space<hbm>> -> memref<256x128xf32, #tpu.memory_space<hbm>>
      %dma_start3A_82 = arith.constant 0 : i32
      %dma_start3A_83 = arith.constant 0 : i32
      %dma_start3A_84 = tpu.memref_slice %arg6[%dma_start3A_73, %dma_start3A_82, %dma_start3A_83] : memref<2x256x128xf32, #tpu.memory_space<vmem>> -> memref<1x256x128xf32, #tpu.memory_space<vmem>>
      %dma_start3A_85 = tpu.memref_squeeze %dma_start3A_84 : memref<1x256x128xf32, #tpu.memory_space<vmem>> -> memref<256x128xf32, #tpu.memory_space<vmem>>
      tpu.enqueue_dma source(%dma_start3A_85 : memref<256x128xf32, #tpu.memory_space<vmem>>) target(%dma_start3A_81 : memref<256x128xf32, #tpu.memory_space<hbm>>) target_semaphore(%arg9 : memref<!tpu.dma_semaphore, #tpu.memory_space<semaphore_mem>>)
      %gt3A = arith.constant 0 : i32
      %gt3A_86 = arith.cmpi sgt, %scan3A_52, %gt3A : i32
      %convert_element_type3A = arith.extui %gt3A_86 : i1 to i32
      %cond3A = arith.constant 0 : i32
      %cond3A_87 = arith.cmpi ne, %convert_element_type3A, %cond3A : i32
      scf.if %cond3A_87 {
        %dma_wait3A_178 = arith.constant 1 : i32
        %dma_wait3A_179 = arith.constant 0 : i32
        %dma_wait3A_180 = arith.constant 0 : i32
        %dma_wait3A_181 = tpu.memref_slice %arg6[%dma_wait3A_178, %dma_wait3A_179, %dma_wait3A_180] : memref<2x256x128xf32, #tpu.memory_space<vmem>> -> memref<1x256x128xf32, #tpu.memory_space<vmem>>
        %dma_wait3A_182 = tpu.memref_squeeze %dma_wait3A_181 : memref<1x256x128xf32, #tpu.memory_space<vmem>> -> memref<256x128xf32, #tpu.memory_space<vmem>>
        %dma_wait3A_183 = arith.constant 0 : i32
        %dma_wait3A_184 = arith.constant 0 : i32
        %dma_wait3A_185 = tpu.memref_slice %arg4[%dma_wait3A_183, %dma_wait3A_184] : memref<163840x128xf32, #tpu.memory_space<hbm>> -> memref<256x128xf32, #tpu.memory_space<hbm>>
        %dma_wait3A_186 = arith.constant 0 : i32
        %dma_wait3A_187 = arith.constant 0 : i32
        %dma_wait3A_188 = tpu.memref_slice %arg4[%dma_wait3A_186, %dma_wait3A_187] : memref<163840x128xf32, #tpu.memory_space<hbm>> -> memref<256x128xf32, #tpu.memory_space<hbm>>
        %dma_wait3A_189 = arith.constant 0 : i32
        %dma_wait3A_190 = arith.constant 0 : i32
        %dma_wait3A_191 = tpu.memref_slice %arg6[%dma_wait3A_178, %dma_wait3A_189, %dma_wait3A_190] : memref<2x256x128xf32, #tpu.memory_space<vmem>> -> memref<1x256x128xf32, #tpu.memory_space<vmem>>
        %dma_wait3A_192 = tpu.memref_squeeze %dma_wait3A_191 : memref<1x256x128xf32, #tpu.memory_space<vmem>> -> memref<256x128xf32, #tpu.memory_space<vmem>>
        tpu.wait_dma2 semaphore(%arg10 : memref<!tpu.dma_semaphore, #tpu.memory_space<semaphore_mem>>) src(%dma_wait3A_192 : memref<256x128xf32, #tpu.memory_space<vmem>>) dst(%dma_wait3A_188 : memref<256x128xf32, #tpu.memory_space<hbm>>)
      } else {
      }
      %add3A_88 = arith.constant 1 : i32
      %add3A_89 = arith.addi %mul3A_54, %add3A_88 : i32
      %mul3A_90 = arith.constant 2 : i32
      %mul3A_91 = arith.muli %add3A_89, %mul3A_90 : i32
      %add3A_92 = arith.constant 0 : i32
      %add3A_93 = arith.addi %mul3A_91, %add3A_92 : i32
      %dma_start3A_94 = arith.constant 1 : i32
      %dma_start3A_95 = arith.constant 0 : i32
      %dma_start3A_96 = arith.constant 0 : i32
      %dma_start3A_97 = tpu.memref_slice %arg6[%dma_start3A_94, %dma_start3A_95, %dma_start3A_96] : memref<2x256x128xf32, #tpu.memory_space<vmem>> -> memref<1x256x128xf32, #tpu.memory_space<vmem>>
      %dma_start3A_98 = tpu.memref_squeeze %dma_start3A_97 : memref<1x256x128xf32, #tpu.memory_space<vmem>> -> memref<256x128xf32, #tpu.memory_space<vmem>>
      %dma_start3A_99 = arith.constant 0 : i32
      %dma_start3A_100 = arith.constant 0 : i32
      %dma_start3A_101 = tpu.memref_slice %dma_start3A_98[%dma_start3A_99, %dma_start3A_100] : memref<256x128xf32, #tpu.memory_space<vmem>> -> memref<128x128xf32, #tpu.memory_space<vmem>>
      %dma_start3A_102 = arith.constant 0 : i32
      %dma_start3A_103 = tpu.memref_slice %arg5[%add3A_93, %dma_start3A_102] : memref<40x128xi32, #tpu.memory_space<vmem>> -> memref<1x128xi32, #tpu.memory_space<vmem>>
      %dma_start3A_104 = tpu.memref_squeeze %dma_start3A_103 : memref<1x128xi32, #tpu.memory_space<vmem>> -> memref<128xi32, #tpu.memory_space<vmem>>
      %dma_start3A_105 = arith.constant 0 : i32
      %dma_start3A_106 = arith.constant 0 : i32
      %dma_start3A_107 = tpu.memref_slice %arg2[%dma_start3A_105, %dma_start3A_106] : memref<20792x128xf32, #tpu.memory_space<hbm>> -> memref<20792x128xf32, #tpu.memory_space<hbm>>
      tpu.enqueue_indirect_dma source(%dma_start3A_107 : memref<20792x128xf32, #tpu.memory_space<hbm>>) target(%dma_start3A_101 : memref<128x128xf32, #tpu.memory_space<vmem>>) offsets(%dma_start3A_104 : memref<128xi32, #tpu.memory_space<vmem>>) semaphore(%arg8 : memref<!tpu.dma_semaphore, #tpu.memory_space<semaphore_mem>>)
      %mul3A_108 = arith.constant 2 : i32
      %mul3A_109 = arith.muli %add3A_89, %mul3A_108 : i32
      %add3A_110 = arith.constant 1 : i32
      %add3A_111 = arith.addi %mul3A_109, %add3A_110 : i32
      %dma_start3A_112 = arith.constant 1 : i32
      %dma_start3A_113 = arith.constant 0 : i32
      %dma_start3A_114 = arith.constant 0 : i32
      %dma_start3A_115 = tpu.memref_slice %arg6[%dma_start3A_112, %dma_start3A_113, %dma_start3A_114] : memref<2x256x128xf32, #tpu.memory_space<vmem>> -> memref<1x256x128xf32, #tpu.memory_space<vmem>>
      %dma_start3A_116 = tpu.memref_squeeze %dma_start3A_115 : memref<1x256x128xf32, #tpu.memory_space<vmem>> -> memref<256x128xf32, #tpu.memory_space<vmem>>
      %dma_start3A_117 = arith.constant 128 : i32
      %dma_start3A_118 = arith.constant 0 : i32
      %dma_start3A_119 = tpu.memref_slice %dma_start3A_116[%dma_start3A_117, %dma_start3A_118] : memref<256x128xf32, #tpu.memory_space<vmem>> -> memref<128x128xf32, #tpu.memory_space<vmem>>
      %dma_start3A_120 = arith.constant 0 : i32
      %dma_start3A_121 = tpu.memref_slice %arg5[%add3A_111, %dma_start3A_120] : memref<40x128xi32, #tpu.memory_space<vmem>> -> memref<1x128xi32, #tpu.memory_space<vmem>>
      %dma_start3A_122 = tpu.memref_squeeze %dma_start3A_121 : memref<1x128xi32, #tpu.memory_space<vmem>> -> memref<128xi32, #tpu.memory_space<vmem>>
      %dma_start3A_123 = arith.constant 0 : i32
      %dma_start3A_124 = arith.constant 0 : i32
      %dma_start3A_125 = tpu.memref_slice %arg2[%dma_start3A_123, %dma_start3A_124] : memref<20792x128xf32, #tpu.memory_space<hbm>> -> memref<20792x128xf32, #tpu.memory_space<hbm>>
      tpu.enqueue_indirect_dma source(%dma_start3A_125 : memref<20792x128xf32, #tpu.memory_space<hbm>>) target(%dma_start3A_119 : memref<128x128xf32, #tpu.memory_space<vmem>>) offsets(%dma_start3A_122 : memref<128xi32, #tpu.memory_space<vmem>>) semaphore(%arg8 : memref<!tpu.dma_semaphore, #tpu.memory_space<semaphore_mem>>)
      %dma_wait3A_126 = arith.constant 1 : i32
      %dma_wait3A_127 = arith.constant 0 : i32
      %dma_wait3A_128 = arith.constant 0 : i32
      %dma_wait3A_129 = tpu.memref_slice %arg6[%dma_wait3A_126, %dma_wait3A_127, %dma_wait3A_128] : memref<2x256x128xf32, #tpu.memory_space<vmem>> -> memref<1x256x128xf32, #tpu.memory_space<vmem>>
      %dma_wait3A_130 = tpu.memref_squeeze %dma_wait3A_129 : memref<1x256x128xf32, #tpu.memory_space<vmem>> -> memref<256x128xf32, #tpu.memory_space<vmem>>
      %dma_wait3A_131 = arith.constant 0 : i32
      %dma_wait3A_132 = arith.constant 0 : i32
      %dma_wait3A_133 = tpu.memref_slice %arg4[%dma_wait3A_131, %dma_wait3A_132] : memref<163840x128xf32, #tpu.memory_space<hbm>> -> memref<256x128xf32, #tpu.memory_space<hbm>>
      %dma_wait3A_134 = arith.constant 0 : i32
      %dma_wait3A_135 = arith.constant 0 : i32
      %dma_wait3A_136 = tpu.memref_slice %arg6[%dma_wait3A_126, %dma_wait3A_134, %dma_wait3A_135] : memref<2x256x128xf32, #tpu.memory_space<vmem>> -> memref<1x256x128xf32, #tpu.memory_space<vmem>>
      %dma_wait3A_137 = tpu.memref_squeeze %dma_wait3A_136 : memref<1x256x128xf32, #tpu.memory_space<vmem>> -> memref<256x128xf32, #tpu.memory_space<vmem>>
      %dma_wait3A_138 = arith.constant 0 : i32
      %dma_wait3A_139 = arith.constant 0 : i32
      %dma_wait3A_140 = tpu.memref_slice %arg4[%dma_wait3A_138, %dma_wait3A_139] : memref<163840x128xf32, #tpu.memory_space<hbm>> -> memref<256x128xf32, #tpu.memory_space<hbm>>
      tpu.wait_dma2 semaphore(%arg8 : memref<!tpu.dma_semaphore, #tpu.memory_space<semaphore_mem>>) src(%dma_wait3A_140 : memref<256x128xf32, #tpu.memory_space<hbm>>) dst(%dma_wait3A_137 : memref<256x128xf32, #tpu.memory_space<vmem>>)
      %add3A_141 = arith.constant 1 : i32
      %add3A_142 = arith.addi %mul3A_54, %add3A_141 : i32
      %mul3A_143 = arith.constant 256 : i32
      %mul3A_144 = arith.muli %add3A_142, %mul3A_143 : i32
      %add3A_145 = arith.addi %mul3A_4, %mul3A_144 : i32
      %dma_start3A_146 = arith.constant 1 : i32
      %dma_start3A_147 = arith.constant 0 : i32
      %dma_start3A_148 = arith.constant 0 : i32
      %dma_start3A_149 = tpu.memref_slice %arg6[%dma_start3A_146, %dma_start3A_147, %dma_start3A_148] : memref<2x256x128xf32, #tpu.memory_space<vmem>> -> memref<1x256x128xf32, #tpu.memory_space<vmem>>
      %dma_start3A_150 = tpu.memref_squeeze %dma_start3A_149 : memref<1x256x128xf32, #tpu.memory_space<vmem>> -> memref<256x128xf32, #tpu.memory_space<vmem>>
      %dma_start3A_151 = arith.constant 0 : i32
      %dma_start3A_152 = tpu.memref_slice %arg4[%add3A_145, %dma_start3A_151] : memref<163840x128xf32, #tpu.memory_space<hbm>> -> memref<256x128xf32, #tpu.memory_space<hbm>>
      %dma_start3A_153 = arith.constant 0 : i32
      %dma_start3A_154 = tpu.memref_slice %arg4[%add3A_145, %dma_start3A_153] : memref<163840x128xf32, #tpu.memory_space<hbm>> -> memref<256x128xf32, #tpu.memory_space<hbm>>
      %dma_start3A_155 = arith.constant 0 : i32
      %dma_start3A_156 = arith.constant 0 : i32
      %dma_start3A_157 = tpu.memref_slice %arg6[%dma_start3A_146, %dma_start3A_155, %dma_start3A_156] : memref<2x256x128xf32, #tpu.memory_space<vmem>> -> memref<1x256x128xf32, #tpu.memory_space<vmem>>
      %dma_start3A_158 = tpu.memref_squeeze %dma_start3A_157 : memref<1x256x128xf32, #tpu.memory_space<vmem>> -> memref<256x128xf32, #tpu.memory_space<vmem>>
      tpu.enqueue_dma source(%dma_start3A_158 : memref<256x128xf32, #tpu.memory_space<vmem>>) target(%dma_start3A_154 : memref<256x128xf32, #tpu.memory_space<hbm>>) target_semaphore(%arg10 : memref<!tpu.dma_semaphore, #tpu.memory_space<semaphore_mem>>)
      %dma_wait3A_159 = arith.constant 0 : i32
      %dma_wait3A_160 = arith.constant 0 : i32
      %dma_wait3A_161 = arith.constant 0 : i32
      %dma_wait3A_162 = tpu.memref_slice %arg6[%dma_wait3A_159, %dma_wait3A_160, %dma_wait3A_161] : memref<2x256x128xf32, #tpu.memory_space<vmem>> -> memref<1x256x128xf32, #tpu.memory_space<vmem>>
      %dma_wait3A_163 = tpu.memref_squeeze %dma_wait3A_162 : memref<1x256x128xf32, #tpu.memory_space<vmem>> -> memref<256x128xf32, #tpu.memory_space<vmem>>
      %dma_wait3A_164 = arith.constant 0 : i32
      %dma_wait3A_165 = arith.constant 0 : i32
      %dma_wait3A_166 = tpu.memref_slice %arg4[%dma_wait3A_164, %dma_wait3A_165] : memref<163840x128xf32, #tpu.memory_space<hbm>> -> memref<256x128xf32, #tpu.memory_space<hbm>>
      %dma_wait3A_167 = arith.constant 0 : i32
      %dma_wait3A_168 = arith.constant 0 : i32
      %dma_wait3A_169 = tpu.memref_slice %arg4[%dma_wait3A_167, %dma_wait3A_168] : memref<163840x128xf32, #tpu.memory_space<hbm>> -> memref<256x128xf32, #tpu.memory_space<hbm>>
      %dma_wait3A_170 = arith.constant 0 : i32
      %dma_wait3A_171 = arith.constant 0 : i32
      %dma_wait3A_172 = tpu.memref_slice %arg6[%dma_wait3A_159, %dma_wait3A_170, %dma_wait3A_171] : memref<2x256x128xf32, #tpu.memory_space<vmem>> -> memref<1x256x128xf32, #tpu.memory_space<vmem>>
      %dma_wait3A_173 = tpu.memref_squeeze %dma_wait3A_172 : memref<1x256x128xf32, #tpu.memory_space<vmem>> -> memref<256x128xf32, #tpu.memory_space<vmem>>
      tpu.wait_dma2 semaphore(%arg9 : memref<!tpu.dma_semaphore, #tpu.memory_space<semaphore_mem>>) src(%dma_wait3A_173 : memref<256x128xf32, #tpu.memory_space<vmem>>) dst(%dma_wait3A_169 : memref<256x128xf32, #tpu.memory_space<hbm>>)
      %lt3A = arith.constant 9 : i32
      %lt3A_174 = arith.cmpi slt, %scan3A_52, %lt3A : i32
      %convert_element_type3A_175 = arith.extui %lt3A_174 : i1 to i32
      %cond3A_176 = arith.constant 0 : i32
      %cond3A_177 = arith.cmpi ne, %convert_element_type3A_175, %cond3A_176 : i32
      scf.if %cond3A_177 {
        %add3A_178 = arith.constant 2 : i32
        %add3A_179 = arith.addi %mul3A_54, %add3A_178 : i32
        %mul3A_180 = arith.constant 2 : i32
        %mul3A_181 = arith.muli %add3A_179, %mul3A_180 : i32
        %add3A_182 = arith.constant 0 : i32
        %add3A_183 = arith.addi %mul3A_181, %add3A_182 : i32
        %dma_start3A_184 = arith.constant 0 : i32
        %dma_start3A_185 = arith.constant 0 : i32
        %dma_start3A_186 = arith.constant 0 : i32
        %dma_start3A_187 = tpu.memref_slice %arg6[%dma_start3A_184, %dma_start3A_185, %dma_start3A_186] : memref<2x256x128xf32, #tpu.memory_space<vmem>> -> memref<1x256x128xf32, #tpu.memory_space<vmem>>
        %dma_start3A_188 = tpu.memref_squeeze %dma_start3A_187 : memref<1x256x128xf32, #tpu.memory_space<vmem>> -> memref<256x128xf32, #tpu.memory_space<vmem>>
        %dma_start3A_189 = arith.constant 0 : i32
        %dma_start3A_190 = arith.constant 0 : i32
        %dma_start3A_191 = tpu.memref_slice %dma_start3A_188[%dma_start3A_189, %dma_start3A_190] : memref<256x128xf32, #tpu.memory_space<vmem>> -> memref<128x128xf32, #tpu.memory_space<vmem>>
        %dma_start3A_192 = arith.constant 0 : i32
        %dma_start3A_193 = tpu.memref_slice %arg5[%add3A_183, %dma_start3A_192] : memref<40x128xi32, #tpu.memory_space<vmem>> -> memref<1x128xi32, #tpu.memory_space<vmem>>
        %dma_start3A_194 = tpu.memref_squeeze %dma_start3A_193 : memref<1x128xi32, #tpu.memory_space<vmem>> -> memref<128xi32, #tpu.memory_space<vmem>>
        %dma_start3A_195 = arith.constant 0 : i32
        %dma_start3A_196 = arith.constant 0 : i32
        %dma_start3A_197 = tpu.memref_slice %arg2[%dma_start3A_195, %dma_start3A_196] : memref<20792x128xf32, #tpu.memory_space<hbm>> -> memref<20792x128xf32, #tpu.memory_space<hbm>>
        tpu.enqueue_indirect_dma source(%dma_start3A_197 : memref<20792x128xf32, #tpu.memory_space<hbm>>) target(%dma_start3A_191 : memref<128x128xf32, #tpu.memory_space<vmem>>) offsets(%dma_start3A_194 : memref<128xi32, #tpu.memory_space<vmem>>) semaphore(%arg7 : memref<!tpu.dma_semaphore, #tpu.memory_space<semaphore_mem>>)
        %mul3A_198 = arith.constant 2 : i32
        %mul3A_199 = arith.muli %add3A_179, %mul3A_198 : i32
        %add3A_200 = arith.constant 1 : i32
        %add3A_201 = arith.addi %mul3A_199, %add3A_200 : i32
        %dma_start3A_202 = arith.constant 0 : i32
        %dma_start3A_203 = arith.constant 0 : i32
        %dma_start3A_204 = arith.constant 0 : i32
        %dma_start3A_205 = tpu.memref_slice %arg6[%dma_start3A_202, %dma_start3A_203, %dma_start3A_204] : memref<2x256x128xf32, #tpu.memory_space<vmem>> -> memref<1x256x128xf32, #tpu.memory_space<vmem>>
        %dma_start3A_206 = tpu.memref_squeeze %dma_start3A_205 : memref<1x256x128xf32, #tpu.memory_space<vmem>> -> memref<256x128xf32, #tpu.memory_space<vmem>>
        %dma_start3A_207 = arith.constant 128 : i32
        %dma_start3A_208 = arith.constant 0 : i32
        %dma_start3A_209 = tpu.memref_slice %dma_start3A_206[%dma_start3A_207, %dma_start3A_208] : memref<256x128xf32, #tpu.memory_space<vmem>> -> memref<128x128xf32, #tpu.memory_space<vmem>>
        %dma_start3A_210 = arith.constant 0 : i32
        %dma_start3A_211 = tpu.memref_slice %arg5[%add3A_201, %dma_start3A_210] : memref<40x128xi32, #tpu.memory_space<vmem>> -> memref<1x128xi32, #tpu.memory_space<vmem>>
        %dma_start3A_212 = tpu.memref_squeeze %dma_start3A_211 : memref<1x128xi32, #tpu.memory_space<vmem>> -> memref<128xi32, #tpu.memory_space<vmem>>
        %dma_start3A_213 = arith.constant 0 : i32
        %dma_start3A_214 = arith.constant 0 : i32
        %dma_start3A_215 = tpu.memref_slice %arg2[%dma_start3A_213, %dma_start3A_214] : memref<20792x128xf32, #tpu.memory_space<hbm>> -> memref<20792x128xf32, #tpu.memory_space<hbm>>
        tpu.enqueue_indirect_dma source(%dma_start3A_215 : memref<20792x128xf32, #tpu.memory_space<hbm>>) target(%dma_start3A_209 : memref<128x128xf32, #tpu.memory_space<vmem>>) offsets(%dma_start3A_212 : memref<128xi32, #tpu.memory_space<vmem>>) semaphore(%arg7 : memref<!tpu.dma_semaphore, #tpu.memory_space<semaphore_mem>>)
      } else {
      }
    }
    %scan3A_37 = arith.constant 10 : i32
    %dma_wait3A = arith.constant 1 : i32
    %dma_wait3A_38 = arith.constant 0 : i32
    %dma_wait3A_39 = arith.constant 0 : i32
    %dma_wait3A_40 = tpu.memref_slice %arg6[%dma_wait3A, %dma_wait3A_38, %dma_wait3A_39] : memref<2x256x128xf32, #tpu.memory_space<vmem>> -> memref<1x256x128xf32, #tpu.memory_space<vmem>>
    %dma_wait3A_41 = tpu.memref_squeeze %dma_wait3A_40 : memref<1x256x128xf32, #tpu.memory_space<vmem>> -> memref<256x128xf32, #tpu.memory_space<vmem>>
    %dma_wait3A_42 = arith.constant 0 : i32
    %dma_wait3A_43 = arith.constant 0 : i32
    %dma_wait3A_44 = tpu.memref_slice %arg4[%dma_wait3A_42, %dma_wait3A_43] : memref<163840x128xf32, #tpu.memory_space<hbm>> -> memref<256x128xf32, #tpu.memory_space<hbm>>
    %dma_wait3A_45 = arith.constant 0 : i32
    %dma_wait3A_46 = arith.constant 0 : i32
    %dma_wait3A_47 = tpu.memref_slice %arg4[%dma_wait3A_45, %dma_wait3A_46] : memref<163840x128xf32, #tpu.memory_space<hbm>> -> memref<256x128xf32, #tpu.memory_space<hbm>>
    %dma_wait3A_48 = arith.constant 0 : i32
    %dma_wait3A_49 = arith.constant 0 : i32
    %dma_wait3A_50 = tpu.memref_slice %arg6[%dma_wait3A, %dma_wait3A_48, %dma_wait3A_49] : memref<2x256x128xf32, #tpu.memory_space<vmem>> -> memref<1x256x128xf32, #tpu.memory_space<vmem>>
    %dma_wait3A_51 = tpu.memref_squeeze %dma_wait3A_50 : memref<1x256x128xf32, #tpu.memory_space<vmem>> -> memref<256x128xf32, #tpu.memory_space<vmem>>
    tpu.wait_dma2 semaphore(%arg10 : memref<!tpu.dma_semaphore, #tpu.memory_space<semaphore_mem>>) src(%dma_wait3A_51 : memref<256x128xf32, #tpu.memory_space<vmem>>) dst(%dma_wait3A_47 : memref<256x128xf32, #tpu.memory_space<hbm>>)
    return
  }
}

module attributes {stable_mosaic.version = 14 : i64} {
  func.func @body(%arg0: i32, %arg1: memref<1x1x4096xi32, #tpu.memory_space<vmem>>, %arg2: memref<4096x128xf32, #tpu.memory_space<vmem>>, %arg3: memref<128x128xf32, #tpu.memory_space<vmem>>, %arg4: memref<1x128xf32, #tpu.memory_space<vmem>>, %arg5: memref<1x128xf32, #tpu.memory_space<vmem>>, %arg6: memref<4096x128xf32, #tpu.memory_space<vmem>>) attributes {dimension_semantics = [#tpu.dimension_semantics<arbitrary>], iteration_bounds = array<i64: 40>, scalar_prefetch = 0 : i64, scratch_operands = 0 : i64, tpu.core_type = #tpu.core_type<tc>, window_params = [{transform_indices = @transform_0, window_bounds = array<i64: 1, 1, 4096>}, {transform_indices = @transform_1, window_bounds = array<i64: 4096, 128>}, {pipeline_mode = #tpu.pipeline_mode<synchronous>, transform_indices = @transform_2, window_bounds = array<i64: 128, 128>}, {pipeline_mode = #tpu.pipeline_mode<synchronous>, transform_indices = @transform_3, window_bounds = array<i64: 1, 128>}, {pipeline_mode = #tpu.pipeline_mode<synchronous>, transform_indices = @transform_4, window_bounds = array<i64: 1, 128>}, {transform_indices = @transform_5, window_bounds = array<i64: 4096, 128>}]} {
    %get3A = arith.constant 0 : index
    %get3A_0 = arith.constant 0 : index
    %get3A_1 = arith.constant 0 : index
    %get3A_2 = vector.load %arg1[%get3A, %get3A_0, %get3A_1] : memref<1x1x4096xi32, #tpu.memory_space<vmem>>, vector<1x1x4096xi32>
    %get3A_3 = vector.shape_cast %get3A_2 : vector<1x1x4096xi32> to vector<4096xi32>
    %broadcast_in_dim3A = vector.shape_cast %get3A_3 : vector<4096xi32> to vector<4096x1xi32>
    %iota3A = tpu.iota {dimensions = array<i32: 1>} : vector<4096x128xi32>
    %eq3A = vector.broadcast %broadcast_in_dim3A : vector<4096x1xi32> to vector<4096x128xi32>
    %eq3A_4 = arith.cmpi eq, %eq3A, %iota3A : vector<4096x128xi32>
    %convert_element_type3A = arith.extui %eq3A_4 : vector<4096x128xi1> to vector<4096x128xi32>
    %convert_element_type3A_5 = arith.sitofp %convert_element_type3A : vector<4096x128xi32> to vector<4096x128xf32>
    %get3A_6 = arith.constant 0 : index
    %get3A_7 = arith.constant 0 : index
    %get3A_8 = vector.load %arg3[%get3A_6, %get3A_7] : memref<128x128xf32, #tpu.memory_space<vmem>>, vector<128x128xf32>
    %dot_general3A = arith.constant dense<0.000000e+00> : vector<4096x128xf32>
    %dot_general3A_9 = tpu.matmul %convert_element_type3A_5, %get3A_8, %dot_general3A {dimension_numbers = #tpu.dot_dimension_numbers<[1], [0], [0], [1], [0, 0, 1, 1], [], []>, transpose_lhs_hint = false} : vector<4096x128xf32>, vector<128x128xf32>, vector<4096x128xf32> -> vector<4096x128xf32>
    %get3A_10 = arith.constant 0 : index
    %get3A_11 = arith.constant 0 : index
    %get3A_12 = vector.load %arg2[%get3A_10, %get3A_11] : memref<4096x128xf32, #tpu.memory_space<vmem>>, vector<4096x128xf32>
    %add3A = arith.addf %get3A_12, %dot_general3A_9 : vector<4096x128xf32>
    %broadcast_in_dim3A_13 = arith.constant 7.812500e-03 : f32
    %broadcast_in_dim3A_14 = vector.broadcast %broadcast_in_dim3A_13 : f32 to vector<128x128xf32>
    %dot_general3A_15 = arith.constant dense<0.000000e+00> : vector<4096x128xf32>
    %dot_general3A_16 = tpu.matmul %add3A, %broadcast_in_dim3A_14, %dot_general3A_15 {dimension_numbers = #tpu.dot_dimension_numbers<[1], [0], [0], [1], [0, 0, 1, 1], [], []>, transpose_lhs_hint = false} : vector<4096x128xf32>, vector<128x128xf32>, vector<4096x128xf32> -> vector<4096x128xf32>
    %sub3A = arith.subf %add3A, %dot_general3A_16 : vector<4096x128xf32>
    %mul3A = arith.mulf %sub3A, %sub3A : vector<4096x128xf32>
    %dot_general3A_17 = arith.constant dense<0.000000e+00> : vector<4096x128xf32>
    %dot_general3A_18 = tpu.matmul %mul3A, %broadcast_in_dim3A_14, %dot_general3A_17 {dimension_numbers = #tpu.dot_dimension_numbers<[1], [0], [0], [1], [0, 0, 1, 1], [], []>, transpose_lhs_hint = false} : vector<4096x128xf32>, vector<128x128xf32>, vector<4096x128xf32> -> vector<4096x128xf32>
    %add3A_19 = arith.constant 9.99999996E-13 : f32
    %add3A_20 = vector.broadcast %add3A_19 : f32 to vector<4096x128xf32>
    %add3A_21 = arith.addf %dot_general3A_18, %add3A_20 : vector<4096x128xf32>
    %rsqrt3A = math.rsqrt %add3A_21 : vector<4096x128xf32>
    %mul3A_22 = arith.mulf %sub3A, %rsqrt3A : vector<4096x128xf32>
    %get3A_23 = arith.constant 0 : index
    %get3A_24 = arith.constant 0 : index
    %get3A_25 = vector.load %arg4[%get3A_23, %get3A_24] : memref<1x128xf32, #tpu.memory_space<vmem>>, vector<1x128xf32>
    %mul3A_26 = vector.broadcast %get3A_25 : vector<1x128xf32> to vector<4096x128xf32>
    %mul3A_27 = arith.mulf %mul3A_22, %mul3A_26 : vector<4096x128xf32>
    %get3A_28 = arith.constant 0 : index
    %get3A_29 = arith.constant 0 : index
    %get3A_30 = vector.load %arg5[%get3A_28, %get3A_29] : memref<1x128xf32, #tpu.memory_space<vmem>>, vector<1x128xf32>
    %add3A_31 = vector.broadcast %get3A_30 : vector<1x128xf32> to vector<4096x128xf32>
    %add3A_32 = arith.addf %mul3A_27, %add3A_31 : vector<4096x128xf32>
    %swap3A = arith.constant 0 : index
    %swap3A_33 = arith.constant 0 : index
    %swap3A_34 = vector.load %arg6[%swap3A, %swap3A_33] : memref<4096x128xf32, #tpu.memory_space<vmem>>, vector<4096x128xf32>
    tpu.vector_store %arg6[%swap3A, %swap3A_33], %add3A_32 {strides = array<i32>} : memref<4096x128xf32, #tpu.memory_space<vmem>>, vector<4096x128xf32>,
    return
  }
  func.func @transform_0(%arg0: i32) -> (i32, i32, i32) {
    %c0_i32 = arith.constant 0 : i32
    %c0_i32_0 = arith.constant 0 : i32
    %c0_i32_1 = arith.constant 0 : i32
    return %arg0, %c0_i32, %c0_i32_0 : i32, i32, i32
  }
  func.func @transform_1(%arg0: i32) -> (i32, i32) {
    %c0_i32 = arith.constant 0 : i32
    %c0_i32_0 = arith.constant 0 : i32
    return %arg0, %c0_i32 : i32, i32
  }
  func.func @transform_2(%arg0: i32) -> (i32, i32) {
    %c0_i32 = arith.constant 0 : i32
    %c0_i32_0 = arith.constant 0 : i32
    %c0_i32_1 = arith.constant 0 : i32
    return %c0_i32, %c0_i32_0 : i32, i32
  }
  func.func @transform_3(%arg0: i32) -> (i32, i32) {
    %c0_i32 = arith.constant 0 : i32
    %c0_i32_0 = arith.constant 0 : i32
    %c0_i32_1 = arith.constant 0 : i32
    return %c0_i32, %c0_i32_0 : i32, i32
  }
  func.func @transform_4(%arg0: i32) -> (i32, i32) {
    %c0_i32 = arith.constant 0 : i32
    %c0_i32_0 = arith.constant 0 : i32
    %c0_i32_1 = arith.constant 0 : i32
    return %c0_i32, %c0_i32_0 : i32, i32
  }
  func.func @transform_5(%arg0: i32) -> (i32, i32) {
    %add3A = arith.constant 0 : i32
    %add3A_0 = arith.addi %add3A, %arg0 : i32
    %c0_i32 = arith.constant 0 : i32
    %c0_i32_1 = arith.constant 0 : i32
    return %add3A_0, %c0_i32 : i32, i32
  }
}

module attributes {stable_mosaic.version = 14 : i64} {
  func.func @body(%arg0: i32, %arg1: memref<819200x128xf32, #tpu.memory_space<any>>, %arg2: memref<1x1x4096xi32, #tpu.memory_space<vmem>>, %arg3: memref<4096x128xf32, #tpu.memory_space<vmem>>, %arg4: memref<128x128xf32, #tpu.memory_space<vmem>>, %arg5: memref<1x128xf32, #tpu.memory_space<vmem>>, %arg6: memref<1x128xf32, #tpu.memory_space<vmem>>, %arg7: memref<4096x128xf32, #tpu.memory_space<vmem>>) attributes {dimension_semantics = [#tpu.dimension_semantics<arbitrary>], iteration_bounds = array<i64: 40>, scalar_prefetch = 0 : i64, scratch_operands = 0 : i64, tpu.core_type = #tpu.core_type<tc>, window_params = [{}, {transform_indices = @transform_1, window_bounds = array<i64: 1, 1, 4096>}, {transform_indices = @transform_2, window_bounds = array<i64: 4096, 128>}, {pipeline_mode = #tpu.pipeline_mode<synchronous>, transform_indices = @transform_3, window_bounds = array<i64: 128, 128>}, {pipeline_mode = #tpu.pipeline_mode<synchronous>, transform_indices = @transform_4, window_bounds = array<i64: 1, 128>}, {pipeline_mode = #tpu.pipeline_mode<synchronous>, transform_indices = @transform_5, window_bounds = array<i64: 1, 128>}, {transform_indices = @transform_6, window_bounds = array<i64: 4096, 128>}]} {
    %get3A = arith.constant 0 : index
    %get3A_0 = arith.constant 0 : index
    %get3A_1 = arith.constant 0 : index
    %get3A_2 = vector.load %arg2[%get3A, %get3A_0, %get3A_1] : memref<1x1x4096xi32, #tpu.memory_space<vmem>>, vector<1x1x4096xi32>
    %get3A_3 = vector.shape_cast %get3A_2 : vector<1x1x4096xi32> to vector<4096xi32>
    %broadcast_in_dim3A = vector.shape_cast %get3A_3 : vector<4096xi32> to vector<4096x1xi32>
    %iota3A = tpu.iota {dimensions = array<i32: 1>} : vector<4096x128xi32>
    %eq3A = vector.broadcast %broadcast_in_dim3A : vector<4096x1xi32> to vector<4096x128xi32>
    %eq3A_4 = arith.cmpi eq, %eq3A, %iota3A : vector<4096x128xi32>
    %convert_element_type3A = arith.extui %eq3A_4 : vector<4096x128xi1> to vector<4096x128xi32>
    %convert_element_type3A_5 = arith.sitofp %convert_element_type3A : vector<4096x128xi32> to vector<4096x128xf32>
    %get3A_6 = arith.constant 0 : index
    %get3A_7 = arith.constant 0 : index
    %get3A_8 = vector.load %arg4[%get3A_6, %get3A_7] : memref<128x128xf32, #tpu.memory_space<vmem>>, vector<128x128xf32>
    %dot_general3A = arith.constant dense<0.000000e+00> : vector<4096x128xf32>
    %dot_general3A_9 = tpu.matmul %convert_element_type3A_5, %get3A_8, %dot_general3A {dimension_numbers = #tpu.dot_dimension_numbers<[1], [0], [0], [1], [0, 0, 1, 1], [], []>, transpose_lhs_hint = false} : vector<4096x128xf32>, vector<128x128xf32>, vector<4096x128xf32> -> vector<4096x128xf32>
    %get3A_10 = arith.constant 0 : index
    %get3A_11 = arith.constant 0 : index
    %get3A_12 = vector.load %arg3[%get3A_10, %get3A_11] : memref<4096x128xf32, #tpu.memory_space<vmem>>, vector<4096x128xf32>
    %add3A = arith.addf %get3A_12, %dot_general3A_9 : vector<4096x128xf32>
    %broadcast_in_dim3A_13 = arith.constant 7.812500e-03 : f32
    %broadcast_in_dim3A_14 = vector.broadcast %broadcast_in_dim3A_13 : f32 to vector<128x128xf32>
    %dot_general3A_15 = arith.constant dense<0.000000e+00> : vector<4096x128xf32>
    %dot_general3A_16 = tpu.matmul %add3A, %broadcast_in_dim3A_14, %dot_general3A_15 {dimension_numbers = #tpu.dot_dimension_numbers<[1], [0], [0], [1], [0, 0, 1, 1], [], []>, transpose_lhs_hint = false} : vector<4096x128xf32>, vector<128x128xf32>, vector<4096x128xf32> -> vector<4096x128xf32>
    %sub3A = arith.subf %add3A, %dot_general3A_16 : vector<4096x128xf32>
    %mul3A = arith.mulf %sub3A, %sub3A : vector<4096x128xf32>
    %dot_general3A_17 = arith.constant dense<0.000000e+00> : vector<4096x128xf32>
    %dot_general3A_18 = tpu.matmul %mul3A, %broadcast_in_dim3A_14, %dot_general3A_17 {dimension_numbers = #tpu.dot_dimension_numbers<[1], [0], [0], [1], [0, 0, 1, 1], [], []>, transpose_lhs_hint = false} : vector<4096x128xf32>, vector<128x128xf32>, vector<4096x128xf32> -> vector<4096x128xf32>
    %add3A_19 = arith.constant 9.99999996E-13 : f32
    %add3A_20 = vector.broadcast %add3A_19 : f32 to vector<4096x128xf32>
    %add3A_21 = arith.addf %dot_general3A_18, %add3A_20 : vector<4096x128xf32>
    %rsqrt3A = math.rsqrt %add3A_21 : vector<4096x128xf32>
    %mul3A_22 = arith.mulf %sub3A, %rsqrt3A : vector<4096x128xf32>
    %get3A_23 = arith.constant 0 : index
    %get3A_24 = arith.constant 0 : index
    %get3A_25 = vector.load %arg5[%get3A_23, %get3A_24] : memref<1x128xf32, #tpu.memory_space<vmem>>, vector<1x128xf32>
    %mul3A_26 = vector.broadcast %get3A_25 : vector<1x128xf32> to vector<4096x128xf32>
    %mul3A_27 = arith.mulf %mul3A_22, %mul3A_26 : vector<4096x128xf32>
    %get3A_28 = arith.constant 0 : index
    %get3A_29 = arith.constant 0 : index
    %get3A_30 = vector.load %arg6[%get3A_28, %get3A_29] : memref<1x128xf32, #tpu.memory_space<vmem>>, vector<1x128xf32>
    %add3A_31 = vector.broadcast %get3A_30 : vector<1x128xf32> to vector<4096x128xf32>
    %add3A_32 = arith.addf %mul3A_27, %add3A_31 : vector<4096x128xf32>
    %swap3A = arith.constant 0 : index
    %swap3A_33 = arith.constant 0 : index
    %swap3A_34 = vector.load %arg7[%swap3A, %swap3A_33] : memref<4096x128xf32, #tpu.memory_space<vmem>>, vector<4096x128xf32>
    tpu.vector_store %arg7[%swap3A, %swap3A_33], %add3A_32 {strides = array<i32>} : memref<4096x128xf32, #tpu.memory_space<vmem>>, vector<4096x128xf32>,
    return
  }
  func.func @transform_1(%arg0: i32) -> (i32, i32, i32) {
    %c0_i32 = arith.constant 0 : i32
    %c0_i32_0 = arith.constant 0 : i32
    %c0_i32_1 = arith.constant 0 : i32
    return %arg0, %c0_i32, %c0_i32_0 : i32, i32, i32
  }
  func.func @transform_2(%arg0: i32) -> (i32, i32) {
    %c0_i32 = arith.constant 0 : i32
    %c0_i32_0 = arith.constant 0 : i32
    return %arg0, %c0_i32 : i32, i32
  }
  func.func @transform_3(%arg0: i32) -> (i32, i32) {
    %c0_i32 = arith.constant 0 : i32
    %c0_i32_0 = arith.constant 0 : i32
    %c0_i32_1 = arith.constant 0 : i32
    return %c0_i32, %c0_i32_0 : i32, i32
  }
  func.func @transform_4(%arg0: i32) -> (i32, i32) {
    %c0_i32 = arith.constant 0 : i32
    %c0_i32_0 = arith.constant 0 : i32
    %c0_i32_1 = arith.constant 0 : i32
    return %c0_i32, %c0_i32_0 : i32, i32
  }
  func.func @transform_5(%arg0: i32) -> (i32, i32) {
    %c0_i32 = arith.constant 0 : i32
    %c0_i32_0 = arith.constant 0 : i32
    %c0_i32_1 = arith.constant 0 : i32
    return %c0_i32, %c0_i32_0 : i32, i32
  }
  func.func @transform_6(%arg0: i32) -> (i32, i32) {
    %add3A = arith.constant 40 : i32
    %add3A_0 = arith.addi %add3A, %arg0 : i32
    %c0_i32 = arith.constant 0 : i32
    %c0_i32_1 = arith.constant 0 : i32
    return %add3A_0, %c0_i32 : i32, i32
  }
}

module attributes {stable_mosaic.version = 14 : i64} {
  func.func @body(%arg0: i32, %arg1: memref<819200x128xf32, #tpu.memory_space<any>>, %arg2: memref<1x1x4096xi32, #tpu.memory_space<vmem>>, %arg3: memref<4096x128xf32, #tpu.memory_space<vmem>>, %arg4: memref<128x128xf32, #tpu.memory_space<vmem>>, %arg5: memref<1x128xf32, #tpu.memory_space<vmem>>, %arg6: memref<1x128xf32, #tpu.memory_space<vmem>>, %arg7: memref<4096x128xf32, #tpu.memory_space<vmem>>) attributes {dimension_semantics = [#tpu.dimension_semantics<arbitrary>], iteration_bounds = array<i64: 40>, scalar_prefetch = 0 : i64, scratch_operands = 0 : i64, tpu.core_type = #tpu.core_type<tc>, window_params = [{}, {transform_indices = @transform_1, window_bounds = array<i64: 1, 1, 4096>}, {transform_indices = @transform_2, window_bounds = array<i64: 4096, 128>}, {pipeline_mode = #tpu.pipeline_mode<synchronous>, transform_indices = @transform_3, window_bounds = array<i64: 128, 128>}, {pipeline_mode = #tpu.pipeline_mode<synchronous>, transform_indices = @transform_4, window_bounds = array<i64: 1, 128>}, {pipeline_mode = #tpu.pipeline_mode<synchronous>, transform_indices = @transform_5, window_bounds = array<i64: 1, 128>}, {transform_indices = @transform_6, window_bounds = array<i64: 4096, 128>}]} {
    %get3A = arith.constant 0 : index
    %get3A_0 = arith.constant 0 : index
    %get3A_1 = arith.constant 0 : index
    %get3A_2 = vector.load %arg2[%get3A, %get3A_0, %get3A_1] : memref<1x1x4096xi32, #tpu.memory_space<vmem>>, vector<1x1x4096xi32>
    %get3A_3 = vector.shape_cast %get3A_2 : vector<1x1x4096xi32> to vector<4096xi32>
    %broadcast_in_dim3A = vector.shape_cast %get3A_3 : vector<4096xi32> to vector<4096x1xi32>
    %iota3A = tpu.iota {dimensions = array<i32: 1>} : vector<4096x128xi32>
    %eq3A = vector.broadcast %broadcast_in_dim3A : vector<4096x1xi32> to vector<4096x128xi32>
    %eq3A_4 = arith.cmpi eq, %eq3A, %iota3A : vector<4096x128xi32>
    %convert_element_type3A = arith.extui %eq3A_4 : vector<4096x128xi1> to vector<4096x128xi32>
    %convert_element_type3A_5 = arith.sitofp %convert_element_type3A : vector<4096x128xi32> to vector<4096x128xf32>
    %get3A_6 = arith.constant 0 : index
    %get3A_7 = arith.constant 0 : index
    %get3A_8 = vector.load %arg4[%get3A_6, %get3A_7] : memref<128x128xf32, #tpu.memory_space<vmem>>, vector<128x128xf32>
    %dot_general3A = arith.constant dense<0.000000e+00> : vector<4096x128xf32>
    %dot_general3A_9 = tpu.matmul %convert_element_type3A_5, %get3A_8, %dot_general3A {dimension_numbers = #tpu.dot_dimension_numbers<[1], [0], [0], [1], [0, 0, 1, 1], [], []>, transpose_lhs_hint = false} : vector<4096x128xf32>, vector<128x128xf32>, vector<4096x128xf32> -> vector<4096x128xf32>
    %get3A_10 = arith.constant 0 : index
    %get3A_11 = arith.constant 0 : index
    %get3A_12 = vector.load %arg3[%get3A_10, %get3A_11] : memref<4096x128xf32, #tpu.memory_space<vmem>>, vector<4096x128xf32>
    %add3A = arith.addf %get3A_12, %dot_general3A_9 : vector<4096x128xf32>
    %broadcast_in_dim3A_13 = arith.constant 7.812500e-03 : f32
    %broadcast_in_dim3A_14 = vector.broadcast %broadcast_in_dim3A_13 : f32 to vector<128x128xf32>
    %dot_general3A_15 = arith.constant dense<0.000000e+00> : vector<4096x128xf32>
    %dot_general3A_16 = tpu.matmul %add3A, %broadcast_in_dim3A_14, %dot_general3A_15 {dimension_numbers = #tpu.dot_dimension_numbers<[1], [0], [0], [1], [0, 0, 1, 1], [], []>, transpose_lhs_hint = false} : vector<4096x128xf32>, vector<128x128xf32>, vector<4096x128xf32> -> vector<4096x128xf32>
    %sub3A = arith.subf %add3A, %dot_general3A_16 : vector<4096x128xf32>
    %mul3A = arith.mulf %sub3A, %sub3A : vector<4096x128xf32>
    %dot_general3A_17 = arith.constant dense<0.000000e+00> : vector<4096x128xf32>
    %dot_general3A_18 = tpu.matmul %mul3A, %broadcast_in_dim3A_14, %dot_general3A_17 {dimension_numbers = #tpu.dot_dimension_numbers<[1], [0], [0], [1], [0, 0, 1, 1], [], []>, transpose_lhs_hint = false} : vector<4096x128xf32>, vector<128x128xf32>, vector<4096x128xf32> -> vector<4096x128xf32>
    %add3A_19 = arith.constant 9.99999996E-13 : f32
    %add3A_20 = vector.broadcast %add3A_19 : f32 to vector<4096x128xf32>
    %add3A_21 = arith.addf %dot_general3A_18, %add3A_20 : vector<4096x128xf32>
    %rsqrt3A = math.rsqrt %add3A_21 : vector<4096x128xf32>
    %mul3A_22 = arith.mulf %sub3A, %rsqrt3A : vector<4096x128xf32>
    %get3A_23 = arith.constant 0 : index
    %get3A_24 = arith.constant 0 : index
    %get3A_25 = vector.load %arg5[%get3A_23, %get3A_24] : memref<1x128xf32, #tpu.memory_space<vmem>>, vector<1x128xf32>
    %mul3A_26 = vector.broadcast %get3A_25 : vector<1x128xf32> to vector<4096x128xf32>
    %mul3A_27 = arith.mulf %mul3A_22, %mul3A_26 : vector<4096x128xf32>
    %get3A_28 = arith.constant 0 : index
    %get3A_29 = arith.constant 0 : index
    %get3A_30 = vector.load %arg6[%get3A_28, %get3A_29] : memref<1x128xf32, #tpu.memory_space<vmem>>, vector<1x128xf32>
    %add3A_31 = vector.broadcast %get3A_30 : vector<1x128xf32> to vector<4096x128xf32>
    %add3A_32 = arith.addf %mul3A_27, %add3A_31 : vector<4096x128xf32>
    %swap3A = arith.constant 0 : index
    %swap3A_33 = arith.constant 0 : index
    %swap3A_34 = vector.load %arg7[%swap3A, %swap3A_33] : memref<4096x128xf32, #tpu.memory_space<vmem>>, vector<4096x128xf32>
    tpu.vector_store %arg7[%swap3A, %swap3A_33], %add3A_32 {strides = array<i32>} : memref<4096x128xf32, #tpu.memory_space<vmem>>, vector<4096x128xf32>,
    return
  }
  func.func @transform_1(%arg0: i32) -> (i32, i32, i32) {
    %c0_i32 = arith.constant 0 : i32
    %c0_i32_0 = arith.constant 0 : i32
    %c0_i32_1 = arith.constant 0 : i32
    return %arg0, %c0_i32, %c0_i32_0 : i32, i32, i32
  }
  func.func @transform_2(%arg0: i32) -> (i32, i32) {
    %c0_i32 = arith.constant 0 : i32
    %c0_i32_0 = arith.constant 0 : i32
    return %arg0, %c0_i32 : i32, i32
  }
  func.func @transform_3(%arg0: i32) -> (i32, i32) {
    %c0_i32 = arith.constant 0 : i32
    %c0_i32_0 = arith.constant 0 : i32
    %c0_i32_1 = arith.constant 0 : i32
    return %c0_i32, %c0_i32_0 : i32, i32
  }
  func.func @transform_4(%arg0: i32) -> (i32, i32) {
    %c0_i32 = arith.constant 0 : i32
    %c0_i32_0 = arith.constant 0 : i32
    %c0_i32_1 = arith.constant 0 : i32
    return %c0_i32, %c0_i32_0 : i32, i32
  }
  func.func @transform_5(%arg0: i32) -> (i32, i32) {
    %c0_i32 = arith.constant 0 : i32
    %c0_i32_0 = arith.constant 0 : i32
    %c0_i32_1 = arith.constant 0 : i32
    return %c0_i32, %c0_i32_0 : i32, i32
  }
  func.func @transform_6(%arg0: i32) -> (i32, i32) {
    %add3A = arith.constant 80 : i32
    %add3A_0 = arith.addi %add3A, %arg0 : i32
    %c0_i32 = arith.constant 0 : i32
    %c0_i32_1 = arith.constant 0 : i32
    return %add3A_0, %c0_i32 : i32, i32
  }
}

module attributes {stable_mosaic.version = 14 : i64} {
  func.func @body(%arg0: i32, %arg1: memref<819200x128xf32, #tpu.memory_space<any>>, %arg2: memref<1x1x4096xi32, #tpu.memory_space<vmem>>, %arg3: memref<4096x128xf32, #tpu.memory_space<vmem>>, %arg4: memref<128x128xf32, #tpu.memory_space<vmem>>, %arg5: memref<1x128xf32, #tpu.memory_space<vmem>>, %arg6: memref<1x128xf32, #tpu.memory_space<vmem>>, %arg7: memref<4096x128xf32, #tpu.memory_space<vmem>>) attributes {dimension_semantics = [#tpu.dimension_semantics<arbitrary>], iteration_bounds = array<i64: 40>, scalar_prefetch = 0 : i64, scratch_operands = 0 : i64, tpu.core_type = #tpu.core_type<tc>, window_params = [{}, {transform_indices = @transform_1, window_bounds = array<i64: 1, 1, 4096>}, {transform_indices = @transform_2, window_bounds = array<i64: 4096, 128>}, {pipeline_mode = #tpu.pipeline_mode<synchronous>, transform_indices = @transform_3, window_bounds = array<i64: 128, 128>}, {pipeline_mode = #tpu.pipeline_mode<synchronous>, transform_indices = @transform_4, window_bounds = array<i64: 1, 128>}, {pipeline_mode = #tpu.pipeline_mode<synchronous>, transform_indices = @transform_5, window_bounds = array<i64: 1, 128>}, {transform_indices = @transform_6, window_bounds = array<i64: 4096, 128>}]} {
    %get3A = arith.constant 0 : index
    %get3A_0 = arith.constant 0 : index
    %get3A_1 = arith.constant 0 : index
    %get3A_2 = vector.load %arg2[%get3A, %get3A_0, %get3A_1] : memref<1x1x4096xi32, #tpu.memory_space<vmem>>, vector<1x1x4096xi32>
    %get3A_3 = vector.shape_cast %get3A_2 : vector<1x1x4096xi32> to vector<4096xi32>
    %broadcast_in_dim3A = vector.shape_cast %get3A_3 : vector<4096xi32> to vector<4096x1xi32>
    %iota3A = tpu.iota {dimensions = array<i32: 1>} : vector<4096x128xi32>
    %eq3A = vector.broadcast %broadcast_in_dim3A : vector<4096x1xi32> to vector<4096x128xi32>
    %eq3A_4 = arith.cmpi eq, %eq3A, %iota3A : vector<4096x128xi32>
    %convert_element_type3A = arith.extui %eq3A_4 : vector<4096x128xi1> to vector<4096x128xi32>
    %convert_element_type3A_5 = arith.sitofp %convert_element_type3A : vector<4096x128xi32> to vector<4096x128xf32>
    %get3A_6 = arith.constant 0 : index
    %get3A_7 = arith.constant 0 : index
    %get3A_8 = vector.load %arg4[%get3A_6, %get3A_7] : memref<128x128xf32, #tpu.memory_space<vmem>>, vector<128x128xf32>
    %dot_general3A = arith.constant dense<0.000000e+00> : vector<4096x128xf32>
    %dot_general3A_9 = tpu.matmul %convert_element_type3A_5, %get3A_8, %dot_general3A {dimension_numbers = #tpu.dot_dimension_numbers<[1], [0], [0], [1], [0, 0, 1, 1], [], []>, transpose_lhs_hint = false} : vector<4096x128xf32>, vector<128x128xf32>, vector<4096x128xf32> -> vector<4096x128xf32>
    %get3A_10 = arith.constant 0 : index
    %get3A_11 = arith.constant 0 : index
    %get3A_12 = vector.load %arg3[%get3A_10, %get3A_11] : memref<4096x128xf32, #tpu.memory_space<vmem>>, vector<4096x128xf32>
    %add3A = arith.addf %get3A_12, %dot_general3A_9 : vector<4096x128xf32>
    %broadcast_in_dim3A_13 = arith.constant 7.812500e-03 : f32
    %broadcast_in_dim3A_14 = vector.broadcast %broadcast_in_dim3A_13 : f32 to vector<128x128xf32>
    %dot_general3A_15 = arith.constant dense<0.000000e+00> : vector<4096x128xf32>
    %dot_general3A_16 = tpu.matmul %add3A, %broadcast_in_dim3A_14, %dot_general3A_15 {dimension_numbers = #tpu.dot_dimension_numbers<[1], [0], [0], [1], [0, 0, 1, 1], [], []>, transpose_lhs_hint = false} : vector<4096x128xf32>, vector<128x128xf32>, vector<4096x128xf32> -> vector<4096x128xf32>
    %sub3A = arith.subf %add3A, %dot_general3A_16 : vector<4096x128xf32>
    %mul3A = arith.mulf %sub3A, %sub3A : vector<4096x128xf32>
    %dot_general3A_17 = arith.constant dense<0.000000e+00> : vector<4096x128xf32>
    %dot_general3A_18 = tpu.matmul %mul3A, %broadcast_in_dim3A_14, %dot_general3A_17 {dimension_numbers = #tpu.dot_dimension_numbers<[1], [0], [0], [1], [0, 0, 1, 1], [], []>, transpose_lhs_hint = false} : vector<4096x128xf32>, vector<128x128xf32>, vector<4096x128xf32> -> vector<4096x128xf32>
    %add3A_19 = arith.constant 9.99999996E-13 : f32
    %add3A_20 = vector.broadcast %add3A_19 : f32 to vector<4096x128xf32>
    %add3A_21 = arith.addf %dot_general3A_18, %add3A_20 : vector<4096x128xf32>
    %rsqrt3A = math.rsqrt %add3A_21 : vector<4096x128xf32>
    %mul3A_22 = arith.mulf %sub3A, %rsqrt3A : vector<4096x128xf32>
    %get3A_23 = arith.constant 0 : index
    %get3A_24 = arith.constant 0 : index
    %get3A_25 = vector.load %arg5[%get3A_23, %get3A_24] : memref<1x128xf32, #tpu.memory_space<vmem>>, vector<1x128xf32>
    %mul3A_26 = vector.broadcast %get3A_25 : vector<1x128xf32> to vector<4096x128xf32>
    %mul3A_27 = arith.mulf %mul3A_22, %mul3A_26 : vector<4096x128xf32>
    %get3A_28 = arith.constant 0 : index
    %get3A_29 = arith.constant 0 : index
    %get3A_30 = vector.load %arg6[%get3A_28, %get3A_29] : memref<1x128xf32, #tpu.memory_space<vmem>>, vector<1x128xf32>
    %add3A_31 = vector.broadcast %get3A_30 : vector<1x128xf32> to vector<4096x128xf32>
    %add3A_32 = arith.addf %mul3A_27, %add3A_31 : vector<4096x128xf32>
    %swap3A = arith.constant 0 : index
    %swap3A_33 = arith.constant 0 : index
    %swap3A_34 = vector.load %arg7[%swap3A, %swap3A_33] : memref<4096x128xf32, #tpu.memory_space<vmem>>, vector<4096x128xf32>
    tpu.vector_store %arg7[%swap3A, %swap3A_33], %add3A_32 {strides = array<i32>} : memref<4096x128xf32, #tpu.memory_space<vmem>>, vector<4096x128xf32>,
    return
  }
  func.func @transform_1(%arg0: i32) -> (i32, i32, i32) {
    %c0_i32 = arith.constant 0 : i32
    %c0_i32_0 = arith.constant 0 : i32
    %c0_i32_1 = arith.constant 0 : i32
    return %arg0, %c0_i32, %c0_i32_0 : i32, i32, i32
  }
  func.func @transform_2(%arg0: i32) -> (i32, i32) {
    %c0_i32 = arith.constant 0 : i32
    %c0_i32_0 = arith.constant 0 : i32
    return %arg0, %c0_i32 : i32, i32
  }
  func.func @transform_3(%arg0: i32) -> (i32, i32) {
    %c0_i32 = arith.constant 0 : i32
    %c0_i32_0 = arith.constant 0 : i32
    %c0_i32_1 = arith.constant 0 : i32
    return %c0_i32, %c0_i32_0 : i32, i32
  }
  func.func @transform_4(%arg0: i32) -> (i32, i32) {
    %c0_i32 = arith.constant 0 : i32
    %c0_i32_0 = arith.constant 0 : i32
    %c0_i32_1 = arith.constant 0 : i32
    return %c0_i32, %c0_i32_0 : i32, i32
  }
  func.func @transform_5(%arg0: i32) -> (i32, i32) {
    %c0_i32 = arith.constant 0 : i32
    %c0_i32_0 = arith.constant 0 : i32
    %c0_i32_1 = arith.constant 0 : i32
    return %c0_i32, %c0_i32_0 : i32, i32
  }
  func.func @transform_6(%arg0: i32) -> (i32, i32) {
    %add3A = arith.constant 120 : i32
    %add3A_0 = arith.addi %add3A, %arg0 : i32
    %c0_i32 = arith.constant 0 : i32
    %c0_i32_1 = arith.constant 0 : i32
    return %add3A_0, %c0_i32 : i32, i32
  }
}

module attributes {stable_mosaic.version = 14 : i64} {
  func.func @body(%arg0: i32, %arg1: memref<819200x128xf32, #tpu.memory_space<any>>, %arg2: memref<1x1x4096xi32, #tpu.memory_space<vmem>>, %arg3: memref<4096x128xf32, #tpu.memory_space<vmem>>, %arg4: memref<128x128xf32, #tpu.memory_space<vmem>>, %arg5: memref<1x128xf32, #tpu.memory_space<vmem>>, %arg6: memref<1x128xf32, #tpu.memory_space<vmem>>, %arg7: memref<4096x128xf32, #tpu.memory_space<vmem>>) attributes {dimension_semantics = [#tpu.dimension_semantics<arbitrary>], iteration_bounds = array<i64: 40>, scalar_prefetch = 0 : i64, scratch_operands = 0 : i64, tpu.core_type = #tpu.core_type<tc>, window_params = [{}, {transform_indices = @transform_1, window_bounds = array<i64: 1, 1, 4096>}, {transform_indices = @transform_2, window_bounds = array<i64: 4096, 128>}, {pipeline_mode = #tpu.pipeline_mode<synchronous>, transform_indices = @transform_3, window_bounds = array<i64: 128, 128>}, {pipeline_mode = #tpu.pipeline_mode<synchronous>, transform_indices = @transform_4, window_bounds = array<i64: 1, 128>}, {pipeline_mode = #tpu.pipeline_mode<synchronous>, transform_indices = @transform_5, window_bounds = array<i64: 1, 128>}, {transform_indices = @transform_6, window_bounds = array<i64: 4096, 128>}]} {
    %get3A = arith.constant 0 : index
    %get3A_0 = arith.constant 0 : index
    %get3A_1 = arith.constant 0 : index
    %get3A_2 = vector.load %arg2[%get3A, %get3A_0, %get3A_1] : memref<1x1x4096xi32, #tpu.memory_space<vmem>>, vector<1x1x4096xi32>
    %get3A_3 = vector.shape_cast %get3A_2 : vector<1x1x4096xi32> to vector<4096xi32>
    %broadcast_in_dim3A = vector.shape_cast %get3A_3 : vector<4096xi32> to vector<4096x1xi32>
    %iota3A = tpu.iota {dimensions = array<i32: 1>} : vector<4096x128xi32>
    %eq3A = vector.broadcast %broadcast_in_dim3A : vector<4096x1xi32> to vector<4096x128xi32>
    %eq3A_4 = arith.cmpi eq, %eq3A, %iota3A : vector<4096x128xi32>
    %convert_element_type3A = arith.extui %eq3A_4 : vector<4096x128xi1> to vector<4096x128xi32>
    %convert_element_type3A_5 = arith.sitofp %convert_element_type3A : vector<4096x128xi32> to vector<4096x128xf32>
    %get3A_6 = arith.constant 0 : index
    %get3A_7 = arith.constant 0 : index
    %get3A_8 = vector.load %arg4[%get3A_6, %get3A_7] : memref<128x128xf32, #tpu.memory_space<vmem>>, vector<128x128xf32>
    %dot_general3A = arith.constant dense<0.000000e+00> : vector<4096x128xf32>
    %dot_general3A_9 = tpu.matmul %convert_element_type3A_5, %get3A_8, %dot_general3A {dimension_numbers = #tpu.dot_dimension_numbers<[1], [0], [0], [1], [0, 0, 1, 1], [], []>, transpose_lhs_hint = false} : vector<4096x128xf32>, vector<128x128xf32>, vector<4096x128xf32> -> vector<4096x128xf32>
    %get3A_10 = arith.constant 0 : index
    %get3A_11 = arith.constant 0 : index
    %get3A_12 = vector.load %arg3[%get3A_10, %get3A_11] : memref<4096x128xf32, #tpu.memory_space<vmem>>, vector<4096x128xf32>
    %add3A = arith.addf %get3A_12, %dot_general3A_9 : vector<4096x128xf32>
    %broadcast_in_dim3A_13 = arith.constant 7.812500e-03 : f32
    %broadcast_in_dim3A_14 = vector.broadcast %broadcast_in_dim3A_13 : f32 to vector<128x128xf32>
    %dot_general3A_15 = arith.constant dense<0.000000e+00> : vector<4096x128xf32>
    %dot_general3A_16 = tpu.matmul %add3A, %broadcast_in_dim3A_14, %dot_general3A_15 {dimension_numbers = #tpu.dot_dimension_numbers<[1], [0], [0], [1], [0, 0, 1, 1], [], []>, transpose_lhs_hint = false} : vector<4096x128xf32>, vector<128x128xf32>, vector<4096x128xf32> -> vector<4096x128xf32>
    %sub3A = arith.subf %add3A, %dot_general3A_16 : vector<4096x128xf32>
    %mul3A = arith.mulf %sub3A, %sub3A : vector<4096x128xf32>
    %dot_general3A_17 = arith.constant dense<0.000000e+00> : vector<4096x128xf32>
    %dot_general3A_18 = tpu.matmul %mul3A, %broadcast_in_dim3A_14, %dot_general3A_17 {dimension_numbers = #tpu.dot_dimension_numbers<[1], [0], [0], [1], [0, 0, 1, 1], [], []>, transpose_lhs_hint = false} : vector<4096x128xf32>, vector<128x128xf32>, vector<4096x128xf32> -> vector<4096x128xf32>
    %add3A_19 = arith.constant 9.99999996E-13 : f32
    %add3A_20 = vector.broadcast %add3A_19 : f32 to vector<4096x128xf32>
    %add3A_21 = arith.addf %dot_general3A_18, %add3A_20 : vector<4096x128xf32>
    %rsqrt3A = math.rsqrt %add3A_21 : vector<4096x128xf32>
    %mul3A_22 = arith.mulf %sub3A, %rsqrt3A : vector<4096x128xf32>
    %get3A_23 = arith.constant 0 : index
    %get3A_24 = arith.constant 0 : index
    %get3A_25 = vector.load %arg5[%get3A_23, %get3A_24] : memref<1x128xf32, #tpu.memory_space<vmem>>, vector<1x128xf32>
    %mul3A_26 = vector.broadcast %get3A_25 : vector<1x128xf32> to vector<4096x128xf32>
    %mul3A_27 = arith.mulf %mul3A_22, %mul3A_26 : vector<4096x128xf32>
    %get3A_28 = arith.constant 0 : index
    %get3A_29 = arith.constant 0 : index
    %get3A_30 = vector.load %arg6[%get3A_28, %get3A_29] : memref<1x128xf32, #tpu.memory_space<vmem>>, vector<1x128xf32>
    %add3A_31 = vector.broadcast %get3A_30 : vector<1x128xf32> to vector<4096x128xf32>
    %add3A_32 = arith.addf %mul3A_27, %add3A_31 : vector<4096x128xf32>
    %swap3A = arith.constant 0 : index
    %swap3A_33 = arith.constant 0 : index
    %swap3A_34 = vector.load %arg7[%swap3A, %swap3A_33] : memref<4096x128xf32, #tpu.memory_space<vmem>>, vector<4096x128xf32>
    tpu.vector_store %arg7[%swap3A, %swap3A_33], %add3A_32 {strides = array<i32>} : memref<4096x128xf32, #tpu.memory_space<vmem>>, vector<4096x128xf32>,
    return
  }
  func.func @transform_1(%arg0: i32) -> (i32, i32, i32) {
    %c0_i32 = arith.constant 0 : i32
    %c0_i32_0 = arith.constant 0 : i32
    %c0_i32_1 = arith.constant 0 : i32
    return %arg0, %c0_i32, %c0_i32_0 : i32, i32, i32
  }
  func.func @transform_2(%arg0: i32) -> (i32, i32) {
    %c0_i32 = arith.constant 0 : i32
    %c0_i32_0 = arith.constant 0 : i32
    return %arg0, %c0_i32 : i32, i32
  }
  func.func @transform_3(%arg0: i32) -> (i32, i32) {
    %c0_i32 = arith.constant 0 : i32
    %c0_i32_0 = arith.constant 0 : i32
    %c0_i32_1 = arith.constant 0 : i32
    return %c0_i32, %c0_i32_0 : i32, i32
  }
  func.func @transform_4(%arg0: i32) -> (i32, i32) {
    %c0_i32 = arith.constant 0 : i32
    %c0_i32_0 = arith.constant 0 : i32
    %c0_i32_1 = arith.constant 0 : i32
    return %c0_i32, %c0_i32_0 : i32, i32
  }
  func.func @transform_5(%arg0: i32) -> (i32, i32) {
    %c0_i32 = arith.constant 0 : i32
    %c0_i32_0 = arith.constant 0 : i32
    %c0_i32_1 = arith.constant 0 : i32
    return %c0_i32, %c0_i32_0 : i32, i32
  }
  func.func @transform_6(%arg0: i32) -> (i32, i32) {
    %add3A = arith.constant 160 : i32
    %add3A_0 = arith.addi %add3A, %arg0 : i32
    %c0_i32 = arith.constant 0 : i32
    %c0_i32_1 = arith.constant 0 : i32
    return %add3A_0, %c0_i32 : i32, i32
  }
}

</mosaic_0001>

<sc_bundles>
// kernel: kernel.12.cloned.1.call-start
scs
__scs_entry_jumppad:
0x0: {  	(pc) =	sbr.rel $0x88, $3  }
0x1: {  	(tag) =	ssettag $0x0;
	lr =	simm.s32 $0x1  }
0x2: {  	[smem:$0x3F9B] =	sst lr;
	_ =	strace $0xD0000000  }
0x3: {  	_ = 	snop  }
0x4: {  	_ = 	snop  }
0x5: {  	_ = 	snop  }
0x6: {  	_ = 	snop  }
0x7: {  	_ = 	snop  }
__scs_overlays_trampoline_lowered:
0x8: {  	[smem:$0x3FAA] =	sst s0  }
0x9: {  	[smem:$0x3FAB] =	sst s1  }
0xa: {  	[smem:$0x3FAC] =	sst s2  }
0xb: {  	[smem:$0x3FAD] =	sst s3  }
0xc: {  	[smem:$0x3FAE] =	sst s4  }
0xd: {  	[smem:$0x3FAF] =	sst s5  }
0xe: {  	[smem:$0x3FB0] =	sst s6  }
0xf: {  	[smem:$0x3FB1] =	sst s7  }
0x10: {  	[smem:$0x3FB2] =	sst s8  }
0x11: {  	[smem:$0x3FB3] =	sst s9;
	s0 =	simm.s32 @!p0 $0x0  }
0x12: {  	s1 =	sld [smem:$0x3F99];
	s0 =	simm.s32 @p0 $0x1  }
0x13: {  	[smem:$0x3FB4] =	sst s0;
	s0 =	simm.s32 @!p1 $0x0  }
0x14: {  	s2 =	sld [smem:$0x3F98];
	s0 =	simm.s32 @p1 $0x1  }
0x15: {  	[smem:$0x3FB5] =	sst s0;
	s0 =	simm.s32 @!p2 $0x0  }
0x16: {  	s3 =	sld [smem:$0x3FDB];
	s0 =	simm.s32 @p2 $0x1  }
0x17: {  	s4 =	simm.s32 $0x1BF5;
	[smem:$0x3FB7] =	sst s0  }
0x18: {  	s0 =	sld [smem:$0x3F9A];
	_ =	swait.ge [sflag:s4], $0x0  }
0x19: {  	s7 =	sld [smem:$0x3F9B]  }
0x1a: {  	s8 =	sadd.s32 $0xFFFFE003, lr  }
0x1b: {  	s9 =	sadd.s32 $0xFFFFFEF7, lr;
	s5 =	simm.s32 $0xFFFFFFFF;
	p2 =	slt.u32 s8, $0xFFFFF086  }
0x1c: {  	p1 =	slt.u32 s9, $0xF7A;
	s5 =	simm.s32 @!p2 $0x0  }
0x1d: {  	s5 =	simm.s32 @p1 $0x1;
	p0 =	seq.s32 s7, s2  }
0x1e: {  	s7 =	smul.u32 @!p0 $0xF7A, s2;
	p2 =	seq.s32 @!p0 s5, $0x0  }
0x1f: {  	s9 =	smul.u32 $0xF7A, s1;
	s8 =	simm.s32 @!p0 $0x1BF5;
	p2 =	por !p2, p0  }
0x20: {  	[sflag:s8] =	ssyncset.s32 @!p0 $0xFFFFF086;
	s6 =	sadd.s32 @!p0 s3, s7;
	s7 =	simm.s32 @!p0 $0x108  }
0x21: {  	s3 =	sadd.s32 s3, s9;
	s6 =	sadd.s32 @!p0 $0x88, s6;
	s7 =	simm.s32 @p2 $0x1082  }
0x22: {  	[simem:s7], [sflag:s8] =	dma.local @!p0 [hbm:s6], $0xF7A  }
0x23: {  	s9 =	sor.u32 $0xD0000000, s2;
	s6 =	simm.s32 $0x108;
	_ =	swait.ge @!p0 [sflag:s8], $0x0  }
0x24: {  	s3 =	sadd.s32 $0x88, s3;
	s6 =	simm.s32 @!p1 $0x1082;
	[sflag:s4] =	ssyncset.s32 $0xFFFFF086  }
0x25: {  	[simem:s6], [sflag:s4] =	dma.local [hbm:s3], $0xF7A  }
0x26: {  	[smem:$0x3F9B] =	sst s1;
	(tag) =	ssettag s2;
	_ =	strace s9  }
0x27: {  	s1 =	sld [smem:$0x3FAB]  }
0x28: {  	s2 =	sld [smem:$0x3FAC]  }
0x29: {  	s4 =	sld [smem:$0x3FAE]  }
0x2a: {  	p0 =	seq.s32 s5, $0x0;
	s5 =	sld [smem:$0x3FAF]  }
0x2b: {  	s6 =	sld [smem:$0x3FB0]  }
0x2c: {  	s7 =	sld [smem:$0x3FB1]  }
0x2d: {  	s3 =	simm.s32 $0x108;
	s8 =	sld [smem:$0x3FB2]  }
0x2e: {  	s3 =	simm.s32 @!p0 $0x1082;
	s9 =	sld [smem:$0x3FB3]  }
0x2f: {  	lr =	sadd.s32 s0, s3;
	s0 =	sld [smem:$0x3FAA]  }
0x30: {  	s3 =	sld [smem:$0x3FAD]  }
0x31: {  	[smem:$0x3FB6] =	sst s10  }
0x32: {  	s10 =	sld [smem:$0x3FB4];
	_ =	sdelay $0x3  }
0x33: {  	p0 =	seq.s32 s10, $0x1;
	s10 =	sld [smem:$0x3FB6];
	_ =	sdelay $0x3  }
0x34: {  	[smem:$0x3FB6] =	sst s10  }
0x35: {  	s10 =	sld [smem:$0x3FB5];
	_ =	sdelay $0x3  }
0x36: {  	p1 =	seq.s32 s10, $0x1;
	s10 =	sld [smem:$0x3FB6];
	_ =	sdelay $0x3  }
0x37: {  	[smem:$0x3FB6] =	sst s10  }
0x38: {  	s10 =	sld [smem:$0x3FB7]  }
0x39: {  	_ = 	snop;
	(pc) =	sbr.ind lr, $3  }
0x3a: {  	_ = 	snop  }
0x3b: {  	_ = 	snop  }
0x3c: {  	p2 =	seq.s32 s10, $0x1;
	s10 =	sld [smem:$0x3FB6]  }
0x3d: {  	_ =	shalt  }
0x3e: {  	_ =	shalt  }
0x3f: {  	_ =	shalt  }
0x40: {  	_ =	shalt  }
0x41: {  	_ =	shalt  }
0x42: {  	_ =	shalt  }
0x43: {  	_ =	shalt  }
0x44: {  	_ =	shalt  }
0x45: {  	_ =	shalt  }
0x46: {  	_ =	shalt  }
0x47: {  	_ =	shalt  }
0x48: {  	_ =	shalt  }
0x49: {  	_ =	shalt  }
0x4a: {  	_ =	shalt  }
0x4b: {  	_ =	shalt  }
0x4c: {  	_ =	shalt  }
0x4d: {  	_ =	shalt  }
0x4e: {  	_ =	shalt  }
0x4f: {  	_ =	shalt  }
0x50: {  	_ =	shalt  }
0x51: {  	_ =	shalt  }
0x52: {  	_ =	shalt  }
0x53: {  	_ =	shalt  }
0x54: {  	_ =	shalt  }
0x55: {  	_ =	shalt  }
0x56: {  	_ =	shalt  }
0x57: {  	_ =	shalt  }
0x58: {  	_ =	shalt  }
0x59: {  	_ =	shalt  }
0x5a: {  	_ =	shalt  }
0x5b: {  	_ =	shalt  }
0x5c: {  	_ =	shalt  }
0x5d: {  	_ =	shalt  }
0x5e: {  	_ =	shalt  }
0x5f: {  	_ =	shalt  }
0x60: {  	_ =	shalt  }
0x61: {  	_ =	shalt  }
0x62: {  	_ =	shalt  }
0x63: {  	_ =	shalt  }
0x64: {  	_ =	shalt  }
0x65: {  	_ =	shalt  }
0x66: {  	_ =	shalt  }
0x67: {  	_ =	shalt  }
0x68: {  	_ =	shalt  }
0x69: {  	_ =	shalt  }
0x6a: {  	_ =	shalt  }
0x6b: {  	_ =	shalt  }
0x6c: {  	_ =	shalt  }
0x6d: {  	_ =	shalt  }
0x6e: {  	_ =	shalt  }
0x6f: {  	_ =	shalt  }
0x70: {  	_ =	shalt  }
0x71: {  	_ =	shalt  }
0x72: {  	_ =	shalt  }
0x73: {  	_ =	shalt  }
0x74: {  	_ =	shalt  }
0x75: {  	_ =	shalt  }
0x76: {  	_ =	shalt  }
0x77: {  	_ =	shalt  }
0x78: {  	_ =	shalt  }
0x79: {  	_ =	shalt  }
0x7a: {  	_ =	shalt  }
0x7b: {  	_ =	shalt  }
0x7c: {  	_ =	shalt  }
0x7d: {  	_ =	shalt  }
0x7e: {  	_ =	shalt  }
0x7f: {  	_ =	shalt  }
0x80: {  	_ =	shalt  }
0x81: {  	_ =	shalt  }
0x82: {  	_ =	shalt  }
0x83: {  	_ =	shalt  }
0x84: {  	_ =	shalt  }
0x85: {  	_ =	shalt  }
0x86: {  	_ =	shalt  }
0x87: {  	_ =	shalt  }
.Lfunc_end0:
.L_simem_size_0:
called_computation_lowered:
.L_overlay_start_0:
0x88: {  	s2 =	sld [smem:$0x3FD9]  }
0x89: {  	s3 =	sld [smem:$0x3FFE];
	_ =	sdelay $0x1  }
0x8a: {  	s1 =	srdreg.scid  }
0x8b: {  	s0 =	sand.u32 $0x1, s1  }
0x8c: {  	s17 =	sshll.u32 s0, $0xA;
	s2 =	sadd.s32 s3, s2  }
0x8d: {  	s2 =	sadd.s32 s2, s17  }
0x8e: {  	[smem:$0x3FC2] =	sst s2  }
0x8f: {  	_ = 	snop  }
0x90: {  	s2 =	sld [smem:$0x3FC7]  }
0x91: {  	s18 =	sld [smem:$0x3FD0];
	(tm) =	ssettm $0x1  }
0x92: {  	s4 =	sld [smem:$0x3FFB];
	_ =	sdelay $0x3  }
0x93: {  	_ =	strace s4  }
0x94: {  	s4 =	sld [smem:$0x3FFC];
	_ =	sdelay $0x3  }
0x95: {  	_ =	strace s4  }
0x96: {  	s4 =	sld [smem:$0x3FFD];
	_ =	sdelay $0x3  }
0x97: {  	_ =	strace s4  }
0x98: {  	_ =	strace $0x8FFFFFFF  }
0x99: {  	s19 =	sld [smem:$0x3FDB];
	_ =	sdelay $0x1  }
0x9a: {  	s5 =	simm.s32 $_scs_section_size  }
0x9b: {  	s6 =	simm.s32 $_size__tile_overlayer_lowered;
	s7 =	simm.s32 $_tile_overlayer_lowered  }
0x9c: {  	s22 =	simm.s32 $0x1BFF;
	s21 =	sshll.u32 s7, $0x1;
	s4 =	sadd.s32 s5, s19  }
0x9d: {  	s8 =	simm.s32 $0x0;
	s20 =	sshll.u32 s6, $0x1;
	s6 =	sadd.s32 s21, s4  }
0x9e: {  	[timem:s8], [sflag:s22] =	dma.local [hbm:s6], s20  }
0x9f: {  	_ =	swait.ge [sflag:s22], s20  }
0xa0: {  	s5 =	ssub.s32 $0x0, s20;
	[sflag:s22] =	ssyncset.done $0x0  }
0xa1: {  	[sflag:s22] =	ssyncadd.s32 s5;
	_ =	sdelay $0x1  }
0xa2: {  	s23 =	simm.s32 $0x1B8B  }
0xa3: {  	_ =	swait.ge [sflag:s23], $0x1  }
0xa4: {  	[sflag:s23] =	ssyncset.done $0x0  }
0xa5: {  	s25 =	simm.s32 $0x1B8E;
	s24 =	sld [smem:$0x3FFE];
	[sflag:s23] =	ssyncadd.s32 $0xFFFFFFFF  }
0xa6: {  	s26 =	simm.s32 $execute0_lowered;
	[smem:$0x3FD2] =	sst s25  }
0xa7: {  	s6 =	sshll.u32 s26, $0x1;
	_ =	strace $0x80000046;
	[dreg:$0x1] =	wrdreg $0xFFFFFFFF  }
0xa8: {  	s28 =	simm.s32 $_size_execute0_lowered;
	s4 =	sadd.s32 s4, s6;
	[dreg:$0x0] =	wrdreg $0x0  }
0xa9: {  	s6 =	sshll.u32 s28, $0x1;
	[dreg:$0x2] =	wrdreg s4  }
0xaa: {  	[dreg:$0x3] =	wrdreg s6  }
0xab: {  	[dreg:$0x4] =	wrdreg $0xC0  }
0xac: {  	_ =	task [dreg:s8], $0x5FFFF  }
0xad: {  	[dreg:$0x1] =	wrdreg $0xFFFFFFFF  }
0xae: {  	[dreg:$0x0] =	wrdreg $0x60  }
0xaf: {  	[dreg:$0x2] =	wrdreg s2  }
0xb0: {  	[dreg:$0x3] =	wrdreg s18  }
0xb1: {  	[dreg:$0x4] =	wrdreg s24  }
0xb2: {  	[dreg:$0x5] =	wrdreg $0x9  }
0xb3: {  	_ =	task.clear_ibuf [dreg:s8], $0x6FFFF;
	_ =	strace $0x90000046  }
0xb4: {  	s29 =	simm.s32 $0x9;
	_ =	strace $0x80000048  }
0xb5: {  	_ =	swait.ge [sflag:s29], $0x1  }
0xb6: {  	[sflag:s29] =	ssyncadd.s32 $0xFFFFFFFF  }
0xb7: {  	_ =	strace $0x90000048  }
0xb8: {  	_ =	sfence  }
0xb9: {  	s30 =	sld [smem:$0x0];
	_ =	sdelay $0x2  }
0xba: {  	s31 =	sshll.u32 s1, $0xD;
	s1 =	sshrl.u32 s1, $0x2  }
0xbb: {  	s3 =	sand.u32 $0x4000, s31;
	s1 =	sadd.s32 s1, s30  }
0xbc: {  	s0 =	sor.u32 s3, s0;
	s1 =	sshll.u32 s1, $0x11  }
0xbd: {  	s0 =	sor.u32 s1, s0  }
0xbe: {  	s0 =	sadd.s32 $0x8F2B, s0  }
0xbf: {  	[sflag:s0] =	ssyncadd.remote.s32 $0x1  }
0xc0: {  	_ =	sfence.sel $0xFFFF  }
0xc1: {  	[dreg:$0x0] =	wrdreg $0xFFFFFFFF;
	(pc) =	sbr.abs _section_cstart, $3  }
0xc2: {  	[dreg:$0x1] =	wrdreg $0xFFFFFFFF  }
0xc3: {  	_ =	task.clear_ibuf [dreg:s8], $0x2FFFF;
	_ =	strace $0x9FFFFFFF  }
0xc4: {  	(tm) =	ssettm $0x7FFFFFFF  }
0xc5: {  	_ =	shalt  }
tec
execute0_lowered:
.L_overlay_start_1:
0x0: {  	(tag) =	ssettag $0x1  }
0x1: {  	s1 =	rddreg [dreg:$0x0]  }
0x2: {  	s2 =	srdreg.scid;
	s4 =	rddreg [dreg:$0x1]  }
0x3: {  	s0 =	stileid.u32;
	s6 =	rddreg [dreg:$0x2];
	s3 =	simm.s32 $0x0  }
0x4: {  	s14 =	simm.s32 $0x1;
	s15 =	simm.s32 $0x100;
	s16 =	simm.s32 $0x9400  }
0x5: {  	s17 =	simm.s32 $0x180;
	s18 =	simm.s32 $0xD400;
	s19 =	simm.s32 $0x2  }
0x6: {  	s20 =	simm.s32 $0x3;
	s21 =	simm.s32 $0x200;
	s22 =	simm.s32 $0x280  }
0x7: {  	s23 =	simm.s32 $0x4;
	s24 =	simm.s32 $0x0;
	s5 =	sand.u32 $0x1, s2  }
0x8: {  	s25 =	sshll.u32 s0, $0x1;
	s2 =	rddreg [dreg:$0x3];
	s10 =	smul.u32 $0x140000, s0  }
0x9: {  	[smem:$0x7FF] =	sst s3;
	s7 =	sor.u32 s5, s25;
	s12 =	smul.u32 $0xA0000, s5  }
0xa: {  	s13 =	sadd.s32 $0x16600, s6;
	s9 =	ssub.s32 $0x2, s5;
	s8 =	smul.u32 $0x280, s7  }
0xb: {  	_ =	strace $0x80000047;
	s11 =	sshrl.u32 s9, $0x1;
	s28 =	smul.u32 $0xA0000, s7  }
0xc: {  	s26 =	ssub.s32 s9, s11;
	s29 =	sadd.s32 s12, s10;
	s10 =	simm.s32 $0x5  }
.Ltmp0:
0xd: {  	s11 =	simm.s32 $0x80;
	s12 =	simm.s32 $0x1400;
	(pc) =	sbr.rel .LBB2_1-.Ltmp0, $4  }
0xe: {  	s4 =	sadd.s32 s4, s8;
	s5 =	smax.u32 s26, $0x1;
	s6 =	sshrl.u32 s28, $0x3  }
0xf: {  	s30 =	sor.u32 $0x10000, s29;
	s7 =	sor.u32 $0x18000, s29;
	s6 =	sadd.s32 s13, s6  }
0x10: {  	s8 =	sshrl.u32 s30, $0x3;
	s31 =	sshrl.u32 s7, $0x3;
	s7 =	sadd.s32 $0x1000, s6  }
0x11: {  	s8 =	sadd.s32 s8, s13;
	s9 =	sadd.s32 s31, s13;
	s13 =	simm.s32 $0x5400  }
.LBB2_4:
0x12: {  	s24 =	sadd.s32 $0x1, s24  }
0x13: {  	p0 =	sne.s32 s24, s5  }
.Ltmp1:
0x14: {  	_ = 	snop;
	(pc) =	sbr.rel @!p0 .LBB2_5-.Ltmp1, $4  }
0x15: {  	_ = 	snop  }
0x16: {  	_ =	swait.ge [sflag:s23], $0x8000  }
0x17: {  	[sflag:s23] =	ssyncset.done $0x0  }
0x18: {  	[sflag:s23] =	ssyncadd.s32 $0xFFFF8000  }
.LBB2_1:
0x19: {  	[tilespmem:s3], [sflag:$0x5] =	stream.linear.gather [hbm4b:s4+s3], $0x1400, $0x38;
	[tilespmem:$0x11400] =	vst v63  }
0x1a: {  	_ =	swait.ge [sflag:s10], $0x1400  }
0x1b: {  	[sflag:s10] =	ssyncset.done $0x0  }
0x1c: {  	[sflag:s10] =	ssyncadd.s32 $0xFFFFEC00  }
0x1d: {  	[tilespmem:s12], [sflag:$0x1] =	stream.indirect.gather [hbm4b:s1+s11], $0x80, s3, s11, $0xb8;
	[tilespmem:$0x11400] =	vst v63  }
0x1e: {  	_ = 	snop  }
0x1f: {  	[tilespmem:s13], [sflag:$0x1] =	stream.indirect.gather [hbm4b:s1+s11], $0x80, s11, s11, $0xb8;
	[tilespmem:$0x11400] =	vst v63  }
0x20: {  	_ =	swait.ge [sflag:s14], $0x8000  }
0x21: {  	[sflag:s14] =	ssyncset.done $0x0  }
0x22: {  	[sflag:s14] =	ssyncadd.s32 $0xFFFF8000  }
0x23: {  	[hbm4b:s6+s3] =	stream.linear.scatter [tilespmem:s12], [sflag:$0x3], $0x8000, $0x38;
	[tilespmem:$0x11400] =	vst v63  }
0x24: {  	_ = 	snop  }
0x25: {  	[tilespmem:s16], [sflag:$0x2] =	stream.indirect.gather [hbm4b:s1+s11], $0x80, s15, s11, $0xb8;
	[tilespmem:$0x11400] =	vst v63  }
0x26: {  	_ = 	snop  }
0x27: {  	[tilespmem:s18], [sflag:$0x2] =	stream.indirect.gather [hbm4b:s1+s11], $0x80, s17, s11, $0xb8;
	[tilespmem:$0x11400] =	vst v63  }
0x28: {  	_ =	swait.ge [sflag:s19], $0x8000  }
0x29: {  	[sflag:s19] =	ssyncset.done $0x0  }
0x2a: {  	[sflag:s19] =	ssyncadd.s32 $0xFFFF8000  }
0x2b: {  	[hbm4b:s7+s3] =	stream.linear.scatter [tilespmem:s16], [sflag:$0x4], $0x8000, $0x38;
	[tilespmem:$0x11400] =	vst v63  }
0x2c: {  	_ =	swait.ge [sflag:s20], $0x8000  }
0x2d: {  	[sflag:s20] =	ssyncset.done $0x0  }
0x2e: {  	[sflag:s20] =	ssyncadd.s32 $0xFFFF8000  }
0x2f: {  	[tilespmem:s12], [sflag:$0x1] =	stream.indirect.gather [hbm4b:s1+s11], $0x80, s21, s11, $0xb8;
	[tilespmem:$0x11400] =	vst v63  }
0x30: {  	s25 =	smov.u32 s9;
	s26 =	smov.u32 s8;
	s28 =	simm.s32 $0x0  }
0x31: {  	[tilespmem:s13], [sflag:$0x1] =	stream.indirect.gather [hbm4b:s1+s11], $0x80, s22, s11, $0xb8;
	[tilespmem:$0x11400] =	vst v63  }
.LBB2_2:
0x32: {  	_ =	swait.ge [sflag:s14], $0x8000  }
0x33: {  	[sflag:s14] =	ssyncset.done $0x0  }
0x34: {  	[sflag:s14] =	ssyncadd.s32 $0xFFFF8000  }
0x35: {  	[hbm4b:s26+s3] =	stream.linear.scatter [tilespmem:s12], [sflag:$0x3], $0x8000, $0x38;
	[tilespmem:$0x11400] =	vst v63  }
0x36: {  	_ =	swait.ge [sflag:s23], $0x8000  }
0x37: {  	s29 =	sshra.s32 s28, $0x2;
	[sflag:s23] =	ssyncset.done $0x0  }
0x38: {  	s30 =	sadd.s32 $0x300, s29;
	[sflag:s23] =	ssyncadd.s32 $0xFFFF8000  }
0x39: {  	[tilespmem:s16], [sflag:$0x2] =	stream.indirect.gather [hbm4b:s1+s11], $0x80, s30, s11, $0xb8;
	[tilespmem:$0x11400] =	vst v63  }
0x3a: {  	s31 =	sadd.s32 $0x380, s29  }
0x3b: {  	[tilespmem:s18], [sflag:$0x2] =	stream.indirect.gather [hbm4b:s1+s11], $0x80, s31, s11, $0xb8;
	[tilespmem:$0x11400] =	vst v63  }
0x3c: {  	_ =	swait.ge [sflag:s19], $0x8000  }
0x3d: {  	p0 =	seq.s32 s28, $0x4000;
	[sflag:s19] =	ssyncset.done $0x0  }
.Ltmp2:
0x3e: {  	[sflag:s19] =	ssyncadd.s32 $0xFFFF8000;
	(pc) =	sbr.rel @p0 .LBB2_4-.Ltmp2, $4  }
0x3f: {  	[hbm4b:s25+s3] =	stream.linear.scatter [tilespmem:s16], [sflag:$0x4], $0x8000, $0x38;
	[tilespmem:$0x11400] =	vst v63  }
0x40: {  	_ =	swait.ge [sflag:s20], $0x8000  }
0x41: {  	[sflag:s20] =	ssyncset.done $0x0  }
0x42: {  	[sflag:s20] =	ssyncadd.s32 $0xFFFF8000  }
.Ltmp3:
0x43: {  	(pc) =	sbr.rel .LBB2_2-.Ltmp3, $4  }
0x44: {  	s30 =	sadd.s32 $0x400, s29;
	s31 =	sadd.s32 $0x480, s29  }
0x45: {  	[tilespmem:s12], [sflag:$0x1] =	stream.indirect.gather [hbm4b:s1+s11], $0x80, s30, s11, $0xb8;
	[tilespmem:$0x11400] =	vst v63  }
0x46: {  	s28 =	sadd.s32 $0x800, s28;
	s26 =	sadd.s32 $0x2000, s26;
	s25 =	sadd.s32 $0x2000, s25  }
0x47: {  	[tilespmem:s13], [sflag:$0x1] =	stream.indirect.gather [hbm4b:s1+s11], $0x80, s31, s11, $0xb8;
	[tilespmem:$0x11400] =	vst v63  }
.LBB2_5:
0x48: {  	_ =	sfence.sel $0x180000  }
0x49: {  	[bflag:$0x0] =	sbarrier.arrive $0xFFFF  }
0x4a: {  	p0 =	sne.s32 s0, $0x0;
	_ =	strace $0x90000047  }
0x4b: {  	s0 =	sadd.s32 @!p0 $0x100000, s2;
	[bflag:$0x2] =	sbarrier.arrive $0xFFFF  }
0x4c: {  	[sflag:s0] =	ssyncadd.tile.s32 @!p0 $0x1;
	_ =	shalt  }
.Lfunc_end2:
_tile_overlayer_lowered:
.L_overlay_start_2:
0x4d: {  	(tag) =	ssettag $0x2  }
0x4e: {  	s0 =	rddreg [dreg:$0x0];
	s2 =	stileid.u32  }
0x4f: {  	s1 =	rddreg [dreg:$0x1];
	p0 =	sne.s32 s2, $0x0  }
0x50: {  	s3 =	rddreg [dreg:$0x2];
	[bflag:$0x3] =	sbarrier.arrive $0xFFFF;
	s2 =	simm.s32 @!p0 $0x1C05  }
0x51: {  	[timem:s3], [sflag:s2] =	dma.local @!p0 [hbm:s0], s1  }
0x52: {  	s0 =	simm.s32 @!p0 $0x5  }
0x53: {  	_ =	swait.ge @!p0 [sflag:s0], s1  }
0x54: {  	s1 =	ssub.s32 @!p0 $0x0, s1;
	[sflag:s0] =	ssyncset.done @!p0 $0x0  }
0x55: {  	[sflag:s0] =	ssyncadd.s32 @!p0 s1  }
0x56: {  	[bflag:$0x3] =	sbarrier.arrive $0xFFFF  }
0x57: {  	_ =	shalt  }

// kernel: kernel.15.cloned.1.call-start
scs
__scs_entry_jumppad:
0x0: {  	(pc) =	sbr.rel $0x88, $3  }
0x1: {  	(tag) =	ssettag $0x0;
	lr =	simm.s32 $0x1  }
0x2: {  	[smem:$0x3F9B] =	sst lr;
	_ =	strace $0xD0000000  }
0x3: {  	_ = 	snop  }
0x4: {  	_ = 	snop  }
0x5: {  	_ = 	snop  }
0x6: {  	_ = 	snop  }
0x7: {  	_ = 	snop  }
__scs_overlays_trampoline_lowered:
0x8: {  	[smem:$0x3FAA] =	sst s0  }
0x9: {  	[smem:$0x3FAB] =	sst s1  }
0xa: {  	[smem:$0x3FAC] =	sst s2  }
0xb: {  	[smem:$0x3FAD] =	sst s3  }
0xc: {  	[smem:$0x3FAE] =	sst s4  }
0xd: {  	[smem:$0x3FAF] =	sst s5  }
0xe: {  	[smem:$0x3FB0] =	sst s6  }
0xf: {  	[smem:$0x3FB1] =	sst s7  }
0x10: {  	[smem:$0x3FB2] =	sst s8  }
0x11: {  	[smem:$0x3FB3] =	sst s9;
	s0 =	simm.s32 @!p0 $0x0  }
0x12: {  	s1 =	sld [smem:$0x3F99];
	s0 =	simm.s32 @p0 $0x1  }
0x13: {  	[smem:$0x3FB4] =	sst s0;
	s0 =	simm.s32 @!p1 $0x0  }
0x14: {  	s2 =	sld [smem:$0x3F98];
	s0 =	simm.s32 @p1 $0x1  }
0x15: {  	[smem:$0x3FB5] =	sst s0;
	s0 =	simm.s32 @!p2 $0x0  }
0x16: {  	s3 =	sld [smem:$0x3FDB];
	s0 =	simm.s32 @p2 $0x1  }
0x17: {  	s4 =	simm.s32 $0x1BF5;
	[smem:$0x3FB7] =	sst s0  }
0x18: {  	s0 =	sld [smem:$0x3F9A];
	_ =	swait.ge [sflag:s4], $0x0  }
0x19: {  	s7 =	sld [smem:$0x3F9B]  }
0x1a: {  	s8 =	sadd.s32 $0xFFFFE003, lr  }
0x1b: {  	s9 =	sadd.s32 $0xFFFFFEF7, lr;
	s5 =	simm.s32 $0xFFFFFFFF;
	p2 =	slt.u32 s8, $0xFFFFF086  }
0x1c: {  	p1 =	slt.u32 s9, $0xF7A;
	s5 =	simm.s32 @!p2 $0x0  }
0x1d: {  	s5 =	simm.s32 @p1 $0x1;
	p0 =	seq.s32 s7, s2  }
0x1e: {  	s7 =	smul.u32 @!p0 $0xF7A, s2;
	p2 =	seq.s32 @!p0 s5, $0x0  }
0x1f: {  	s9 =	smul.u32 $0xF7A, s1;
	s8 =	simm.s32 @!p0 $0x1BF5;
	p2 =	por !p2, p0  }
0x20: {  	[sflag:s8] =	ssyncset.s32 @!p0 $0xFFFFF086;
	s6 =	sadd.s32 @!p0 s3, s7;
	s7 =	simm.s32 @!p0 $0x108  }
0x21: {  	s3 =	sadd.s32 s3, s9;
	s6 =	sadd.s32 @!p0 $0x88, s6;
	s7 =	simm.s32 @p2 $0x1082  }
0x22: {  	[simem:s7], [sflag:s8] =	dma.local @!p0 [hbm:s6], $0xF7A  }
0x23: {  	s9 =	sor.u32 $0xD0000000, s2;
	s6 =	simm.s32 $0x108;
	_ =	swait.ge @!p0 [sflag:s8], $0x0  }
0x24: {  	s3 =	sadd.s32 $0x88, s3;
	s6 =	simm.s32 @!p1 $0x1082;
	[sflag:s4] =	ssyncset.s32 $0xFFFFF086  }
0x25: {  	[simem:s6], [sflag:s4] =	dma.local [hbm:s3], $0xF7A  }
0x26: {  	[smem:$0x3F9B] =	sst s1;
	(tag) =	ssettag s2;
	_ =	strace s9  }
0x27: {  	s1 =	sld [smem:$0x3FAB]  }
0x28: {  	s2 =	sld [smem:$0x3FAC]  }
0x29: {  	s4 =	sld [smem:$0x3FAE]  }
0x2a: {  	p0 =	seq.s32 s5, $0x0;
	s5 =	sld [smem:$0x3FAF]  }
0x2b: {  	s6 =	sld [smem:$0x3FB0]  }
0x2c: {  	s7 =	sld [smem:$0x3FB1]  }
0x2d: {  	s3 =	simm.s32 $0x108;
	s8 =	sld [smem:$0x3FB2]  }
0x2e: {  	s3 =	simm.s32 @!p0 $0x1082;
	s9 =	sld [smem:$0x3FB3]  }
0x2f: {  	lr =	sadd.s32 s0, s3;
	s0 =	sld [smem:$0x3FAA]  }
0x30: {  	s3 =	sld [smem:$0x3FAD]  }
0x31: {  	[smem:$0x3FB6] =	sst s10  }
0x32: {  	s10 =	sld [smem:$0x3FB4];
	_ =	sdelay $0x3  }
0x33: {  	p0 =	seq.s32 s10, $0x1;
	s10 =	sld [smem:$0x3FB6];
	_ =	sdelay $0x3  }
0x34: {  	[smem:$0x3FB6] =	sst s10  }
0x35: {  	s10 =	sld [smem:$0x3FB5];
	_ =	sdelay $0x3  }
0x36: {  	p1 =	seq.s32 s10, $0x1;
	s10 =	sld [smem:$0x3FB6];
	_ =	sdelay $0x3  }
0x37: {  	[smem:$0x3FB6] =	sst s10  }
0x38: {  	s10 =	sld [smem:$0x3FB7]  }
0x39: {  	_ = 	snop;
	(pc) =	sbr.ind lr, $3  }
0x3a: {  	_ = 	snop  }
0x3b: {  	_ = 	snop  }
0x3c: {  	p2 =	seq.s32 s10, $0x1;
	s10 =	sld [smem:$0x3FB6]  }
0x3d: {  	_ =	shalt  }
0x3e: {  	_ =	shalt  }
0x3f: {  	_ =	shalt  }
0x40: {  	_ =	shalt  }
0x41: {  	_ =	shalt  }
0x42: {  	_ =	shalt  }
0x43: {  	_ =	shalt  }
0x44: {  	_ =	shalt  }
0x45: {  	_ =	shalt  }
0x46: {  	_ =	shalt  }
0x47: {  	_ =	shalt  }
0x48: {  	_ =	shalt  }
0x49: {  	_ =	shalt  }
0x4a: {  	_ =	shalt  }
0x4b: {  	_ =	shalt  }
0x4c: {  	_ =	shalt  }
0x4d: {  	_ =	shalt  }
0x4e: {  	_ =	shalt  }
0x4f: {  	_ =	shalt  }
0x50: {  	_ =	shalt  }
0x51: {  	_ =	shalt  }
0x52: {  	_ =	shalt  }
0x53: {  	_ =	shalt  }
0x54: {  	_ =	shalt  }
0x55: {  	_ =	shalt  }
0x56: {  	_ =	shalt  }
0x57: {  	_ =	shalt  }
0x58: {  	_ =	shalt  }
0x59: {  	_ =	shalt  }
0x5a: {  	_ =	shalt  }
0x5b: {  	_ =	shalt  }
0x5c: {  	_ =	shalt  }
0x5d: {  	_ =	shalt  }
0x5e: {  	_ =	shalt  }
0x5f: {  	_ =	shalt  }
0x60: {  	_ =	shalt  }
0x61: {  	_ =	shalt  }
0x62: {  	_ =	shalt  }
0x63: {  	_ =	shalt  }
0x64: {  	_ =	shalt  }
0x65: {  	_ =	shalt  }
0x66: {  	_ =	shalt  }
0x67: {  	_ =	shalt  }
0x68: {  	_ =	shalt  }
0x69: {  	_ =	shalt  }
0x6a: {  	_ =	shalt  }
0x6b: {  	_ =	shalt  }
0x6c: {  	_ =	shalt  }
0x6d: {  	_ =	shalt  }
0x6e: {  	_ =	shalt  }
0x6f: {  	_ =	shalt  }
0x70: {  	_ =	shalt  }
0x71: {  	_ =	shalt  }
0x72: {  	_ =	shalt  }
0x73: {  	_ =	shalt  }
0x74: {  	_ =	shalt  }
0x75: {  	_ =	shalt  }
0x76: {  	_ =	shalt  }
0x77: {  	_ =	shalt  }
0x78: {  	_ =	shalt  }
0x79: {  	_ =	shalt  }
0x7a: {  	_ =	shalt  }
0x7b: {  	_ =	shalt  }
0x7c: {  	_ =	shalt  }
0x7d: {  	_ =	shalt  }
0x7e: {  	_ =	shalt  }
0x7f: {  	_ =	shalt  }
0x80: {  	_ =	shalt  }
0x81: {  	_ =	shalt  }
0x82: {  	_ =	shalt  }
0x83: {  	_ =	shalt  }
0x84: {  	_ =	shalt  }
0x85: {  	_ =	shalt  }
0x86: {  	_ =	shalt  }
0x87: {  	_ =	shalt  }
.Lfunc_end0:
.L_simem_size_0:
called_computation.1_lowered:
.L_overlay_start_0:
0x88: {  	s2 =	sld [smem:$0x3FD9]  }
0x89: {  	s3 =	sld [smem:$0x3FFE];
	_ =	sdelay $0x1  }
0x8a: {  	s1 =	srdreg.scid  }
0x8b: {  	s0 =	sand.u32 $0x1, s1  }
0x8c: {  	s17 =	sshll.u32 s0, $0xA;
	s2 =	sadd.s32 s3, s2  }
0x8d: {  	s2 =	sadd.s32 s2, s17  }
0x8e: {  	[smem:$0x3FC2] =	sst s2  }
0x8f: {  	_ = 	snop  }
0x90: {  	s18 =	sld [smem:$0x3FC7];
	(tm) =	ssettm $0x1  }
0x91: {  	s19 =	sld [smem:$0x3FFB];
	_ =	sdelay $0x3  }
0x92: {  	_ =	strace s19  }
0x93: {  	s2 =	sld [smem:$0x3FFC];
	_ =	sdelay $0x3  }
0x94: {  	_ =	strace s2  }
0x95: {  	s2 =	sld [smem:$0x3FFD];
	_ =	sdelay $0x3  }
0x96: {  	_ =	strace s2  }
0x97: {  	_ =	strace $0x8FFFFFFF  }
0x98: {  	s20 =	sld [smem:$0x3FDB];
	_ =	sdelay $0x1  }
0x99: {  	s4 =	simm.s32 $_scs_section_size  }
0x9a: {  	s5 =	simm.s32 $_size__tile_overlayer_lowered;
	s6 =	simm.s32 $_tile_overlayer_lowered  }
0x9b: {  	s7 =	simm.s32 $0x1BFF;
	s21 =	sshll.u32 s6, $0x1;
	s4 =	sadd.s32 s4, s20  }
0x9c: {  	s22 =	simm.s32 $0x0;
	s5 =	sshll.u32 s5, $0x1;
	s6 =	sadd.s32 s21, s4  }
0x9d: {  	[timem:s22], [sflag:s7] =	dma.local [hbm:s6], s5  }
0x9e: {  	_ =	swait.ge [sflag:s7], s5  }
0x9f: {  	s5 =	ssub.s32 $0x0, s5;
	[sflag:s7] =	ssyncset.done $0x0  }
0xa0: {  	[sflag:s7] =	ssyncadd.s32 s5;
	_ =	sdelay $0x1  }
0xa1: {  	s23 =	simm.s32 $0x1B8B  }
0xa2: {  	_ =	swait.ge [sflag:s23], $0x1  }
0xa3: {  	[sflag:s23] =	ssyncset.done $0x0  }
0xa4: {  	[sflag:s23] =	ssyncadd.s32 $0xFFFFFFFF  }
0xa5: {  	s5 =	sld [smem:$0x0]  }
0xa6: {  	s6 =	sand.u32 $0xFFFFFFFE, s1  }
0xa7: {  	p0 =	sne.s32 s1, s6  }
0xa8: {  	s6 =	sshll.u32 @p0 s6, $0xE  }
0xa9: {  	s6 =	sadd.s32 @p0 $0x11B8D, s6;
	s7 =	sshll.u32 @p0 s5, $0x11  }
0xaa: {  	s6 =	sor.u32 @p0 s7, s6  }
0xab: {  	[sflag:s6] =	ssyncadd.remote.s32 @p0 $0x1;
	_ =	sdelay $0x1  }
0xac: {  	s6 =	simm.s32 @p0 $0x1B8D  }
0xad: {  	_ =	swait.eq @p0 [sflag:s6], $0x1  }
0xae: {  	[sflag:s6] =	ssyncadd.s32 @p0 $0xFFFFFFFF  }
0xaf: {  	s7 =	sshll.u32 @!p0 s1, $0xE  }
0xb0: {  	s7 =	sor.u32 @!p0 $0x4000, s7;
	s6 =	simm.s32 @!p0 $0x1B8D  }
0xb1: {  	s5 =	sshll.u32 @!p0 s5, $0x11;
	s7 =	sadd.s32 @!p0 $0x11B8D, s7;
	_ =	swait.eq @!p0 [sflag:s6], $0x1  }
0xb2: {  	s5 =	sor.u32 @!p0 s5, s7;
	[sflag:s6] =	ssyncadd.s32 @!p0 $0xFFFFFFFF  }
0xb3: {  	s25 =	simm.s32 $0x1B8E;
	s24 =	sld [smem:$0x3FFE];
	[sflag:s5] =	ssyncadd.remote.s32 @!p0 $0x1  }
0xb4: {  	s26 =	simm.s32 $execute0_lowered;
	[smem:$0x3FD2] =	sst s25  }
0xb5: {  	s6 =	sshll.u32 s26, $0x1;
	_ =	strace $0x80000049;
	[dreg:$0x1] =	wrdreg $0xFFFFFFFF  }
0xb6: {  	s28 =	simm.s32 $_size_execute0_lowered;
	s4 =	sadd.s32 s4, s6;
	[dreg:$0x0] =	wrdreg $0x0  }
0xb7: {  	s6 =	sshll.u32 s28, $0x1;
	[dreg:$0x2] =	wrdreg s4  }
0xb8: {  	[dreg:$0x3] =	wrdreg s6  }
0xb9: {  	[dreg:$0x4] =	wrdreg $0xC0  }
0xba: {  	_ =	task [dreg:s22], $0x5FFFF  }
0xbb: {  	[dreg:$0x1] =	wrdreg $0xFFFFFFFF  }
0xbc: {  	[dreg:$0x0] =	wrdreg $0x60  }
0xbd: {  	[dreg:$0x2] =	wrdreg s18  }
0xbe: {  	[dreg:$0x3] =	wrdreg s24  }
0xbf: {  	[dreg:$0x4] =	wrdreg $0xA  }
0xc0: {  	_ =	task.clear_ibuf [dreg:s22], $0x5FFFF;
	_ =	strace $0x90000049  }
0xc1: {  	s29 =	simm.s32 $0xA;
	_ =	strace $0x8000004B  }
0xc2: {  	_ =	swait.ge [sflag:s29], $0x1  }
0xc3: {  	[sflag:s29] =	ssyncadd.s32 $0xFFFFFFFF  }
0xc4: {  	_ =	strace $0x9000004B  }
0xc5: {  	_ =	sfence  }
0xc6: {  	s30 =	sld [smem:$0x0];
	_ =	sdelay $0x2  }
0xc7: {  	s31 =	sshll.u32 s1, $0xD;
	s1 =	sshrl.u32 s1, $0x2  }
0xc8: {  	s4 =	sand.u32 $0x4000, s31;
	s1 =	sadd.s32 s1, s30  }
0xc9: {  	s0 =	sor.u32 s4, s0;
	s1 =	sshll.u32 s1, $0x11  }
0xca: {  	s0 =	sor.u32 s1, s0  }
0xcb: {  	s0 =	sadd.s32 $0x8F2B, s0  }
0xcc: {  	[sflag:s0] =	ssyncadd.remote.s32 $0x1  }
0xcd: {  	_ =	sfence.sel $0xFFFF  }
0xce: {  	[dreg:$0x0] =	wrdreg $0xFFFFFFFF;
	(pc) =	sbr.abs _section_cstart, $3  }
0xcf: {  	[dreg:$0x1] =	wrdreg $0xFFFFFFFF  }
0xd0: {  	_ =	task.clear_ibuf [dreg:s22], $0x2FFFF;
	_ =	strace $0x9FFFFFFF  }
0xd1: {  	(tm) =	ssettm $0x7FFFFFFF  }
tec
execute0_lowered:
.L_overlay_start_1:
0x0: {  	(tag) =	ssettag $0x1  }
0x1: {  	s2 =	rddreg [dreg:$0x0]  }
0x2: {  	s1 =	srdreg.scid;
	s0 =	stileid.u32  }
0x3: {  	s4 =	rddreg [dreg:$0x1];
	s3 =	simm.s32 $0x0;
	s13 =	simm.s32 $0x5400  }
0x4: {  	s14 =	simm.s32 $0x1;
	s15 =	simm.s32 $0x100;
	s16 =	simm.s32 $0x9400  }
0x5: {  	s17 =	simm.s32 $0x180;
	s18 =	simm.s32 $0xD400;
	s19 =	simm.s32 $0x2  }
0x6: {  	s20 =	simm.s32 $0x3;
	s21 =	simm.s32 $0x200;
	s22 =	simm.s32 $0x280  }
0x7: {  	s23 =	simm.s32 $0x4;
	s24 =	simm.s32 $0x0;
	s5 =	sand.u32 $0x1, s1  }
0x8: {  	s6 =	sshll.u32 s0, $0x1;
	s1 =	rddreg [dreg:$0x2];
	s9 =	smul.u32 $0x140000, s0  }
0x9: {  	[smem:$0x7FF] =	sst s3;
	s6 =	sor.u32 s5, s6;
	s11 =	smul.u32 $0xA0000, s5  }
0xa: {  	s12 =	sadd.s32 $0x296600, s4;
	s8 =	ssub.s32 $0x2, s5;
	s7 =	smul.u32 $0x280, s6  }
0xb: {  	_ =	strace $0x8000004A;
	s10 =	sshrl.u32 s8, $0x1;
	s6 =	smul.u32 $0xA0000, s6  }
0xc: {  	s28 =	ssub.s32 s8, s10;
	s29 =	sadd.s32 s11, s9;
	s10 =	simm.s32 $0x5  }
.Ltmp0:
0xd: {  	s11 =	simm.s32 $0x80;
	s7 =	sadd.s32 s7, s4;
	(pc) =	sbr.rel .LBB2_1-.Ltmp0, $4  }
0xe: {  	s5 =	smax.u32 s28, $0x1;
	s6 =	sshrl.u32 s6, $0x3;
	s30 =	sor.u32 $0x10000, s29  }
0xf: {  	s4 =	sadd.s32 $0x2600, s7;
	s7 =	sor.u32 $0x18000, s29;
	s6 =	sadd.s32 s12, s6  }
0x10: {  	s8 =	sshrl.u32 s30, $0x3;
	s31 =	sshrl.u32 s7, $0x3;
	s7 =	sadd.s32 $0x1000, s6  }
0x11: {  	s8 =	sadd.s32 s8, s12;
	s9 =	sadd.s32 s31, s12;
	s12 =	simm.s32 $0x1400  }
.LBB2_4:
0x12: {  	s24 =	sadd.s32 $0x1, s24  }
0x13: {  	p0 =	sne.s32 s24, s5  }
.Ltmp1:
0x14: {  	_ = 	snop;
	(pc) =	sbr.rel @!p0 .LBB2_5-.Ltmp1, $4  }
0x15: {  	_ = 	snop  }
0x16: {  	_ =	swait.ge [sflag:s23], $0x8000  }
0x17: {  	[sflag:s23] =	ssyncset.done $0x0  }
0x18: {  	[sflag:s23] =	ssyncadd.s32 $0xFFFF8000  }
.LBB2_1:
0x19: {  	[tilespmem:s3], [sflag:$0x5] =	stream.linear.gather [hbm4b:s4+s3], $0x1400, $0x38;
	[tilespmem:$0x11400] =	vst v63  }
0x1a: {  	_ =	swait.ge [sflag:s10], $0x1400  }
0x1b: {  	[sflag:s10] =	ssyncset.done $0x0  }
0x1c: {  	[sflag:s10] =	ssyncadd.s32 $0xFFFFEC00  }
0x1d: {  	[tilespmem:s12], [sflag:$0x1] =	stream.indirect.gather [hbm4b:s2+s11], $0x80, s3, s11, $0xb8;
	[tilespmem:$0x11400] =	vst v63  }
0x1e: {  	_ = 	snop  }
0x1f: {  	[tilespmem:s13], [sflag:$0x1] =	stream.indirect.gather [hbm4b:s2+s11], $0x80, s11, s11, $0xb8;
	[tilespmem:$0x11400] =	vst v63  }
0x20: {  	_ =	swait.ge [sflag:s14], $0x8000  }
0x21: {  	[sflag:s14] =	ssyncset.done $0x0  }
0x22: {  	[sflag:s14] =	ssyncadd.s32 $0xFFFF8000  }
0x23: {  	[hbm4b:s6+s3] =	stream.linear.scatter [tilespmem:s12], [sflag:$0x3], $0x8000, $0x38;
	[tilespmem:$0x11400] =	vst v63  }
0x24: {  	_ = 	snop  }
0x25: {  	[tilespmem:s16], [sflag:$0x2] =	stream.indirect.gather [hbm4b:s2+s11], $0x80, s15, s11, $0xb8;
	[tilespmem:$0x11400] =	vst v63  }
0x26: {  	_ = 	snop  }
0x27: {  	[tilespmem:s18], [sflag:$0x2] =	stream.indirect.gather [hbm4b:s2+s11], $0x80, s17, s11, $0xb8;
	[tilespmem:$0x11400] =	vst v63  }
0x28: {  	_ =	swait.ge [sflag:s19], $0x8000  }
0x29: {  	[sflag:s19] =	ssyncset.done $0x0  }
0x2a: {  	[sflag:s19] =	ssyncadd.s32 $0xFFFF8000  }
0x2b: {  	[hbm4b:s7+s3] =	stream.linear.scatter [tilespmem:s16], [sflag:$0x4], $0x8000, $0x38;
	[tilespmem:$0x11400] =	vst v63  }
0x2c: {  	_ =	swait.ge [sflag:s20], $0x8000  }
0x2d: {  	[sflag:s20] =	ssyncset.done $0x0  }
0x2e: {  	[sflag:s20] =	ssyncadd.s32 $0xFFFF8000  }
0x2f: {  	[tilespmem:s12], [sflag:$0x1] =	stream.indirect.gather [hbm4b:s2+s11], $0x80, s21, s11, $0xb8;
	[tilespmem:$0x11400] =	vst v63  }
0x30: {  	s25 =	smov.u32 s9;
	s26 =	smov.u32 s8;
	s28 =	simm.s32 $0x0  }
0x31: {  	[tilespmem:s13], [sflag:$0x1] =	stream.indirect.gather [hbm4b:s2+s11], $0x80, s22, s11, $0xb8;
	[tilespmem:$0x11400] =	vst v63  }
.LBB2_2:
0x32: {  	_ =	swait.ge [sflag:s14], $0x8000  }
0x33: {  	[sflag:s14] =	ssyncset.done $0x0  }
0x34: {  	[sflag:s14] =	ssyncadd.s32 $0xFFFF8000  }
0x35: {  	[hbm4b:s26+s3] =	stream.linear.scatter [tilespmem:s12], [sflag:$0x3], $0x8000, $0x38;
	[tilespmem:$0x11400] =	vst v63  }
0x36: {  	_ =	swait.ge [sflag:s23], $0x8000  }
0x37: {  	s29 =	sshra.s32 s28, $0x2;
	[sflag:s23] =	ssyncset.done $0x0  }
0x38: {  	s30 =	sadd.s32 $0x300, s29;
	[sflag:s23] =	ssyncadd.s32 $0xFFFF8000  }
0x39: {  	[tilespmem:s16], [sflag:$0x2] =	stream.indirect.gather [hbm4b:s2+s11], $0x80, s30, s11, $0xb8;
	[tilespmem:$0x11400] =	vst v63  }
0x3a: {  	s31 =	sadd.s32 $0x380, s29  }
0x3b: {  	[tilespmem:s18], [sflag:$0x2] =	stream.indirect.gather [hbm4b:s2+s11], $0x80, s31, s11, $0xb8;
	[tilespmem:$0x11400] =	vst v63  }
0x3c: {  	_ =	swait.ge [sflag:s19], $0x8000  }
0x3d: {  	p0 =	seq.s32 s28, $0x4000;
	[sflag:s19] =	ssyncset.done $0x0  }
.Ltmp2:
0x3e: {  	[sflag:s19] =	ssyncadd.s32 $0xFFFF8000;
	(pc) =	sbr.rel @p0 .LBB2_4-.Ltmp2, $4  }
0x3f: {  	[hbm4b:s25+s3] =	stream.linear.scatter [tilespmem:s16], [sflag:$0x4], $0x8000, $0x38;
	[tilespmem:$0x11400] =	vst v63  }
0x40: {  	_ =	swait.ge [sflag:s20], $0x8000  }
0x41: {  	[sflag:s20] =	ssyncset.done $0x0  }
0x42: {  	[sflag:s20] =	ssyncadd.s32 $0xFFFF8000  }
.Ltmp3:
0x43: {  	(pc) =	sbr.rel .LBB2_2-.Ltmp3, $4  }
0x44: {  	s30 =	sadd.s32 $0x400, s29;
	s31 =	sadd.s32 $0x480, s29  }
0x45: {  	[tilespmem:s12], [sflag:$0x1] =	stream.indirect.gather [hbm4b:s2+s11], $0x80, s30, s11, $0xb8;
	[tilespmem:$0x11400] =	vst v63  }
0x46: {  	s28 =	sadd.s32 $0x800, s28;
	s26 =	sadd.s32 $0x2000, s26;
	s25 =	sadd.s32 $0x2000, s25  }
0x47: {  	[tilespmem:s13], [sflag:$0x1] =	stream.indirect.gather [hbm4b:s2+s11], $0x80, s31, s11, $0xb8;
	[tilespmem:$0x11400] =	vst v63  }
.LBB2_5:
0x48: {  	_ =	sfence.sel $0x180000  }
0x49: {  	[bflag:$0x0] =	sbarrier.arrive $0xFFFF  }
0x4a: {  	p0 =	sne.s32 s0, $0x0;
	_ =	strace $0x9000004A  }
0x4b: {  	s0 =	sadd.s32 @!p0 $0x100000, s1;
	[bflag:$0x2] =	sbarrier.arrive $0xFFFF  }
0x4c: {  	[sflag:s0] =	ssyncadd.tile.s32 @!p0 $0x1;
	_ =	shalt  }
.Lfunc_end2:
_tile_overlayer_lowered:
.L_overlay_start_2:
0x4d: {  	(tag) =	ssettag $0x2  }
0x4e: {  	s0 =	rddreg [dreg:$0x0];
	s2 =	stileid.u32  }
0x4f: {  	s1 =	rddreg [dreg:$0x1];
	p0 =	sne.s32 s2, $0x0  }
0x50: {  	s3 =	rddreg [dreg:$0x2];
	[bflag:$0x3] =	sbarrier.arrive $0xFFFF;
	s2 =	simm.s32 @!p0 $0x1C05  }
0x51: {  	[timem:s3], [sflag:s2] =	dma.local @!p0 [hbm:s0], s1  }
0x52: {  	s0 =	simm.s32 @!p0 $0x5  }
0x53: {  	_ =	swait.ge @!p0 [sflag:s0], s1  }
0x54: {  	s1 =	ssub.s32 @!p0 $0x0, s1;
	[sflag:s0] =	ssyncset.done @!p0 $0x0  }
0x55: {  	[sflag:s0] =	ssyncadd.s32 @!p0 s1  }
0x56: {  	[bflag:$0x3] =	sbarrier.arrive $0xFFFF  }
0x57: {  	_ =	shalt  }

// kernel: kernel.18.cloned.1.call-start
scs
__scs_entry_jumppad:
0x0: {  	(pc) =	sbr.rel $0x88, $3  }
0x1: {  	(tag) =	ssettag $0x0;
	lr =	simm.s32 $0x1  }
0x2: {  	[smem:$0x3F9B] =	sst lr;
	_ =	strace $0xD0000000  }
0x3: {  	_ = 	snop  }
0x4: {  	_ = 	snop  }
0x5: {  	_ = 	snop  }
0x6: {  	_ = 	snop  }
0x7: {  	_ = 	snop  }
__scs_overlays_trampoline_lowered:
0x8: {  	[smem:$0x3FAA] =	sst s0  }
0x9: {  	[smem:$0x3FAB] =	sst s1  }
0xa: {  	[smem:$0x3FAC] =	sst s2  }
0xb: {  	[smem:$0x3FAD] =	sst s3  }
0xc: {  	[smem:$0x3FAE] =	sst s4  }
0xd: {  	[smem:$0x3FAF] =	sst s5  }
0xe: {  	[smem:$0x3FB0] =	sst s6  }
0xf: {  	[smem:$0x3FB1] =	sst s7  }
0x10: {  	[smem:$0x3FB2] =	sst s8  }
0x11: {  	[smem:$0x3FB3] =	sst s9;
	s0 =	simm.s32 @!p0 $0x0  }
0x12: {  	s1 =	sld [smem:$0x3F99];
	s0 =	simm.s32 @p0 $0x1  }
0x13: {  	[smem:$0x3FB4] =	sst s0;
	s0 =	simm.s32 @!p1 $0x0  }
0x14: {  	s2 =	sld [smem:$0x3F98];
	s0 =	simm.s32 @p1 $0x1  }
0x15: {  	[smem:$0x3FB5] =	sst s0;
	s0 =	simm.s32 @!p2 $0x0  }
0x16: {  	s3 =	sld [smem:$0x3FDB];
	s0 =	simm.s32 @p2 $0x1  }
0x17: {  	s4 =	simm.s32 $0x1BF5;
	[smem:$0x3FB7] =	sst s0  }
0x18: {  	s0 =	sld [smem:$0x3F9A];
	_ =	swait.ge [sflag:s4], $0x0  }
0x19: {  	s7 =	sld [smem:$0x3F9B]  }
0x1a: {  	s8 =	sadd.s32 $0xFFFFE003, lr  }
0x1b: {  	s9 =	sadd.s32 $0xFFFFFEF7, lr;
	s5 =	simm.s32 $0xFFFFFFFF;
	p2 =	slt.u32 s8, $0xFFFFF086  }
0x1c: {  	p1 =	slt.u32 s9, $0xF7A;
	s5 =	simm.s32 @!p2 $0x0  }
0x1d: {  	s5 =	simm.s32 @p1 $0x1;
	p0 =	seq.s32 s7, s2  }
0x1e: {  	s7 =	smul.u32 @!p0 $0xF7A, s2;
	p2 =	seq.s32 @!p0 s5, $0x0  }
0x1f: {  	s9 =	smul.u32 $0xF7A, s1;
	s8 =	simm.s32 @!p0 $0x1BF5;
	p2 =	por !p2, p0  }
0x20: {  	[sflag:s8] =	ssyncset.s32 @!p0 $0xFFFFF086;
	s6 =	sadd.s32 @!p0 s3, s7;
	s7 =	simm.s32 @!p0 $0x108  }
0x21: {  	s3 =	sadd.s32 s3, s9;
	s6 =	sadd.s32 @!p0 $0x88, s6;
	s7 =	simm.s32 @p2 $0x1082  }
0x22: {  	[simem:s7], [sflag:s8] =	dma.local @!p0 [hbm:s6], $0xF7A  }
0x23: {  	s9 =	sor.u32 $0xD0000000, s2;
	s6 =	simm.s32 $0x108;
	_ =	swait.ge @!p0 [sflag:s8], $0x0  }
0x24: {  	s3 =	sadd.s32 $0x88, s3;
	s6 =	simm.s32 @!p1 $0x1082;
	[sflag:s4] =	ssyncset.s32 $0xFFFFF086  }
0x25: {  	[simem:s6], [sflag:s4] =	dma.local [hbm:s3], $0xF7A  }
0x26: {  	[smem:$0x3F9B] =	sst s1;
	(tag) =	ssettag s2;
	_ =	strace s9  }
0x27: {  	s1 =	sld [smem:$0x3FAB]  }
0x28: {  	s2 =	sld [smem:$0x3FAC]  }
0x29: {  	s4 =	sld [smem:$0x3FAE]  }
0x2a: {  	p0 =	seq.s32 s5, $0x0;
	s5 =	sld [smem:$0x3FAF]  }
0x2b: {  	s6 =	sld [smem:$0x3FB0]  }
0x2c: {  	s7 =	sld [smem:$0x3FB1]  }
0x2d: {  	s3 =	simm.s32 $0x108;
	s8 =	sld [smem:$0x3FB2]  }
0x2e: {  	s3 =	simm.s32 @!p0 $0x1082;
	s9 =	sld [smem:$0x3FB3]  }
0x2f: {  	lr =	sadd.s32 s0, s3;
	s0 =	sld [smem:$0x3FAA]  }
0x30: {  	s3 =	sld [smem:$0x3FAD]  }
0x31: {  	[smem:$0x3FB6] =	sst s10  }
0x32: {  	s10 =	sld [smem:$0x3FB4];
	_ =	sdelay $0x3  }
0x33: {  	p0 =	seq.s32 s10, $0x1;
	s10 =	sld [smem:$0x3FB6];
	_ =	sdelay $0x3  }
0x34: {  	[smem:$0x3FB6] =	sst s10  }
0x35: {  	s10 =	sld [smem:$0x3FB5];
	_ =	sdelay $0x3  }
0x36: {  	p1 =	seq.s32 s10, $0x1;
	s10 =	sld [smem:$0x3FB6];
	_ =	sdelay $0x3  }
0x37: {  	[smem:$0x3FB6] =	sst s10  }
0x38: {  	s10 =	sld [smem:$0x3FB7]  }
0x39: {  	_ = 	snop;
	(pc) =	sbr.ind lr, $3  }
0x3a: {  	_ = 	snop  }
0x3b: {  	_ = 	snop  }
0x3c: {  	p2 =	seq.s32 s10, $0x1;
	s10 =	sld [smem:$0x3FB6]  }
0x3d: {  	_ =	shalt  }
0x3e: {  	_ =	shalt  }
0x3f: {  	_ =	shalt  }
0x40: {  	_ =	shalt  }
0x41: {  	_ =	shalt  }
0x42: {  	_ =	shalt  }
0x43: {  	_ =	shalt  }
0x44: {  	_ =	shalt  }
0x45: {  	_ =	shalt  }
0x46: {  	_ =	shalt  }
0x47: {  	_ =	shalt  }
0x48: {  	_ =	shalt  }
0x49: {  	_ =	shalt  }
0x4a: {  	_ =	shalt  }
0x4b: {  	_ =	shalt  }
0x4c: {  	_ =	shalt  }
0x4d: {  	_ =	shalt  }
0x4e: {  	_ =	shalt  }
0x4f: {  	_ =	shalt  }
0x50: {  	_ =	shalt  }
0x51: {  	_ =	shalt  }
0x52: {  	_ =	shalt  }
0x53: {  	_ =	shalt  }
0x54: {  	_ =	shalt  }
0x55: {  	_ =	shalt  }
0x56: {  	_ =	shalt  }
0x57: {  	_ =	shalt  }
0x58: {  	_ =	shalt  }
0x59: {  	_ =	shalt  }
0x5a: {  	_ =	shalt  }
0x5b: {  	_ =	shalt  }
0x5c: {  	_ =	shalt  }
0x5d: {  	_ =	shalt  }
0x5e: {  	_ =	shalt  }
0x5f: {  	_ =	shalt  }
0x60: {  	_ =	shalt  }
0x61: {  	_ =	shalt  }
0x62: {  	_ =	shalt  }
0x63: {  	_ =	shalt  }
0x64: {  	_ =	shalt  }
0x65: {  	_ =	shalt  }
0x66: {  	_ =	shalt  }
0x67: {  	_ =	shalt  }
0x68: {  	_ =	shalt  }
0x69: {  	_ =	shalt  }
0x6a: {  	_ =	shalt  }
0x6b: {  	_ =	shalt  }
0x6c: {  	_ =	shalt  }
0x6d: {  	_ =	shalt  }
0x6e: {  	_ =	shalt  }
0x6f: {  	_ =	shalt  }
0x70: {  	_ =	shalt  }
0x71: {  	_ =	shalt  }
0x72: {  	_ =	shalt  }
0x73: {  	_ =	shalt  }
0x74: {  	_ =	shalt  }
0x75: {  	_ =	shalt  }
0x76: {  	_ =	shalt  }
0x77: {  	_ =	shalt  }
0x78: {  	_ =	shalt  }
0x79: {  	_ =	shalt  }
0x7a: {  	_ =	shalt  }
0x7b: {  	_ =	shalt  }
0x7c: {  	_ =	shalt  }
0x7d: {  	_ =	shalt  }
0x7e: {  	_ =	shalt  }
0x7f: {  	_ =	shalt  }
0x80: {  	_ =	shalt  }
0x81: {  	_ =	shalt  }
0x82: {  	_ =	shalt  }
0x83: {  	_ =	shalt  }
0x84: {  	_ =	shalt  }
0x85: {  	_ =	shalt  }
0x86: {  	_ =	shalt  }
0x87: {  	_ =	shalt  }
.Lfunc_end0:
.L_simem_size_0:
called_computation.2_lowered:
.L_overlay_start_0:
0x88: {  	s2 =	sld [smem:$0x3FD9]  }
0x89: {  	s3 =	sld [smem:$0x3FFE];
	_ =	sdelay $0x1  }
0x8a: {  	s1 =	srdreg.scid  }
0x8b: {  	s0 =	sand.u32 $0x1, s1  }
0x8c: {  	s17 =	sshll.u32 s0, $0xA;
	s2 =	sadd.s32 s3, s2  }
0x8d: {  	s2 =	sadd.s32 s2, s17  }
0x8e: {  	[smem:$0x3FC2] =	sst s2  }
0x8f: {  	_ = 	snop  }
0x90: {  	s18 =	sld [smem:$0x3FC7];
	(tm) =	ssettm $0x1  }
0x91: {  	s19 =	sld [smem:$0x3FFB];
	_ =	sdelay $0x3  }
0x92: {  	_ =	strace s19  }
0x93: {  	s2 =	sld [smem:$0x3FFC];
	_ =	sdelay $0x3  }
0x94: {  	_ =	strace s2  }
0x95: {  	s2 =	sld [smem:$0x3FFD];
	_ =	sdelay $0x3  }
0x96: {  	_ =	strace s2  }
0x97: {  	_ =	strace $0x8FFFFFFF  }
0x98: {  	s20 =	sld [smem:$0x3FDB];
	_ =	sdelay $0x1  }
0x99: {  	s4 =	simm.s32 $_scs_section_size  }
0x9a: {  	s5 =	simm.s32 $_size__tile_overlayer_lowered;
	s6 =	simm.s32 $_tile_overlayer_lowered  }
0x9b: {  	s7 =	simm.s32 $0x1BFF;
	s21 =	sshll.u32 s6, $0x1;
	s4 =	sadd.s32 s4, s20  }
0x9c: {  	s22 =	simm.s32 $0x0;
	s5 =	sshll.u32 s5, $0x1;
	s6 =	sadd.s32 s21, s4  }
0x9d: {  	[timem:s22], [sflag:s7] =	dma.local [hbm:s6], s5  }
0x9e: {  	_ =	swait.ge [sflag:s7], s5  }
0x9f: {  	s5 =	ssub.s32 $0x0, s5;
	[sflag:s7] =	ssyncset.done $0x0  }
0xa0: {  	[sflag:s7] =	ssyncadd.s32 s5;
	_ =	sdelay $0x1  }
0xa1: {  	s23 =	simm.s32 $0x1B8B  }
0xa2: {  	_ =	swait.ge [sflag:s23], $0x1  }
0xa3: {  	[sflag:s23] =	ssyncset.done $0x0  }
0xa4: {  	[sflag:s23] =	ssyncadd.s32 $0xFFFFFFFF  }
0xa5: {  	s5 =	sld [smem:$0x0]  }
0xa6: {  	s6 =	sand.u32 $0xFFFFFFFE, s1  }
0xa7: {  	p0 =	sne.s32 s1, s6  }
0xa8: {  	s6 =	sshll.u32 @p0 s6, $0xE  }
0xa9: {  	s6 =	sadd.s32 @p0 $0x11B8D, s6;
	s7 =	sshll.u32 @p0 s5, $0x11  }
0xaa: {  	s6 =	sor.u32 @p0 s7, s6  }
0xab: {  	[sflag:s6] =	ssyncadd.remote.s32 @p0 $0x1;
	_ =	sdelay $0x1  }
0xac: {  	s6 =	simm.s32 @p0 $0x1B8D  }
0xad: {  	_ =	swait.eq @p0 [sflag:s6], $0x1  }
0xae: {  	[sflag:s6] =	ssyncadd.s32 @p0 $0xFFFFFFFF  }
0xaf: {  	s7 =	sshll.u32 @!p0 s1, $0xE  }
0xb0: {  	s7 =	sor.u32 @!p0 $0x4000, s7;
	s6 =	simm.s32 @!p0 $0x1B8D  }
0xb1: {  	s5 =	sshll.u32 @!p0 s5, $0x11;
	s7 =	sadd.s32 @!p0 $0x11B8D, s7;
	_ =	swait.eq @!p0 [sflag:s6], $0x1  }
0xb2: {  	s5 =	sor.u32 @!p0 s5, s7;
	[sflag:s6] =	ssyncadd.s32 @!p0 $0xFFFFFFFF  }
0xb3: {  	s25 =	simm.s32 $0x1B8E;
	s24 =	sld [smem:$0x3FFE];
	[sflag:s5] =	ssyncadd.remote.s32 @!p0 $0x1  }
0xb4: {  	s26 =	simm.s32 $execute0_lowered;
	[smem:$0x3FD2] =	sst s25  }
0xb5: {  	s6 =	sshll.u32 s26, $0x1;
	_ =	strace $0x8000004C;
	[dreg:$0x1] =	wrdreg $0xFFFFFFFF  }
0xb6: {  	s28 =	simm.s32 $_size_execute0_lowered;
	s4 =	sadd.s32 s4, s6;
	[dreg:$0x0] =	wrdreg $0x0  }
0xb7: {  	s6 =	sshll.u32 s28, $0x1;
	[dreg:$0x2] =	wrdreg s4  }
0xb8: {  	[dreg:$0x3] =	wrdreg s6  }
0xb9: {  	[dreg:$0x4] =	wrdreg $0xC0  }
0xba: {  	_ =	task [dreg:s22], $0x5FFFF  }
0xbb: {  	[dreg:$0x1] =	wrdreg $0xFFFFFFFF  }
0xbc: {  	[dreg:$0x0] =	wrdreg $0x60  }
0xbd: {  	[dreg:$0x2] =	wrdreg s18  }
0xbe: {  	[dreg:$0x3] =	wrdreg s24  }
0xbf: {  	[dreg:$0x4] =	wrdreg $0xB  }
0xc0: {  	_ =	task.clear_ibuf [dreg:s22], $0x5FFFF;
	_ =	strace $0x9000004C  }
0xc1: {  	s29 =	simm.s32 $0xB;
	_ =	strace $0x8000004E  }
0xc2: {  	_ =	swait.ge [sflag:s29], $0x1  }
0xc3: {  	[sflag:s29] =	ssyncadd.s32 $0xFFFFFFFF  }
0xc4: {  	_ =	strace $0x9000004E  }
0xc5: {  	_ =	sfence  }
0xc6: {  	s30 =	sld [smem:$0x0];
	_ =	sdelay $0x2  }
0xc7: {  	s31 =	sshll.u32 s1, $0xD;
	s1 =	sshrl.u32 s1, $0x2  }
0xc8: {  	s4 =	sand.u32 $0x4000, s31;
	s1 =	sadd.s32 s1, s30  }
0xc9: {  	s0 =	sor.u32 s4, s0;
	s1 =	sshll.u32 s1, $0x11  }
0xca: {  	s0 =	sor.u32 s1, s0  }
0xcb: {  	s0 =	sadd.s32 $0x8F2B, s0  }
0xcc: {  	[sflag:s0] =	ssyncadd.remote.s32 $0x1  }
0xcd: {  	_ =	sfence.sel $0xFFFF  }
0xce: {  	[dreg:$0x0] =	wrdreg $0xFFFFFFFF;
	(pc) =	sbr.abs _section_cstart, $3  }
0xcf: {  	[dreg:$0x1] =	wrdreg $0xFFFFFFFF  }
0xd0: {  	_ =	task.clear_ibuf [dreg:s22], $0x2FFFF;
	_ =	strace $0x9FFFFFFF  }
0xd1: {  	(tm) =	ssettm $0x7FFFFFFF  }
tec
execute0_lowered:
.L_overlay_start_1:
0x0: {  	(tag) =	ssettag $0x1  }
0x1: {  	s2 =	rddreg [dreg:$0x0]  }
0x2: {  	s1 =	srdreg.scid;
	s0 =	stileid.u32  }
0x3: {  	s4 =	rddreg [dreg:$0x1];
	s3 =	simm.s32 $0x0;
	s13 =	simm.s32 $0x5400  }
0x4: {  	s14 =	simm.s32 $0x1;
	s15 =	simm.s32 $0x100;
	s16 =	simm.s32 $0x9400  }
0x5: {  	s17 =	simm.s32 $0x180;
	s18 =	simm.s32 $0xD400;
	s19 =	simm.s32 $0x2  }
0x6: {  	s20 =	simm.s32 $0x3;
	s21 =	simm.s32 $0x200;
	s22 =	simm.s32 $0x280  }
0x7: {  	s23 =	simm.s32 $0x4;
	s24 =	simm.s32 $0x0;
	s5 =	sand.u32 $0x1, s1  }
0x8: {  	s6 =	sshll.u32 s0, $0x1;
	s1 =	rddreg [dreg:$0x2];
	s9 =	smul.u32 $0x140000, s0  }
0x9: {  	[smem:$0x7FF] =	sst s3;
	s6 =	sor.u32 s5, s6;
	s11 =	smul.u32 $0xA0000, s5  }
0xa: {  	s12 =	sadd.s32 $0x516600, s4;
	s8 =	ssub.s32 $0x2, s5;
	s7 =	smul.u32 $0x280, s6  }
0xb: {  	_ =	strace $0x8000004D;
	s10 =	sshrl.u32 s8, $0x1;
	s6 =	smul.u32 $0xA0000, s6  }
0xc: {  	s28 =	ssub.s32 s8, s10;
	s29 =	sadd.s32 s11, s9;
	s10 =	simm.s32 $0x5  }
.Ltmp0:
0xd: {  	s11 =	simm.s32 $0x80;
	s7 =	sadd.s32 s7, s4;
	(pc) =	sbr.rel .LBB2_1-.Ltmp0, $4  }
0xe: {  	s5 =	smax.u32 s28, $0x1;
	s6 =	sshrl.u32 s6, $0x3;
	s30 =	sor.u32 $0x10000, s29  }
0xf: {  	s4 =	sadd.s32 $0x7600, s7;
	s7 =	sor.u32 $0x18000, s29;
	s6 =	sadd.s32 s12, s6  }
0x10: {  	s8 =	sshrl.u32 s30, $0x3;
	s31 =	sshrl.u32 s7, $0x3;
	s7 =	sadd.s32 $0x1000, s6  }
0x11: {  	s8 =	sadd.s32 s8, s12;
	s9 =	sadd.s32 s31, s12;
	s12 =	simm.s32 $0x1400  }
.LBB2_4:
0x12: {  	s24 =	sadd.s32 $0x1, s24  }
0x13: {  	p0 =	sne.s32 s24, s5  }
.Ltmp1:
0x14: {  	_ = 	snop;
	(pc) =	sbr.rel @!p0 .LBB2_5-.Ltmp1, $4  }
0x15: {  	_ = 	snop  }
0x16: {  	_ =	swait.ge [sflag:s23], $0x8000  }
0x17: {  	[sflag:s23] =	ssyncset.done $0x0  }
0x18: {  	[sflag:s23] =	ssyncadd.s32 $0xFFFF8000  }
.LBB2_1:
0x19: {  	[tilespmem:s3], [sflag:$0x5] =	stream.linear.gather [hbm4b:s4+s3], $0x1400, $0x38;
	[tilespmem:$0x11400] =	vst v63  }
0x1a: {  	_ =	swait.ge [sflag:s10], $0x1400  }
0x1b: {  	[sflag:s10] =	ssyncset.done $0x0  }
0x1c: {  	[sflag:s10] =	ssyncadd.s32 $0xFFFFEC00  }
0x1d: {  	[tilespmem:s12], [sflag:$0x1] =	stream.indirect.gather [hbm4b:s2+s11], $0x80, s3, s11, $0xb8;
	[tilespmem:$0x11400] =	vst v63  }
0x1e: {  	_ = 	snop  }
0x1f: {  	[tilespmem:s13], [sflag:$0x1] =	stream.indirect.gather [hbm4b:s2+s11], $0x80, s11, s11, $0xb8;
	[tilespmem:$0x11400] =	vst v63  }
0x20: {  	_ =	swait.ge [sflag:s14], $0x8000  }
0x21: {  	[sflag:s14] =	ssyncset.done $0x0  }
0x22: {  	[sflag:s14] =	ssyncadd.s32 $0xFFFF8000  }
0x23: {  	[hbm4b:s6+s3] =	stream.linear.scatter [tilespmem:s12], [sflag:$0x3], $0x8000, $0x38;
	[tilespmem:$0x11400] =	vst v63  }
0x24: {  	_ = 	snop  }
0x25: {  	[tilespmem:s16], [sflag:$0x2] =	stream.indirect.gather [hbm4b:s2+s11], $0x80, s15, s11, $0xb8;
	[tilespmem:$0x11400] =	vst v63  }
0x26: {  	_ = 	snop  }
0x27: {  	[tilespmem:s18], [sflag:$0x2] =	stream.indirect.gather [hbm4b:s2+s11], $0x80, s17, s11, $0xb8;
	[tilespmem:$0x11400] =	vst v63  }
0x28: {  	_ =	swait.ge [sflag:s19], $0x8000  }
0x29: {  	[sflag:s19] =	ssyncset.done $0x0  }
0x2a: {  	[sflag:s19] =	ssyncadd.s32 $0xFFFF8000  }
0x2b: {  	[hbm4b:s7+s3] =	stream.linear.scatter [tilespmem:s16], [sflag:$0x4], $0x8000, $0x38;
	[tilespmem:$0x11400] =	vst v63  }
0x2c: {  	_ =	swait.ge [sflag:s20], $0x8000  }
0x2d: {  	[sflag:s20] =	ssyncset.done $0x0  }
0x2e: {  	[sflag:s20] =	ssyncadd.s32 $0xFFFF8000  }
0x2f: {  	[tilespmem:s12], [sflag:$0x1] =	stream.indirect.gather [hbm4b:s2+s11], $0x80, s21, s11, $0xb8;
	[tilespmem:$0x11400] =	vst v63  }
0x30: {  	s25 =	smov.u32 s9;
	s26 =	smov.u32 s8;
	s28 =	simm.s32 $0x0  }
0x31: {  	[tilespmem:s13], [sflag:$0x1] =	stream.indirect.gather [hbm4b:s2+s11], $0x80, s22, s11, $0xb8;
	[tilespmem:$0x11400] =	vst v63  }
.LBB2_2:
0x32: {  	_ =	swait.ge [sflag:s14], $0x8000  }
0x33: {  	[sflag:s14] =	ssyncset.done $0x0  }
0x34: {  	[sflag:s14] =	ssyncadd.s32 $0xFFFF8000  }
0x35: {  	[hbm4b:s26+s3] =	stream.linear.scatter [tilespmem:s12], [sflag:$0x3], $0x8000, $0x38;
	[tilespmem:$0x11400] =	vst v63  }
0x36: {  	_ =	swait.ge [sflag:s23], $0x8000  }
0x37: {  	s29 =	sshra.s32 s28, $0x2;
	[sflag:s23] =	ssyncset.done $0x0  }
0x38: {  	s30 =	sadd.s32 $0x300, s29;
	[sflag:s23] =	ssyncadd.s32 $0xFFFF8000  }
0x39: {  	[tilespmem:s16], [sflag:$0x2] =	stream.indirect.gather [hbm4b:s2+s11], $0x80, s30, s11, $0xb8;
	[tilespmem:$0x11400] =	vst v63  }
0x3a: {  	s31 =	sadd.s32 $0x380, s29  }
0x3b: {  	[tilespmem:s18], [sflag:$0x2] =	stream.indirect.gather [hbm4b:s2+s11], $0x80, s31, s11, $0xb8;
	[tilespmem:$0x11400] =	vst v63  }
0x3c: {  	_ =	swait.ge [sflag:s19], $0x8000  }
0x3d: {  	p0 =	seq.s32 s28, $0x4000;
	[sflag:s19] =	ssyncset.done $0x0  }
.Ltmp2:
0x3e: {  	[sflag:s19] =	ssyncadd.s32 $0xFFFF8000;
	(pc) =	sbr.rel @p0 .LBB2_4-.Ltmp2, $4  }
0x3f: {  	[hbm4b:s25+s3] =	stream.linear.scatter [tilespmem:s16], [sflag:$0x4], $0x8000, $0x38;
	[tilespmem:$0x11400] =	vst v63  }
0x40: {  	_ =	swait.ge [sflag:s20], $0x8000  }
0x41: {  	[sflag:s20] =	ssyncset.done $0x0  }
0x42: {  	[sflag:s20] =	ssyncadd.s32 $0xFFFF8000  }
.Ltmp3:
0x43: {  	(pc) =	sbr.rel .LBB2_2-.Ltmp3, $4  }
0x44: {  	s30 =	sadd.s32 $0x400, s29;
	s31 =	sadd.s32 $0x480, s29  }
0x45: {  	[tilespmem:s12], [sflag:$0x1] =	stream.indirect.gather [hbm4b:s2+s11], $0x80, s30, s11, $0xb8;
	[tilespmem:$0x11400] =	vst v63  }
0x46: {  	s28 =	sadd.s32 $0x800, s28;
	s26 =	sadd.s32 $0x2000, s26;
	s25 =	sadd.s32 $0x2000, s25  }
0x47: {  	[tilespmem:s13], [sflag:$0x1] =	stream.indirect.gather [hbm4b:s2+s11], $0x80, s31, s11, $0xb8;
	[tilespmem:$0x11400] =	vst v63  }
.LBB2_5:
0x48: {  	_ =	sfence.sel $0x180000  }
0x49: {  	[bflag:$0x0] =	sbarrier.arrive $0xFFFF  }
0x4a: {  	p0 =	sne.s32 s0, $0x0;
	_ =	strace $0x9000004D  }
0x4b: {  	s0 =	sadd.s32 @!p0 $0x100000, s1;
	[bflag:$0x2] =	sbarrier.arrive $0xFFFF  }
0x4c: {  	[sflag:s0] =	ssyncadd.tile.s32 @!p0 $0x1;
	_ =	shalt  }
.Lfunc_end2:
_tile_overlayer_lowered:
.L_overlay_start_2:
0x4d: {  	(tag) =	ssettag $0x2  }
0x4e: {  	s0 =	rddreg [dreg:$0x0];
	s2 =	stileid.u32  }
0x4f: {  	s1 =	rddreg [dreg:$0x1];
	p0 =	sne.s32 s2, $0x0  }
0x50: {  	s3 =	rddreg [dreg:$0x2];
	[bflag:$0x3] =	sbarrier.arrive $0xFFFF;
	s2 =	simm.s32 @!p0 $0x1C05  }
0x51: {  	[timem:s3], [sflag:s2] =	dma.local @!p0 [hbm:s0], s1  }
0x52: {  	s0 =	simm.s32 @!p0 $0x5  }
0x53: {  	_ =	swait.ge @!p0 [sflag:s0], s1  }
0x54: {  	s1 =	ssub.s32 @!p0 $0x0, s1;
	[sflag:s0] =	ssyncset.done @!p0 $0x0  }
0x55: {  	[sflag:s0] =	ssyncadd.s32 @!p0 s1  }
0x56: {  	[bflag:$0x3] =	sbarrier.arrive $0xFFFF  }
0x57: {  	_ =	shalt  }

// kernel: kernel.21.cloned.1.call-start
scs
__scs_entry_jumppad:
0x0: {  	(pc) =	sbr.rel $0x88, $3  }
0x1: {  	(tag) =	ssettag $0x0;
	lr =	simm.s32 $0x1  }
0x2: {  	[smem:$0x3F9B] =	sst lr;
	_ =	strace $0xD0000000  }
0x3: {  	_ = 	snop  }
0x4: {  	_ = 	snop  }
0x5: {  	_ = 	snop  }
0x6: {  	_ = 	snop  }
0x7: {  	_ = 	snop  }
__scs_overlays_trampoline_lowered:
0x8: {  	[smem:$0x3FAA] =	sst s0  }
0x9: {  	[smem:$0x3FAB] =	sst s1  }
0xa: {  	[smem:$0x3FAC] =	sst s2  }
0xb: {  	[smem:$0x3FAD] =	sst s3  }
0xc: {  	[smem:$0x3FAE] =	sst s4  }
0xd: {  	[smem:$0x3FAF] =	sst s5  }
0xe: {  	[smem:$0x3FB0] =	sst s6  }
0xf: {  	[smem:$0x3FB1] =	sst s7  }
0x10: {  	[smem:$0x3FB2] =	sst s8  }
0x11: {  	[smem:$0x3FB3] =	sst s9;
	s0 =	simm.s32 @!p0 $0x0  }
0x12: {  	s1 =	sld [smem:$0x3F99];
	s0 =	simm.s32 @p0 $0x1  }
0x13: {  	[smem:$0x3FB4] =	sst s0;
	s0 =	simm.s32 @!p1 $0x0  }
0x14: {  	s2 =	sld [smem:$0x3F98];
	s0 =	simm.s32 @p1 $0x1  }
0x15: {  	[smem:$0x3FB5] =	sst s0;
	s0 =	simm.s32 @!p2 $0x0  }
0x16: {  	s3 =	sld [smem:$0x3FDB];
	s0 =	simm.s32 @p2 $0x1  }
0x17: {  	s4 =	simm.s32 $0x1BF5;
	[smem:$0x3FB7] =	sst s0  }
0x18: {  	s0 =	sld [smem:$0x3F9A];
	_ =	swait.ge [sflag:s4], $0x0  }
0x19: {  	s7 =	sld [smem:$0x3F9B]  }
0x1a: {  	s8 =	sadd.s32 $0xFFFFE003, lr  }
0x1b: {  	s9 =	sadd.s32 $0xFFFFFEF7, lr;
	s5 =	simm.s32 $0xFFFFFFFF;
	p2 =	slt.u32 s8, $0xFFFFF086  }
0x1c: {  	p1 =	slt.u32 s9, $0xF7A;
	s5 =	simm.s32 @!p2 $0x0  }
0x1d: {  	s5 =	simm.s32 @p1 $0x1;
	p0 =	seq.s32 s7, s2  }
0x1e: {  	s7 =	smul.u32 @!p0 $0xF7A, s2;
	p2 =	seq.s32 @!p0 s5, $0x0  }
0x1f: {  	s9 =	smul.u32 $0xF7A, s1;
	s8 =	simm.s32 @!p0 $0x1BF5;
	p2 =	por !p2, p0  }
0x20: {  	[sflag:s8] =	ssyncset.s32 @!p0 $0xFFFFF086;
	s6 =	sadd.s32 @!p0 s3, s7;
	s7 =	simm.s32 @!p0 $0x108  }
0x21: {  	s3 =	sadd.s32 s3, s9;
	s6 =	sadd.s32 @!p0 $0x88, s6;
	s7 =	simm.s32 @p2 $0x1082  }
0x22: {  	[simem:s7], [sflag:s8] =	dma.local @!p0 [hbm:s6], $0xF7A  }
0x23: {  	s9 =	sor.u32 $0xD0000000, s2;
	s6 =	simm.s32 $0x108;
	_ =	swait.ge @!p0 [sflag:s8], $0x0  }
0x24: {  	s3 =	sadd.s32 $0x88, s3;
	s6 =	simm.s32 @!p1 $0x1082;
	[sflag:s4] =	ssyncset.s32 $0xFFFFF086  }
0x25: {  	[simem:s6], [sflag:s4] =	dma.local [hbm:s3], $0xF7A  }
0x26: {  	[smem:$0x3F9B] =	sst s1;
	(tag) =	ssettag s2;
	_ =	strace s9  }
0x27: {  	s1 =	sld [smem:$0x3FAB]  }
0x28: {  	s2 =	sld [smem:$0x3FAC]  }
0x29: {  	s4 =	sld [smem:$0x3FAE]  }
0x2a: {  	p0 =	seq.s32 s5, $0x0;
	s5 =	sld [smem:$0x3FAF]  }
0x2b: {  	s6 =	sld [smem:$0x3FB0]  }
0x2c: {  	s7 =	sld [smem:$0x3FB1]  }
0x2d: {  	s3 =	simm.s32 $0x108;
	s8 =	sld [smem:$0x3FB2]  }
0x2e: {  	s3 =	simm.s32 @!p0 $0x1082;
	s9 =	sld [smem:$0x3FB3]  }
0x2f: {  	lr =	sadd.s32 s0, s3;
	s0 =	sld [smem:$0x3FAA]  }
0x30: {  	s3 =	sld [smem:$0x3FAD]  }
0x31: {  	[smem:$0x3FB6] =	sst s10  }
0x32: {  	s10 =	sld [smem:$0x3FB4];
	_ =	sdelay $0x3  }
0x33: {  	p0 =	seq.s32 s10, $0x1;
	s10 =	sld [smem:$0x3FB6];
	_ =	sdelay $0x3  }
0x34: {  	[smem:$0x3FB6] =	sst s10  }
0x35: {  	s10 =	sld [smem:$0x3FB5];
	_ =	sdelay $0x3  }
0x36: {  	p1 =	seq.s32 s10, $0x1;
	s10 =	sld [smem:$0x3FB6];
	_ =	sdelay $0x3  }
0x37: {  	[smem:$0x3FB6] =	sst s10  }
0x38: {  	s10 =	sld [smem:$0x3FB7]  }
0x39: {  	_ = 	snop;
	(pc) =	sbr.ind lr, $3  }
0x3a: {  	_ = 	snop  }
0x3b: {  	_ = 	snop  }
0x3c: {  	p2 =	seq.s32 s10, $0x1;
	s10 =	sld [smem:$0x3FB6]  }
0x3d: {  	_ =	shalt  }
0x3e: {  	_ =	shalt  }
0x3f: {  	_ =	shalt  }
0x40: {  	_ =	shalt  }
0x41: {  	_ =	shalt  }
0x42: {  	_ =	shalt  }
0x43: {  	_ =	shalt  }
0x44: {  	_ =	shalt  }
0x45: {  	_ =	shalt  }
0x46: {  	_ =	shalt  }
0x47: {  	_ =	shalt  }
0x48: {  	_ =	shalt  }
0x49: {  	_ =	shalt  }
0x4a: {  	_ =	shalt  }
0x4b: {  	_ =	shalt  }
0x4c: {  	_ =	shalt  }
0x4d: {  	_ =	shalt  }
0x4e: {  	_ =	shalt  }
0x4f: {  	_ =	shalt  }
0x50: {  	_ =	shalt  }
0x51: {  	_ =	shalt  }
0x52: {  	_ =	shalt  }
0x53: {  	_ =	shalt  }
0x54: {  	_ =	shalt  }
0x55: {  	_ =	shalt  }
0x56: {  	_ =	shalt  }
0x57: {  	_ =	shalt  }
0x58: {  	_ =	shalt  }
0x59: {  	_ =	shalt  }
0x5a: {  	_ =	shalt  }
0x5b: {  	_ =	shalt  }
0x5c: {  	_ =	shalt  }
0x5d: {  	_ =	shalt  }
0x5e: {  	_ =	shalt  }
0x5f: {  	_ =	shalt  }
0x60: {  	_ =	shalt  }
0x61: {  	_ =	shalt  }
0x62: {  	_ =	shalt  }
0x63: {  	_ =	shalt  }
0x64: {  	_ =	shalt  }
0x65: {  	_ =	shalt  }
0x66: {  	_ =	shalt  }
0x67: {  	_ =	shalt  }
0x68: {  	_ =	shalt  }
0x69: {  	_ =	shalt  }
0x6a: {  	_ =	shalt  }
0x6b: {  	_ =	shalt  }
0x6c: {  	_ =	shalt  }
0x6d: {  	_ =	shalt  }
0x6e: {  	_ =	shalt  }
0x6f: {  	_ =	shalt  }
0x70: {  	_ =	shalt  }
0x71: {  	_ =	shalt  }
0x72: {  	_ =	shalt  }
0x73: {  	_ =	shalt  }
0x74: {  	_ =	shalt  }
0x75: {  	_ =	shalt  }
0x76: {  	_ =	shalt  }
0x77: {  	_ =	shalt  }
0x78: {  	_ =	shalt  }
0x79: {  	_ =	shalt  }
0x7a: {  	_ =	shalt  }
0x7b: {  	_ =	shalt  }
0x7c: {  	_ =	shalt  }
0x7d: {  	_ =	shalt  }
0x7e: {  	_ =	shalt  }
0x7f: {  	_ =	shalt  }
0x80: {  	_ =	shalt  }
0x81: {  	_ =	shalt  }
0x82: {  	_ =	shalt  }
0x83: {  	_ =	shalt  }
0x84: {  	_ =	shalt  }
0x85: {  	_ =	shalt  }
0x86: {  	_ =	shalt  }
0x87: {  	_ =	shalt  }
.Lfunc_end0:
.L_simem_size_0:
called_computation.3_lowered:
.L_overlay_start_0:
0x88: {  	s2 =	sld [smem:$0x3FD9]  }
0x89: {  	s3 =	sld [smem:$0x3FFE];
	_ =	sdelay $0x1  }
0x8a: {  	s1 =	srdreg.scid  }
0x8b: {  	s0 =	sand.u32 $0x1, s1  }
0x8c: {  	s17 =	sshll.u32 s0, $0xA;
	s2 =	sadd.s32 s3, s2  }
0x8d: {  	s2 =	sadd.s32 s2, s17  }
0x8e: {  	[smem:$0x3FC2] =	sst s2  }
0x8f: {  	_ = 	snop  }
0x90: {  	s18 =	sld [smem:$0x3FC7];
	(tm) =	ssettm $0x1  }
0x91: {  	s19 =	sld [smem:$0x3FFB];
	_ =	sdelay $0x3  }
0x92: {  	_ =	strace s19  }
0x93: {  	s2 =	sld [smem:$0x3FFC];
	_ =	sdelay $0x3  }
0x94: {  	_ =	strace s2  }
0x95: {  	s2 =	sld [smem:$0x3FFD];
	_ =	sdelay $0x3  }
0x96: {  	_ =	strace s2  }
0x97: {  	_ =	strace $0x8FFFFFFF  }
0x98: {  	s20 =	sld [smem:$0x3FDB];
	_ =	sdelay $0x1  }
0x99: {  	s4 =	simm.s32 $_scs_section_size  }
0x9a: {  	s5 =	simm.s32 $_size__tile_overlayer_lowered;
	s6 =	simm.s32 $_tile_overlayer_lowered  }
0x9b: {  	s7 =	simm.s32 $0x1BFF;
	s21 =	sshll.u32 s6, $0x1;
	s4 =	sadd.s32 s4, s20  }
0x9c: {  	s22 =	simm.s32 $0x0;
	s5 =	sshll.u32 s5, $0x1;
	s6 =	sadd.s32 s21, s4  }
0x9d: {  	[timem:s22], [sflag:s7] =	dma.local [hbm:s6], s5  }
0x9e: {  	_ =	swait.ge [sflag:s7], s5  }
0x9f: {  	s5 =	ssub.s32 $0x0, s5;
	[sflag:s7] =	ssyncset.done $0x0  }
0xa0: {  	[sflag:s7] =	ssyncadd.s32 s5;
	_ =	sdelay $0x1  }
0xa1: {  	s23 =	simm.s32 $0x1B8B  }
0xa2: {  	_ =	swait.ge [sflag:s23], $0x1  }
0xa3: {  	[sflag:s23] =	ssyncset.done $0x0  }
0xa4: {  	[sflag:s23] =	ssyncadd.s32 $0xFFFFFFFF  }
0xa5: {  	s5 =	sld [smem:$0x0]  }
0xa6: {  	s6 =	sand.u32 $0xFFFFFFFE, s1  }
0xa7: {  	p0 =	sne.s32 s1, s6  }
0xa8: {  	s6 =	sshll.u32 @p0 s6, $0xE  }
0xa9: {  	s6 =	sadd.s32 @p0 $0x11B8D, s6;
	s7 =	sshll.u32 @p0 s5, $0x11  }
0xaa: {  	s6 =	sor.u32 @p0 s7, s6  }
0xab: {  	[sflag:s6] =	ssyncadd.remote.s32 @p0 $0x1;
	_ =	sdelay $0x1  }
0xac: {  	s6 =	simm.s32 @p0 $0x1B8D  }
0xad: {  	_ =	swait.eq @p0 [sflag:s6], $0x1  }
0xae: {  	[sflag:s6] =	ssyncadd.s32 @p0 $0xFFFFFFFF  }
0xaf: {  	s7 =	sshll.u32 @!p0 s1, $0xE  }
0xb0: {  	s7 =	sor.u32 @!p0 $0x4000, s7;
	s6 =	simm.s32 @!p0 $0x1B8D  }
0xb1: {  	s5 =	sshll.u32 @!p0 s5, $0x11;
	s7 =	sadd.s32 @!p0 $0x11B8D, s7;
	_ =	swait.eq @!p0 [sflag:s6], $0x1  }
0xb2: {  	s5 =	sor.u32 @!p0 s5, s7;
	[sflag:s6] =	ssyncadd.s32 @!p0 $0xFFFFFFFF  }
0xb3: {  	s25 =	simm.s32 $0x1B8E;
	s24 =	sld [smem:$0x3FFE];
	[sflag:s5] =	ssyncadd.remote.s32 @!p0 $0x1  }
0xb4: {  	s26 =	simm.s32 $execute0_lowered;
	[smem:$0x3FD2] =	sst s25  }
0xb5: {  	s6 =	sshll.u32 s26, $0x1;
	_ =	strace $0x8000004F;
	[dreg:$0x1] =	wrdreg $0xFFFFFFFF  }
0xb6: {  	s28 =	simm.s32 $_size_execute0_lowered;
	s4 =	sadd.s32 s4, s6;
	[dreg:$0x0] =	wrdreg $0x0  }
0xb7: {  	s6 =	sshll.u32 s28, $0x1;
	[dreg:$0x2] =	wrdreg s4  }
0xb8: {  	[dreg:$0x3] =	wrdreg s6  }
0xb9: {  	[dreg:$0x4] =	wrdreg $0xC0  }
0xba: {  	_ =	task [dreg:s22], $0x5FFFF  }
0xbb: {  	[dreg:$0x1] =	wrdreg $0xFFFFFFFF  }
0xbc: {  	[dreg:$0x0] =	wrdreg $0x60  }
0xbd: {  	[dreg:$0x2] =	wrdreg s18  }
0xbe: {  	[dreg:$0x3] =	wrdreg s24  }
0xbf: {  	[dreg:$0x4] =	wrdreg $0xC  }
0xc0: {  	_ =	task.clear_ibuf [dreg:s22], $0x5FFFF;
	_ =	strace $0x9000004F  }
0xc1: {  	s29 =	simm.s32 $0xC;
	_ =	strace $0x80000051  }
0xc2: {  	_ =	swait.ge [sflag:s29], $0x1  }
0xc3: {  	[sflag:s29] =	ssyncadd.s32 $0xFFFFFFFF  }
0xc4: {  	_ =	strace $0x90000051  }
0xc5: {  	_ =	sfence  }
0xc6: {  	s30 =	sld [smem:$0x0];
	_ =	sdelay $0x2  }
0xc7: {  	s31 =	sshll.u32 s1, $0xD;
	s1 =	sshrl.u32 s1, $0x2  }
0xc8: {  	s4 =	sand.u32 $0x4000, s31;
	s1 =	sadd.s32 s1, s30  }
0xc9: {  	s0 =	sor.u32 s4, s0;
	s1 =	sshll.u32 s1, $0x11  }
0xca: {  	s0 =	sor.u32 s1, s0  }
0xcb: {  	s0 =	sadd.s32 $0x8F2B, s0  }
0xcc: {  	[sflag:s0] =	ssyncadd.remote.s32 $0x1  }
0xcd: {  	_ =	sfence.sel $0xFFFF  }
0xce: {  	[dreg:$0x0] =	wrdreg $0xFFFFFFFF;
	(pc) =	sbr.abs _section_cstart, $3  }
0xcf: {  	[dreg:$0x1] =	wrdreg $0xFFFFFFFF  }
0xd0: {  	_ =	task.clear_ibuf [dreg:s22], $0x2FFFF;
	_ =	strace $0x9FFFFFFF  }
0xd1: {  	(tm) =	ssettm $0x7FFFFFFF  }
tec
execute0_lowered:
.L_overlay_start_1:
0x0: {  	(tag) =	ssettag $0x1  }
0x1: {  	s2 =	rddreg [dreg:$0x0]  }
0x2: {  	s1 =	srdreg.scid;
	s0 =	stileid.u32  }
0x3: {  	s4 =	rddreg [dreg:$0x1];
	s3 =	simm.s32 $0x0;
	s13 =	simm.s32 $0x5400  }
0x4: {  	s14 =	simm.s32 $0x1;
	s15 =	simm.s32 $0x100;
	s16 =	simm.s32 $0x9400  }
0x5: {  	s17 =	simm.s32 $0x180;
	s18 =	simm.s32 $0xD400;
	s19 =	simm.s32 $0x2  }
0x6: {  	s20 =	simm.s32 $0x3;
	s21 =	simm.s32 $0x200;
	s22 =	simm.s32 $0x280  }
0x7: {  	s23 =	simm.s32 $0x4;
	s24 =	simm.s32 $0x0;
	s5 =	sand.u32 $0x1, s1  }
0x8: {  	s6 =	sshll.u32 s0, $0x1;
	s1 =	rddreg [dreg:$0x2];
	s9 =	smul.u32 $0x140000, s0  }
0x9: {  	[smem:$0x7FF] =	sst s3;
	s6 =	sor.u32 s5, s6;
	s11 =	smul.u32 $0xA0000, s5  }
0xa: {  	s12 =	sadd.s32 $0x796600, s4;
	s8 =	ssub.s32 $0x2, s5;
	s7 =	smul.u32 $0x280, s6  }
0xb: {  	_ =	strace $0x80000050;
	s10 =	sshrl.u32 s8, $0x1;
	s6 =	smul.u32 $0xA0000, s6  }
0xc: {  	s28 =	ssub.s32 s8, s10;
	s29 =	sadd.s32 s11, s9;
	s10 =	simm.s32 $0x5  }
.Ltmp0:
0xd: {  	s11 =	simm.s32 $0x80;
	s7 =	sadd.s32 s7, s4;
	(pc) =	sbr.rel .LBB2_1-.Ltmp0, $4  }
0xe: {  	s5 =	smax.u32 s28, $0x1;
	s6 =	sshrl.u32 s6, $0x3;
	s30 =	sor.u32 $0x10000, s29  }
0xf: {  	s4 =	sadd.s32 $0xC600, s7;
	s7 =	sor.u32 $0x18000, s29;
	s6 =	sadd.s32 s12, s6  }
0x10: {  	s8 =	sshrl.u32 s30, $0x3;
	s31 =	sshrl.u32 s7, $0x3;
	s7 =	sadd.s32 $0x1000, s6  }
0x11: {  	s8 =	sadd.s32 s8, s12;
	s9 =	sadd.s32 s31, s12;
	s12 =	simm.s32 $0x1400  }
.LBB2_4:
0x12: {  	s24 =	sadd.s32 $0x1, s24  }
0x13: {  	p0 =	sne.s32 s24, s5  }
.Ltmp1:
0x14: {  	_ = 	snop;
	(pc) =	sbr.rel @!p0 .LBB2_5-.Ltmp1, $4  }
0x15: {  	_ = 	snop  }
0x16: {  	_ =	swait.ge [sflag:s23], $0x8000  }
0x17: {  	[sflag:s23] =	ssyncset.done $0x0  }
0x18: {  	[sflag:s23] =	ssyncadd.s32 $0xFFFF8000  }
.LBB2_1:
0x19: {  	[tilespmem:s3], [sflag:$0x5] =	stream.linear.gather [hbm4b:s4+s3], $0x1400, $0x38;
	[tilespmem:$0x11400] =	vst v63  }
0x1a: {  	_ =	swait.ge [sflag:s10], $0x1400  }
0x1b: {  	[sflag:s10] =	ssyncset.done $0x0  }
0x1c: {  	[sflag:s10] =	ssyncadd.s32 $0xFFFFEC00  }
0x1d: {  	[tilespmem:s12], [sflag:$0x1] =	stream.indirect.gather [hbm4b:s2+s11], $0x80, s3, s11, $0xb8;
	[tilespmem:$0x11400] =	vst v63  }
0x1e: {  	_ = 	snop  }
0x1f: {  	[tilespmem:s13], [sflag:$0x1] =	stream.indirect.gather [hbm4b:s2+s11], $0x80, s11, s11, $0xb8;
	[tilespmem:$0x11400] =	vst v63  }
0x20: {  	_ =	swait.ge [sflag:s14], $0x8000  }
0x21: {  	[sflag:s14] =	ssyncset.done $0x0  }
0x22: {  	[sflag:s14] =	ssyncadd.s32 $0xFFFF8000  }
0x23: {  	[hbm4b:s6+s3] =	stream.linear.scatter [tilespmem:s12], [sflag:$0x3], $0x8000, $0x38;
	[tilespmem:$0x11400] =	vst v63  }
0x24: {  	_ = 	snop  }
0x25: {  	[tilespmem:s16], [sflag:$0x2] =	stream.indirect.gather [hbm4b:s2+s11], $0x80, s15, s11, $0xb8;
	[tilespmem:$0x11400] =	vst v63  }
0x26: {  	_ = 	snop  }
0x27: {  	[tilespmem:s18], [sflag:$0x2] =	stream.indirect.gather [hbm4b:s2+s11], $0x80, s17, s11, $0xb8;
	[tilespmem:$0x11400] =	vst v63  }
0x28: {  	_ =	swait.ge [sflag:s19], $0x8000  }
0x29: {  	[sflag:s19] =	ssyncset.done $0x0  }
0x2a: {  	[sflag:s19] =	ssyncadd.s32 $0xFFFF8000  }
0x2b: {  	[hbm4b:s7+s3] =	stream.linear.scatter [tilespmem:s16], [sflag:$0x4], $0x8000, $0x38;
	[tilespmem:$0x11400] =	vst v63  }
0x2c: {  	_ =	swait.ge [sflag:s20], $0x8000  }
0x2d: {  	[sflag:s20] =	ssyncset.done $0x0  }
0x2e: {  	[sflag:s20] =	ssyncadd.s32 $0xFFFF8000  }
0x2f: {  	[tilespmem:s12], [sflag:$0x1] =	stream.indirect.gather [hbm4b:s2+s11], $0x80, s21, s11, $0xb8;
	[tilespmem:$0x11400] =	vst v63  }
0x30: {  	s25 =	smov.u32 s9;
	s26 =	smov.u32 s8;
	s28 =	simm.s32 $0x0  }
0x31: {  	[tilespmem:s13], [sflag:$0x1] =	stream.indirect.gather [hbm4b:s2+s11], $0x80, s22, s11, $0xb8;
	[tilespmem:$0x11400] =	vst v63  }
.LBB2_2:
0x32: {  	_ =	swait.ge [sflag:s14], $0x8000  }
0x33: {  	[sflag:s14] =	ssyncset.done $0x0  }
0x34: {  	[sflag:s14] =	ssyncadd.s32 $0xFFFF8000  }
0x35: {  	[hbm4b:s26+s3] =	stream.linear.scatter [tilespmem:s12], [sflag:$0x3], $0x8000, $0x38;
	[tilespmem:$0x11400] =	vst v63  }
0x36: {  	_ =	swait.ge [sflag:s23], $0x8000  }
0x37: {  	s29 =	sshra.s32 s28, $0x2;
	[sflag:s23] =	ssyncset.done $0x0  }
0x38: {  	s30 =	sadd.s32 $0x300, s29;
	[sflag:s23] =	ssyncadd.s32 $0xFFFF8000  }
0x39: {  	[tilespmem:s16], [sflag:$0x2] =	stream.indirect.gather [hbm4b:s2+s11], $0x80, s30, s11, $0xb8;
	[tilespmem:$0x11400] =	vst v63  }
0x3a: {  	s31 =	sadd.s32 $0x380, s29  }
0x3b: {  	[tilespmem:s18], [sflag:$0x2] =	stream.indirect.gather [hbm4b:s2+s11], $0x80, s31, s11, $0xb8;
	[tilespmem:$0x11400] =	vst v63  }
0x3c: {  	_ =	swait.ge [sflag:s19], $0x8000  }
0x3d: {  	p0 =	seq.s32 s28, $0x4000;
	[sflag:s19] =	ssyncset.done $0x0  }
.Ltmp2:
0x3e: {  	[sflag:s19] =	ssyncadd.s32 $0xFFFF8000;
	(pc) =	sbr.rel @p0 .LBB2_4-.Ltmp2, $4  }
0x3f: {  	[hbm4b:s25+s3] =	stream.linear.scatter [tilespmem:s16], [sflag:$0x4], $0x8000, $0x38;
	[tilespmem:$0x11400] =	vst v63  }
0x40: {  	_ =	swait.ge [sflag:s20], $0x8000  }
0x41: {  	[sflag:s20] =	ssyncset.done $0x0  }
0x42: {  	[sflag:s20] =	ssyncadd.s32 $0xFFFF8000  }
.Ltmp3:
0x43: {  	(pc) =	sbr.rel .LBB2_2-.Ltmp3, $4  }
0x44: {  	s30 =	sadd.s32 $0x400, s29;
	s31 =	sadd.s32 $0x480, s29  }
0x45: {  	[tilespmem:s12], [sflag:$0x1] =	stream.indirect.gather [hbm4b:s2+s11], $0x80, s30, s11, $0xb8;
	[tilespmem:$0x11400] =	vst v63  }
0x46: {  	s28 =	sadd.s32 $0x800, s28;
	s26 =	sadd.s32 $0x2000, s26;
	s25 =	sadd.s32 $0x2000, s25  }
0x47: {  	[tilespmem:s13], [sflag:$0x1] =	stream.indirect.gather [hbm4b:s2+s11], $0x80, s31, s11, $0xb8;
	[tilespmem:$0x11400] =	vst v63  }
.LBB2_5:
0x48: {  	_ =	sfence.sel $0x180000  }
0x49: {  	[bflag:$0x0] =	sbarrier.arrive $0xFFFF  }
0x4a: {  	p0 =	sne.s32 s0, $0x0;
	_ =	strace $0x90000050  }
0x4b: {  	s0 =	sadd.s32 @!p0 $0x100000, s1;
	[bflag:$0x2] =	sbarrier.arrive $0xFFFF  }
0x4c: {  	[sflag:s0] =	ssyncadd.tile.s32 @!p0 $0x1;
	_ =	shalt  }
.Lfunc_end2:
_tile_overlayer_lowered:
.L_overlay_start_2:
0x4d: {  	(tag) =	ssettag $0x2  }
0x4e: {  	s0 =	rddreg [dreg:$0x0];
	s2 =	stileid.u32  }
0x4f: {  	s1 =	rddreg [dreg:$0x1];
	p0 =	sne.s32 s2, $0x0  }
0x50: {  	s3 =	rddreg [dreg:$0x2];
	[bflag:$0x3] =	sbarrier.arrive $0xFFFF;
	s2 =	simm.s32 @!p0 $0x1C05  }
0x51: {  	[timem:s3], [sflag:s2] =	dma.local @!p0 [hbm:s0], s1  }
0x52: {  	s0 =	simm.s32 @!p0 $0x5  }
0x53: {  	_ =	swait.ge @!p0 [sflag:s0], s1  }
0x54: {  	s1 =	ssub.s32 @!p0 $0x0, s1;
	[sflag:s0] =	ssyncset.done @!p0 $0x0  }
0x55: {  	[sflag:s0] =	ssyncadd.s32 @!p0 s1  }
0x56: {  	[bflag:$0x3] =	sbarrier.arrive $0xFFFF  }
0x57: {  	_ =	shalt  }

// kernel: kernel.24.cloned.1.call-start
scs
__scs_entry_jumppad:
0x0: {  	(pc) =	sbr.rel $0x88, $3  }
0x1: {  	(tag) =	ssettag $0x0;
	lr =	simm.s32 $0x1  }
0x2: {  	[smem:$0x3F9B] =	sst lr;
	_ =	strace $0xD0000000  }
0x3: {  	_ = 	snop  }
0x4: {  	_ = 	snop  }
0x5: {  	_ = 	snop  }
0x6: {  	_ = 	snop  }
0x7: {  	_ = 	snop  }
__scs_overlays_trampoline_lowered:
0x8: {  	[smem:$0x3FAA] =	sst s0  }
0x9: {  	[smem:$0x3FAB] =	sst s1  }
0xa: {  	[smem:$0x3FAC] =	sst s2  }
0xb: {  	[smem:$0x3FAD] =	sst s3  }
0xc: {  	[smem:$0x3FAE] =	sst s4  }
0xd: {  	[smem:$0x3FAF] =	sst s5  }
0xe: {  	[smem:$0x3FB0] =	sst s6  }
0xf: {  	[smem:$0x3FB1] =	sst s7  }
0x10: {  	[smem:$0x3FB2] =	sst s8  }
0x11: {  	[smem:$0x3FB3] =	sst s9;
	s0 =	simm.s32 @!p0 $0x0  }
0x12: {  	s1 =	sld [smem:$0x3F99];
	s0 =	simm.s32 @p0 $0x1  }
0x13: {  	[smem:$0x3FB4] =	sst s0;
	s0 =	simm.s32 @!p1 $0x0  }
0x14: {  	s2 =	sld [smem:$0x3F98];
	s0 =	simm.s32 @p1 $0x1  }
0x15: {  	[smem:$0x3FB5] =	sst s0;
	s0 =	simm.s32 @!p2 $0x0  }
0x16: {  	s3 =	sld [smem:$0x3FDB];
	s0 =	simm.s32 @p2 $0x1  }
0x17: {  	s4 =	simm.s32 $0x1BF5;
	[smem:$0x3FB7] =	sst s0  }
0x18: {  	s0 =	sld [smem:$0x3F9A];
	_ =	swait.ge [sflag:s4], $0x0  }
0x19: {  	s7 =	sld [smem:$0x3F9B]  }
0x1a: {  	s8 =	sadd.s32 $0xFFFFE003, lr  }
0x1b: {  	s9 =	sadd.s32 $0xFFFFFEF7, lr;
	s5 =	simm.s32 $0xFFFFFFFF;
	p2 =	slt.u32 s8, $0xFFFFF086  }
0x1c: {  	p1 =	slt.u32 s9, $0xF7A;
	s5 =	simm.s32 @!p2 $0x0  }
0x1d: {  	s5 =	simm.s32 @p1 $0x1;
	p0 =	seq.s32 s7, s2  }
0x1e: {  	s7 =	smul.u32 @!p0 $0xF7A, s2;
	p2 =	seq.s32 @!p0 s5, $0x0  }
0x1f: {  	s9 =	smul.u32 $0xF7A, s1;
	s8 =	simm.s32 @!p0 $0x1BF5;
	p2 =	por !p2, p0  }
0x20: {  	[sflag:s8] =	ssyncset.s32 @!p0 $0xFFFFF086;
	s6 =	sadd.s32 @!p0 s3, s7;
	s7 =	simm.s32 @!p0 $0x108  }
0x21: {  	s3 =	sadd.s32 s3, s9;
	s6 =	sadd.s32 @!p0 $0x88, s6;
	s7 =	simm.s32 @p2 $0x1082  }
0x22: {  	[simem:s7], [sflag:s8] =	dma.local @!p0 [hbm:s6], $0xF7A  }
0x23: {  	s9 =	sor.u32 $0xD0000000, s2;
	s6 =	simm.s32 $0x108;
	_ =	swait.ge @!p0 [sflag:s8], $0x0  }
0x24: {  	s3 =	sadd.s32 $0x88, s3;
	s6 =	simm.s32 @!p1 $0x1082;
	[sflag:s4] =	ssyncset.s32 $0xFFFFF086  }
0x25: {  	[simem:s6], [sflag:s4] =	dma.local [hbm:s3], $0xF7A  }
0x26: {  	[smem:$0x3F9B] =	sst s1;
	(tag) =	ssettag s2;
	_ =	strace s9  }
0x27: {  	s1 =	sld [smem:$0x3FAB]  }
0x28: {  	s2 =	sld [smem:$0x3FAC]  }
0x29: {  	s4 =	sld [smem:$0x3FAE]  }
0x2a: {  	p0 =	seq.s32 s5, $0x0;
	s5 =	sld [smem:$0x3FAF]  }
0x2b: {  	s6 =	sld [smem:$0x3FB0]  }
0x2c: {  	s7 =	sld [smem:$0x3FB1]  }
0x2d: {  	s3 =	simm.s32 $0x108;
	s8 =	sld [smem:$0x3FB2]  }
0x2e: {  	s3 =	simm.s32 @!p0 $0x1082;
	s9 =	sld [smem:$0x3FB3]  }
0x2f: {  	lr =	sadd.s32 s0, s3;
	s0 =	sld [smem:$0x3FAA]  }
0x30: {  	s3 =	sld [smem:$0x3FAD]  }
0x31: {  	[smem:$0x3FB6] =	sst s10  }
0x32: {  	s10 =	sld [smem:$0x3FB4];
	_ =	sdelay $0x3  }
0x33: {  	p0 =	seq.s32 s10, $0x1;
	s10 =	sld [smem:$0x3FB6];
	_ =	sdelay $0x3  }
0x34: {  	[smem:$0x3FB6] =	sst s10  }
0x35: {  	s10 =	sld [smem:$0x3FB5];
	_ =	sdelay $0x3  }
0x36: {  	p1 =	seq.s32 s10, $0x1;
	s10 =	sld [smem:$0x3FB6];
	_ =	sdelay $0x3  }
0x37: {  	[smem:$0x3FB6] =	sst s10  }
0x38: {  	s10 =	sld [smem:$0x3FB7]  }
0x39: {  	_ = 	snop;
	(pc) =	sbr.ind lr, $3  }
0x3a: {  	_ = 	snop  }
0x3b: {  	_ = 	snop  }
0x3c: {  	p2 =	seq.s32 s10, $0x1;
	s10 =	sld [smem:$0x3FB6]  }
0x3d: {  	_ =	shalt  }
0x3e: {  	_ =	shalt  }
0x3f: {  	_ =	shalt  }
0x40: {  	_ =	shalt  }
0x41: {  	_ =	shalt  }
0x42: {  	_ =	shalt  }
0x43: {  	_ =	shalt  }
0x44: {  	_ =	shalt  }
0x45: {  	_ =	shalt  }
0x46: {  	_ =	shalt  }
0x47: {  	_ =	shalt  }
0x48: {  	_ =	shalt  }
0x49: {  	_ =	shalt  }
0x4a: {  	_ =	shalt  }
0x4b: {  	_ =	shalt  }
0x4c: {  	_ =	shalt  }
0x4d: {  	_ =	shalt  }
0x4e: {  	_ =	shalt  }
0x4f: {  	_ =	shalt  }
0x50: {  	_ =	shalt  }
0x51: {  	_ =	shalt  }
0x52: {  	_ =	shalt  }
0x53: {  	_ =	shalt  }
0x54: {  	_ =	shalt  }
0x55: {  	_ =	shalt  }
0x56: {  	_ =	shalt  }
0x57: {  	_ =	shalt  }
0x58: {  	_ =	shalt  }
0x59: {  	_ =	shalt  }
0x5a: {  	_ =	shalt  }
0x5b: {  	_ =	shalt  }
0x5c: {  	_ =	shalt  }
0x5d: {  	_ =	shalt  }
0x5e: {  	_ =	shalt  }
0x5f: {  	_ =	shalt  }
0x60: {  	_ =	shalt  }
0x61: {  	_ =	shalt  }
0x62: {  	_ =	shalt  }
0x63: {  	_ =	shalt  }
0x64: {  	_ =	shalt  }
0x65: {  	_ =	shalt  }
0x66: {  	_ =	shalt  }
0x67: {  	_ =	shalt  }
0x68: {  	_ =	shalt  }
0x69: {  	_ =	shalt  }
0x6a: {  	_ =	shalt  }
0x6b: {  	_ =	shalt  }
0x6c: {  	_ =	shalt  }
0x6d: {  	_ =	shalt  }
0x6e: {  	_ =	shalt  }
0x6f: {  	_ =	shalt  }
0x70: {  	_ =	shalt  }
0x71: {  	_ =	shalt  }
0x72: {  	_ =	shalt  }
0x73: {  	_ =	shalt  }
0x74: {  	_ =	shalt  }
0x75: {  	_ =	shalt  }
0x76: {  	_ =	shalt  }
0x77: {  	_ =	shalt  }
0x78: {  	_ =	shalt  }
0x79: {  	_ =	shalt  }
0x7a: {  	_ =	shalt  }
0x7b: {  	_ =	shalt  }
0x7c: {  	_ =	shalt  }
0x7d: {  	_ =	shalt  }
0x7e: {  	_ =	shalt  }
0x7f: {  	_ =	shalt  }
0x80: {  	_ =	shalt  }
0x81: {  	_ =	shalt  }
0x82: {  	_ =	shalt  }
0x83: {  	_ =	shalt  }
0x84: {  	_ =	shalt  }
0x85: {  	_ =	shalt  }
0x86: {  	_ =	shalt  }
0x87: {  	_ =	shalt  }
.Lfunc_end0:
.L_simem_size_0:
called_computation.4_lowered:
.L_overlay_start_0:
0x88: {  	s2 =	sld [smem:$0x3FD9]  }
0x89: {  	s3 =	sld [smem:$0x3FFE];
	_ =	sdelay $0x1  }
0x8a: {  	s1 =	srdreg.scid  }
0x8b: {  	s0 =	sand.u32 $0x1, s1  }
0x8c: {  	s17 =	sshll.u32 s0, $0xA;
	s2 =	sadd.s32 s3, s2  }
0x8d: {  	s2 =	sadd.s32 s2, s17  }
0x8e: {  	[smem:$0x3FC2] =	sst s2  }
0x8f: {  	_ = 	snop  }
0x90: {  	s18 =	sld [smem:$0x3FC7];
	(tm) =	ssettm $0x1  }
0x91: {  	s19 =	sld [smem:$0x3FFB];
	_ =	sdelay $0x3  }
0x92: {  	_ =	strace s19  }
0x93: {  	s2 =	sld [smem:$0x3FFC];
	_ =	sdelay $0x3  }
0x94: {  	_ =	strace s2  }
0x95: {  	s2 =	sld [smem:$0x3FFD];
	_ =	sdelay $0x3  }
0x96: {  	_ =	strace s2  }
0x97: {  	_ =	strace $0x8FFFFFFF  }
0x98: {  	s20 =	sld [smem:$0x3FDB];
	_ =	sdelay $0x1  }
0x99: {  	s4 =	simm.s32 $_scs_section_size  }
0x9a: {  	s5 =	simm.s32 $_size__tile_overlayer_lowered;
	s6 =	simm.s32 $_tile_overlayer_lowered  }
0x9b: {  	s7 =	simm.s32 $0x1BFF;
	s21 =	sshll.u32 s6, $0x1;
	s4 =	sadd.s32 s4, s20  }
0x9c: {  	s22 =	simm.s32 $0x0;
	s5 =	sshll.u32 s5, $0x1;
	s6 =	sadd.s32 s21, s4  }
0x9d: {  	[timem:s22], [sflag:s7] =	dma.local [hbm:s6], s5  }
0x9e: {  	_ =	swait.ge [sflag:s7], s5  }
0x9f: {  	s5 =	ssub.s32 $0x0, s5;
	[sflag:s7] =	ssyncset.done $0x0  }
0xa0: {  	[sflag:s7] =	ssyncadd.s32 s5;
	_ =	sdelay $0x1  }
0xa1: {  	s23 =	simm.s32 $0x1B8B  }
0xa2: {  	_ =	swait.ge [sflag:s23], $0x1  }
0xa3: {  	[sflag:s23] =	ssyncset.done $0x0  }
0xa4: {  	[sflag:s23] =	ssyncadd.s32 $0xFFFFFFFF  }
0xa5: {  	s5 =	sld [smem:$0x0]  }
0xa6: {  	s6 =	sand.u32 $0xFFFFFFFE, s1  }
0xa7: {  	p0 =	sne.s32 s1, s6  }
0xa8: {  	s6 =	sshll.u32 @p0 s6, $0xE  }
0xa9: {  	s6 =	sadd.s32 @p0 $0x11B8D, s6;
	s7 =	sshll.u32 @p0 s5, $0x11  }
0xaa: {  	s6 =	sor.u32 @p0 s7, s6  }
0xab: {  	[sflag:s6] =	ssyncadd.remote.s32 @p0 $0x1;
	_ =	sdelay $0x1  }
0xac: {  	s6 =	simm.s32 @p0 $0x1B8D  }
0xad: {  	_ =	swait.eq @p0 [sflag:s6], $0x1  }
0xae: {  	[sflag:s6] =	ssyncadd.s32 @p0 $0xFFFFFFFF  }
0xaf: {  	s7 =	sshll.u32 @!p0 s1, $0xE  }
0xb0: {  	s7 =	sor.u32 @!p0 $0x4000, s7;
	s6 =	simm.s32 @!p0 $0x1B8D  }
0xb1: {  	s5 =	sshll.u32 @!p0 s5, $0x11;
	s7 =	sadd.s32 @!p0 $0x11B8D, s7;
	_ =	swait.eq @!p0 [sflag:s6], $0x1  }
0xb2: {  	s5 =	sor.u32 @!p0 s5, s7;
	[sflag:s6] =	ssyncadd.s32 @!p0 $0xFFFFFFFF  }
0xb3: {  	s25 =	simm.s32 $0x1B8E;
	s24 =	sld [smem:$0x3FFE];
	[sflag:s5] =	ssyncadd.remote.s32 @!p0 $0x1  }
0xb4: {  	s26 =	simm.s32 $execute0_lowered;
	[smem:$0x3FD2] =	sst s25  }
0xb5: {  	s6 =	sshll.u32 s26, $0x1;
	_ =	strace $0x80000052;
	[dreg:$0x1] =	wrdreg $0xFFFFFFFF  }
0xb6: {  	s28 =	simm.s32 $_size_execute0_lowered;
	s4 =	sadd.s32 s4, s6;
	[dreg:$0x0] =	wrdreg $0x0  }
0xb7: {  	s6 =	sshll.u32 s28, $0x1;
	[dreg:$0x2] =	wrdreg s4  }
0xb8: {  	[dreg:$0x3] =	wrdreg s6  }
0xb9: {  	[dreg:$0x4] =	wrdreg $0xC0  }
0xba: {  	_ =	task [dreg:s22], $0x5FFFF  }
0xbb: {  	[dreg:$0x1] =	wrdreg $0xFFFFFFFF  }
0xbc: {  	[dreg:$0x0] =	wrdreg $0x60  }
0xbd: {  	[dreg:$0x2] =	wrdreg s18  }
0xbe: {  	[dreg:$0x3] =	wrdreg s24  }
0xbf: {  	[dreg:$0x4] =	wrdreg $0xD  }
0xc0: {  	_ =	task.clear_ibuf [dreg:s22], $0x5FFFF;
	_ =	strace $0x90000052  }
0xc1: {  	s29 =	simm.s32 $0xD;
	_ =	strace $0x80000054  }
0xc2: {  	_ =	swait.ge [sflag:s29], $0x1  }
0xc3: {  	[sflag:s29] =	ssyncadd.s32 $0xFFFFFFFF  }
0xc4: {  	_ =	strace $0x90000054  }
0xc5: {  	_ =	sfence  }
0xc6: {  	s30 =	sld [smem:$0x0];
	_ =	sdelay $0x2  }
0xc7: {  	s31 =	sshll.u32 s1, $0xD;
	s1 =	sshrl.u32 s1, $0x2  }
0xc8: {  	s4 =	sand.u32 $0x4000, s31;
	s1 =	sadd.s32 s1, s30  }
0xc9: {  	s0 =	sor.u32 s4, s0;
	s1 =	sshll.u32 s1, $0x11  }
0xca: {  	s0 =	sor.u32 s1, s0  }
0xcb: {  	s0 =	sadd.s32 $0x8F2B, s0  }
0xcc: {  	[sflag:s0] =	ssyncadd.remote.s32 $0x1  }
0xcd: {  	_ =	sfence.sel $0xFFFF  }
0xce: {  	[dreg:$0x0] =	wrdreg $0xFFFFFFFF;
	(pc) =	sbr.abs _section_cstart, $3  }
0xcf: {  	[dreg:$0x1] =	wrdreg $0xFFFFFFFF  }
0xd0: {  	_ =	task.clear_ibuf [dreg:s22], $0x2FFFF;
	_ =	strace $0x9FFFFFFF  }
0xd1: {  	(tm) =	ssettm $0x7FFFFFFF  }
tec
execute0_lowered:
.L_overlay_start_1:
0x0: {  	(tag) =	ssettag $0x1  }
0x1: {  	s2 =	rddreg [dreg:$0x0]  }
0x2: {  	s1 =	srdreg.scid;
	s0 =	stileid.u32  }
0x3: {  	s4 =	rddreg [dreg:$0x1];
	s3 =	simm.s32 $0x0;
	s13 =	simm.s32 $0x5400  }
0x4: {  	s14 =	simm.s32 $0x1;
	s15 =	simm.s32 $0x100;
	s16 =	simm.s32 $0x9400  }
0x5: {  	s17 =	simm.s32 $0x180;
	s18 =	simm.s32 $0xD400;
	s19 =	simm.s32 $0x2  }
0x6: {  	s20 =	simm.s32 $0x3;
	s21 =	simm.s32 $0x200;
	s22 =	simm.s32 $0x280  }
0x7: {  	s23 =	simm.s32 $0x4;
	s24 =	simm.s32 $0x0;
	s5 =	sand.u32 $0x1, s1  }
0x8: {  	s6 =	sshll.u32 s0, $0x1;
	s1 =	rddreg [dreg:$0x2];
	s9 =	smul.u32 $0x140000, s0  }
0x9: {  	[smem:$0x7FF] =	sst s3;
	s6 =	sor.u32 s5, s6;
	s11 =	smul.u32 $0xA0000, s5  }
0xa: {  	s12 =	sadd.s32 $0xA16600, s4;
	s8 =	ssub.s32 $0x2, s5;
	s7 =	smul.u32 $0x280, s6  }
0xb: {  	_ =	strace $0x80000053;
	s10 =	sshrl.u32 s8, $0x1;
	s6 =	smul.u32 $0xA0000, s6  }
0xc: {  	s28 =	ssub.s32 s8, s10;
	s29 =	sadd.s32 s11, s9;
	s10 =	simm.s32 $0x5  }
.Ltmp0:
0xd: {  	s11 =	simm.s32 $0x80;
	s7 =	sadd.s32 s7, s4;
	(pc) =	sbr.rel .LBB2_1-.Ltmp0, $4  }
0xe: {  	s5 =	smax.u32 s28, $0x1;
	s6 =	sshrl.u32 s6, $0x3;
	s30 =	sor.u32 $0x10000, s29  }
0xf: {  	s4 =	sadd.s32 $0x11600, s7;
	s7 =	sor.u32 $0x18000, s29;
	s6 =	sadd.s32 s12, s6  }
0x10: {  	s8 =	sshrl.u32 s30, $0x3;
	s31 =	sshrl.u32 s7, $0x3;
	s7 =	sadd.s32 $0x1000, s6  }
0x11: {  	s8 =	sadd.s32 s8, s12;
	s9 =	sadd.s32 s31, s12;
	s12 =	simm.s32 $0x1400  }
.LBB2_4:
0x12: {  	s24 =	sadd.s32 $0x1, s24  }
0x13: {  	p0 =	sne.s32 s24, s5  }
.Ltmp1:
0x14: {  	_ = 	snop;
	(pc) =	sbr.rel @!p0 .LBB2_5-.Ltmp1, $4  }
0x15: {  	_ = 	snop  }
0x16: {  	_ =	swait.ge [sflag:s23], $0x8000  }
0x17: {  	[sflag:s23] =	ssyncset.done $0x0  }
0x18: {  	[sflag:s23] =	ssyncadd.s32 $0xFFFF8000  }
.LBB2_1:
0x19: {  	[tilespmem:s3], [sflag:$0x5] =	stream.linear.gather [hbm4b:s4+s3], $0x1400, $0x38;
	[tilespmem:$0x11400] =	vst v63  }
0x1a: {  	_ =	swait.ge [sflag:s10], $0x1400  }
0x1b: {  	[sflag:s10] =	ssyncset.done $0x0  }
0x1c: {  	[sflag:s10] =	ssyncadd.s32 $0xFFFFEC00  }
0x1d: {  	[tilespmem:s12], [sflag:$0x1] =	stream.indirect.gather [hbm4b:s2+s11], $0x80, s3, s11, $0xb8;
	[tilespmem:$0x11400] =	vst v63  }
0x1e: {  	_ = 	snop  }
0x1f: {  	[tilespmem:s13], [sflag:$0x1] =	stream.indirect.gather [hbm4b:s2+s11], $0x80, s11, s11, $0xb8;
	[tilespmem:$0x11400] =	vst v63  }
0x20: {  	_ =	swait.ge [sflag:s14], $0x8000  }
0x21: {  	[sflag:s14] =	ssyncset.done $0x0  }
0x22: {  	[sflag:s14] =	ssyncadd.s32 $0xFFFF8000  }
0x23: {  	[hbm4b:s6+s3] =	stream.linear.scatter [tilespmem:s12], [sflag:$0x3], $0x8000, $0x38;
	[tilespmem:$0x11400] =	vst v63  }
0x24: {  	_ = 	snop  }
0x25: {  	[tilespmem:s16], [sflag:$0x2] =	stream.indirect.gather [hbm4b:s2+s11], $0x80, s15, s11, $0xb8;
	[tilespmem:$0x11400] =	vst v63  }
0x26: {  	_ = 	snop  }
0x27: {  	[tilespmem:s18], [sflag:$0x2] =	stream.indirect.gather [hbm4b:s2+s11], $0x80, s17, s11, $0xb8;
	[tilespmem:$0x11400] =	vst v63  }
0x28: {  	_ =	swait.ge [sflag:s19], $0x8000  }
0x29: {  	[sflag:s19] =	ssyncset.done $0x0  }
0x2a: {  	[sflag:s19] =	ssyncadd.s32 $0xFFFF8000  }
0x2b: {  	[hbm4b:s7+s3] =	stream.linear.scatter [tilespmem:s16], [sflag:$0x4], $0x8000, $0x38;
	[tilespmem:$0x11400] =	vst v63  }
0x2c: {  	_ =	swait.ge [sflag:s20], $0x8000  }
0x2d: {  	[sflag:s20] =	ssyncset.done $0x0  }
0x2e: {  	[sflag:s20] =	ssyncadd.s32 $0xFFFF8000  }
0x2f: {  	[tilespmem:s12], [sflag:$0x1] =	stream.indirect.gather [hbm4b:s2+s11], $0x80, s21, s11, $0xb8;
	[tilespmem:$0x11400] =	vst v63  }
0x30: {  	s25 =	smov.u32 s9;
	s26 =	smov.u32 s8;
	s28 =	simm.s32 $0x0  }
0x31: {  	[tilespmem:s13], [sflag:$0x1] =	stream.indirect.gather [hbm4b:s2+s11], $0x80, s22, s11, $0xb8;
	[tilespmem:$0x11400] =	vst v63  }
.LBB2_2:
0x32: {  	_ =	swait.ge [sflag:s14], $0x8000  }
0x33: {  	[sflag:s14] =	ssyncset.done $0x0  }
0x34: {  	[sflag:s14] =	ssyncadd.s32 $0xFFFF8000  }
0x35: {  	[hbm4b:s26+s3] =	stream.linear.scatter [tilespmem:s12], [sflag:$0x3], $0x8000, $0x38;
	[tilespmem:$0x11400] =	vst v63  }
0x36: {  	_ =	swait.ge [sflag:s23], $0x8000  }
0x37: {  	s29 =	sshra.s32 s28, $0x2;
	[sflag:s23] =	ssyncset.done $0x0  }
0x38: {  	s30 =	sadd.s32 $0x300, s29;
	[sflag:s23] =	ssyncadd.s32 $0xFFFF8000  }
0x39: {  	[tilespmem:s16], [sflag:$0x2] =	stream.indirect.gather [hbm4b:s2+s11], $0x80, s30, s11, $0xb8;
	[tilespmem:$0x11400] =	vst v63  }
0x3a: {  	s31 =	sadd.s32 $0x380, s29  }
0x3b: {  	[tilespmem:s18], [sflag:$0x2] =	stream.indirect.gather [hbm4b:s2+s11], $0x80, s31, s11, $0xb8;
	[tilespmem:$0x11400] =	vst v63  }
0x3c: {  	_ =	swait.ge [sflag:s19], $0x8000  }
0x3d: {  	p0 =	seq.s32 s28, $0x4000;
	[sflag:s19] =	ssyncset.done $0x0  }
.Ltmp2:
0x3e: {  	[sflag:s19] =	ssyncadd.s32 $0xFFFF8000;
	(pc) =	sbr.rel @p0 .LBB2_4-.Ltmp2, $4  }
0x3f: {  	[hbm4b:s25+s3] =	stream.linear.scatter [tilespmem:s16], [sflag:$0x4], $0x8000, $0x38;
	[tilespmem:$0x11400] =	vst v63  }
0x40: {  	_ =	swait.ge [sflag:s20], $0x8000  }
0x41: {  	[sflag:s20] =	ssyncset.done $0x0  }
0x42: {  	[sflag:s20] =	ssyncadd.s32 $0xFFFF8000  }
.Ltmp3:
0x43: {  	(pc) =	sbr.rel .LBB2_2-.Ltmp3, $4  }
0x44: {  	s30 =	sadd.s32 $0x400, s29;
	s31 =	sadd.s32 $0x480, s29  }
0x45: {  	[tilespmem:s12], [sflag:$0x1] =	stream.indirect.gather [hbm4b:s2+s11], $0x80, s30, s11, $0xb8;
	[tilespmem:$0x11400] =	vst v63  }
0x46: {  	s28 =	sadd.s32 $0x800, s28;
	s26 =	sadd.s32 $0x2000, s26;
	s25 =	sadd.s32 $0x2000, s25  }
0x47: {  	[tilespmem:s13], [sflag:$0x1] =	stream.indirect.gather [hbm4b:s2+s11], $0x80, s31, s11, $0xb8;
	[tilespmem:$0x11400] =	vst v63  }
.LBB2_5:
0x48: {  	_ =	sfence.sel $0x180000  }
0x49: {  	[bflag:$0x0] =	sbarrier.arrive $0xFFFF  }
0x4a: {  	p0 =	sne.s32 s0, $0x0;
	_ =	strace $0x90000053  }
0x4b: {  	s0 =	sadd.s32 @!p0 $0x100000, s1;
	[bflag:$0x2] =	sbarrier.arrive $0xFFFF  }
0x4c: {  	[sflag:s0] =	ssyncadd.tile.s32 @!p0 $0x1;
	_ =	shalt  }
.Lfunc_end2:
_tile_overlayer_lowered:
.L_overlay_start_2:
0x4d: {  	(tag) =	ssettag $0x2  }
0x4e: {  	s0 =	rddreg [dreg:$0x0];
	s2 =	stileid.u32  }
0x4f: {  	s1 =	rddreg [dreg:$0x1];
	p0 =	sne.s32 s2, $0x0  }
0x50: {  	s3 =	rddreg [dreg:$0x2];
	[bflag:$0x3] =	sbarrier.arrive $0xFFFF;
	s2 =	simm.s32 @!p0 $0x1C05  }
0x51: {  	[timem:s3], [sflag:s2] =	dma.local @!p0 [hbm:s0], s1  }
0x52: {  	s0 =	simm.s32 @!p0 $0x5  }
0x53: {  	_ =	swait.ge @!p0 [sflag:s0], s1  }
0x54: {  	s1 =	ssub.s32 @!p0 $0x0, s1;
	[sflag:s0] =	ssyncset.done @!p0 $0x0  }
0x55: {  	[sflag:s0] =	ssyncadd.s32 @!p0 s1  }
0x56: {  	[bflag:$0x3] =	sbarrier.arrive $0xFFFF  }
0x57: {  	_ =	shalt  }

</sc_bundles>
